<compile_context>
chip_gen: v7x
topology: tpu7x:2x2x1
jax: 0.10.2.dev20260603
libtpu: 0.0.44.dev20260713+nightly
codegen_flags: <defaults>
</compile_context>

<pallas_src>
import jax
import jax.numpy as jnp
from jax import lax
from jax.experimental import pallas as pl
from jax.experimental.pallas import tpu as pltpu
from jax.experimental.pallas import tpu_sc as plsc

N = 10000
D = 128
E = 320000

NC = 2
NS = 16
NW = NC * NS
E_PER_W = E // NW
BLK = 80
EDG = 80
NBLK = E_PER_W // EDG
NBLK_PAD = 128
ROWS_PER_SUB = 640
N_PAD = NS * ROWS_PER_SUB
INIT_CHUNKS = ROWS_PER_SUB // BLK
X_ZERO = N
DUMMY_ROW = N_PAD - 1


def _sc_body(x_hbm, e4_hbm, zrows_hbm, ones_hbm,
             pagg_hbm, pdeg_hbm,
             ib0, ib1, ib2, ib3, rows0, rows1, agg_sh,
             semg0, semg1, sems0, sems1, semi0, semi1, semi2, semi3):
    c = lax.axis_index("c")
    s = lax.axis_index("s")
    wid = s * NC + c
    r0 = s * ROWS_PER_SUB
    ibs = (ib0, ib1, ib2, ib3)
    semis = (semi0, semi1, semi2, semi3)

    def ib_load(j, blk):
        pltpu.async_copy(e4_hbm.at[wid, blk], ibs[j], semis[j])

    def ib_wait(j):
        pltpu.make_async_copy(e4_hbm.at[wid, 0], ibs[j], semis[j]).wait()

    def row_wait(rows, sem):
        pltpu.make_async_copy(zrows_hbm, rows, sem).wait()

    def zero_acc():
        pltpu.sync_copy(zrows_hbm, rows0)
        for k in range(INIT_CHUNKS):
            pltpu.sync_copy(rows0, agg_sh.at[pl.ds(r0 + k * BLK, BLK)])

    def write_out(out_hbm):
        for k in range(INIT_CHUNKS):
            row = r0 + k * BLK
            pltpu.sync_copy(agg_sh.at[pl.ds(row, BLK)], rows0)
            pltpu.sync_copy(rows0, out_hbm.at[c, pl.ds(row, BLK)])

    pltpu.sync_copy(ones_hbm, rows1)
    zero_acc()
    plsc.subcore_barrier()
    ib_load(0, 0)
    ib_load(1, 1)

    def deg_pair(p, carry):
        a = 2 * p
        ib_wait(0)
        pltpu.sync_copy(rows1, agg_sh.at[ib0.at[1]], add=True)
        ib_load(0, a + 2)
        ib_wait(1)
        pltpu.sync_copy(rows1, agg_sh.at[ib1.at[1]], add=True)
        ib_load(1, a + 3)
        return carry

    lax.fori_loop(0, NBLK // 2, deg_pair, 0)
    ib_wait(0)
    pltpu.sync_copy(rows1, agg_sh.at[ib0.at[1]], add=True)
    ib_wait(1)
    plsc.subcore_barrier()
    write_out(pdeg_hbm)
    zero_acc()
    plsc.subcore_barrier()

    for j in range(4):
        ib_load(j, j)
    ib_wait(0)
    pltpu.async_copy(x_hbm.at[ib0.at[0]], rows0, semg0)
    ib_wait(1)
    pltpu.async_copy(x_hbm.at[ib1.at[0]], rows1, semg1)

    def quad_body(q, carry):
        m = 4 * q
        for j in range(4):
            rows, semg = (rows0, semg0) if j % 2 == 0 else (rows1, semg1)
            jn = (j + 2) % 4
            row_wait(rows, semg)
            pltpu.sync_copy(rows, agg_sh.at[ibs[j].at[1]], add=True)
            ib_wait(jn)
            pltpu.async_copy(x_hbm.at[ibs[jn].at[0]], rows, semg)
            ib_load(j, m + j + 4)
        return carry

    lax.fori_loop(0, NBLK // 4, quad_body, 0)
    row_wait(rows0, semg0)
    pltpu.sync_copy(rows0, agg_sh.at[ib0.at[1]], add=True)
    row_wait(rows1, semg1)
    ib_wait(2)
    ib_wait(3)
    plsc.subcore_barrier()
    write_out(pagg_hbm)


_sc_scatter = pl.kernel(
    _sc_body,
    out_type=[
        jax.ShapeDtypeStruct((NC, N_PAD, D), jnp.float32),
        jax.ShapeDtypeStruct((NC, N_PAD, D), jnp.float32),
    ],
    mesh=plsc.VectorSubcoreMesh(core_axis_name="c", subcore_axis_name="s"),
    scratch_types=[
        pltpu.VMEM((2, BLK), jnp.int32),
        pltpu.VMEM((2, BLK), jnp.int32),
        pltpu.VMEM((2, BLK), jnp.int32),
        pltpu.VMEM((2, BLK), jnp.int32),
        pltpu.VMEM((BLK, D), jnp.float32),
        pltpu.VMEM((BLK, D), jnp.float32),
        pltpu.VMEM_SHARED((N_PAD, D), jnp.float32),
        pltpu.SemaphoreType.DMA,
        pltpu.SemaphoreType.DMA,
        pltpu.SemaphoreType.DMA,
        pltpu.SemaphoreType.DMA,
        pltpu.SemaphoreType.DMA,
        pltpu.SemaphoreType.DMA,
        pltpu.SemaphoreType.DMA,
        pltpu.SemaphoreType.DMA,
    ],
)


ROWS_PER_STEP = 1000
GRID = N // ROWS_PER_STEP


def _tc_body(pagg0, pagg1, pdeg0, pdeg1, x, wm, ws, out):
    i = pl.program_id(0)
    agg = pagg0[0] + pagg1[0]
    deg = pdeg0[0] + pdeg1[0]
    aggn = agg / jnp.maximum(deg, 1.0)
    h = jnp.dot(aggn, wm[...], preferred_element_type=jnp.float32)
    h = h + jnp.dot(x[...], ws[...], preferred_element_type=jnp.float32)
    h = jnp.maximum(h, 0.0)
    part = jnp.sum(h, axis=0, keepdims=True) * jnp.float32(1.0 / N)

    @pl.when(i == 0)
    def _():
        out[...] = part

    @pl.when(i > 0)
    def _():
        out[...] += part


_tc_combine = pl.pallas_call(
    _tc_body,
    grid=(GRID,),
    in_specs=[
        pl.BlockSpec((1, ROWS_PER_STEP, D), lambda i: (0, i, 0)),
        pl.BlockSpec((1, ROWS_PER_STEP, D), lambda i: (1, i, 0)),
        pl.BlockSpec((1, ROWS_PER_STEP, D), lambda i: (0, i, 0)),
        pl.BlockSpec((1, ROWS_PER_STEP, D), lambda i: (1, i, 0)),
        pl.BlockSpec((ROWS_PER_STEP, D), lambda i: (i, 0)),
        pl.BlockSpec((D, D), lambda i: (0, 0)),
        pl.BlockSpec((D, D), lambda i: (0, 0)),
    ],
    out_specs=pl.BlockSpec((1, D), lambda i: (0, 0)),
    out_shape=jax.ShapeDtypeStruct((1, D), jnp.float32),
)


@jax.jit
def kernel(x, edge_index, W_msg, W_self):
    src_p = jnp.concatenate(
        [edge_index[0].reshape(NW, NBLK, EDG),
         jnp.broadcast_to(jnp.arange(BLK, dtype=jnp.int32),
                          (NW, NBLK_PAD - NBLK, BLK))], axis=1)
    dst_p = jnp.pad(edge_index[1].reshape(NW, NBLK, EDG),
                    ((0, 0), (0, NBLK_PAD - NBLK), (0, 0)),
                    constant_values=DUMMY_ROW)
    e4 = jnp.stack([src_p, dst_p], axis=2)
    zrows = jnp.zeros((BLK, D), jnp.float32)
    ones = jnp.ones((BLK, D), jnp.float32)
    pagg, pdeg = _sc_scatter(x, e4, zrows, ones)
    pooled = _tc_combine(pagg, pagg, pdeg, pdeg, x, W_msg, W_self)
    return pooled.reshape(D)

# --- scband reference (transcript-rebuilt; emitter-appended) ---
"""Pipeline reference for scband-topoformer-pooled-44006234915510 (READ-ONLY COPY).

The authoritative reference and input builder live on the scoring server;
editing this copy changes nothing except your own understanding.
"""

import jax, jax.numpy as jnp
import numpy as np

N = 10000
E = 320000
D_IN = 128
D_OUT = 128


def setup_inputs(seed: int = 0) -> dict:
    key = jax.random.key(seed)
    k1, k2, k3, k4 = jax.random.split(key, 4)
    x = jax.random.normal(k1, (N, D_IN), dtype=jnp.float32)
    edge_index = jax.random.randint(k2, (2, E), 0, N, dtype=jnp.int32)
    W_msg = jax.random.normal(k3, (D_IN, D_OUT), dtype=jnp.float32) / np.sqrt(D_IN)
    W_self = jax.random.normal(k4, (D_IN, D_OUT), dtype=jnp.float32) / np.sqrt(D_IN)
    return {"x": x, "edge_index": edge_index, "W_msg": W_msg, "W_self": W_self}


def reference(x, edge_index, W_msg, W_self):
    # Message passing layer: gather neighbor features along edges (src -> dst),
    # degree-normalized scatter-add aggregation, linear transform of aggregated
    # messages + self-interaction, ReLU, then avg graph pooling (TopoformerPooled).
    src = edge_index[0]
    dst = edge_index[1]
    msgs = jnp.take(x, src, axis=0)                       # gather  [E, D_IN]
    agg = jax.ops.segment_sum(msgs, dst, num_segments=N)  # scatter-add [N, D_IN]
    deg = jax.ops.segment_sum(jnp.ones((E,), jnp.float32), dst, num_segments=N)
    agg = agg / jnp.maximum(deg, 1.0)[:, None]
    h = agg @ W_msg + x @ W_self                          # [N, D_OUT]
    h = jax.nn.relu(h)
    pooled = jnp.mean(h, axis=0)                          # avg graph pooling [D_OUT]
    return pooled

if __name__ == "__main__":
    import jax
    _d = setup_inputs()
    print(jax.jit(kernel)(*tuple(_d.values())))

</pallas_src>

<mosaic_0001>
#map = affine_map<(d0, d1) -> (0, 0)>
#map1 = affine_map<(d0, d1) -> (0, 0, 0, 0)>
#map2 = affine_map<(d0, d1) -> (0, 0, 0)>
module attributes {stable_mosaic.version = 14 : i64} {
  func.func @_sc_body(%arg0: i32, %arg1: i32, %arg2: memref<10000x128xf32, #tpu.memory_space<hbm>>, %arg3: memref<32x128x2x80xi32, #tpu.memory_space<hbm>>, %arg4: memref<80x128xf32, #tpu.memory_space<hbm>>, %arg5: memref<80x128xf32, #tpu.memory_space<hbm>>, %arg6: memref<2x10240x128xf32, #tpu.memory_space<hbm>>, %arg7: memref<2x10240x128xf32, #tpu.memory_space<hbm>>, %arg8: memref<2x80xi32, #tpu.memory_space<vmem>>, %arg9: memref<2x80xi32, #tpu.memory_space<vmem>>, %arg10: memref<2x80xi32, #tpu.memory_space<vmem>>, %arg11: memref<2x80xi32, #tpu.memory_space<vmem>>, %arg12: memref<80x128xf32, #tpu.memory_space<vmem>>, %arg13: memref<80x128xf32, #tpu.memory_space<vmem>>, %arg14: memref<10240x128xf32, #tpu.memory_space<vmem_shared>>, %arg15: memref<!tpu.dma_semaphore, #tpu.memory_space<semaphore_mem>>, %arg16: memref<!tpu.dma_semaphore, #tpu.memory_space<semaphore_mem>>, %arg17: memref<!tpu.dma_semaphore, #tpu.memory_space<semaphore_mem>>, %arg18: memref<!tpu.dma_semaphore, #tpu.memory_space<semaphore_mem>>, %arg19: memref<!tpu.dma_semaphore, #tpu.memory_space<semaphore_mem>>, %arg20: memref<!tpu.dma_semaphore, #tpu.memory_space<semaphore_mem>>, %arg21: memref<!tpu.dma_semaphore, #tpu.memory_space<semaphore_mem>>, %arg22: memref<!tpu.dma_semaphore, #tpu.memory_space<semaphore_mem>>) attributes {dimension_semantics = [#tpu.dimension_semantics<core_parallel>, #tpu.dimension_semantics<subcore_parallel>], iteration_bounds = array<i64: 2, 16>, scalar_prefetch = 0 : i64, scratch_operands = 15 : i64, tpu.core_type = #tpu.core_type<sc_vector_subcore>, window_params = [{transform_indices = #map}, {transform_indices = #map1}, {transform_indices = #map}, {transform_indices = #map}, {transform_indices = #map2}, {transform_indices = #map2}]} {
    %mul3A = arith.constant 2 : i32
    %mul3A_0 = arith.muli %arg1, %mul3A : i32
    %add3A = arith.addi %mul3A_0, %arg0 : i32
    %mul3A_1 = arith.constant 640 : i32
    %mul3A_2 = arith.muli %arg1, %mul3A_1 : i32
    "tpu.region"() ({
      %run_scoped3A_202 = tpu.sem_alloc : memref<!tpu.dma_semaphore, #tpu.memory_space<semaphore_mem>>
      tpu.enqueue_dma source(%arg5 : memref<80x128xf32, #tpu.memory_space<hbm>>) target(%arg13 : memref<80x128xf32, #tpu.memory_space<vmem>>) target_semaphore(%run_scoped3A_202 : memref<!tpu.dma_semaphore, #tpu.memory_space<semaphore_mem>>)
      tpu.wait_dma2 semaphore(%run_scoped3A_202 : memref<!tpu.dma_semaphore, #tpu.memory_space<semaphore_mem>>) src(%arg5 : memref<80x128xf32, #tpu.memory_space<hbm>>) dst(%arg13 : memref<80x128xf32, #tpu.memory_space<vmem>>)
      tpu.yield
    }) : () -> ()
    "tpu.region"() ({
      %run_scoped3A_202 = tpu.sem_alloc : memref<!tpu.dma_semaphore, #tpu.memory_space<semaphore_mem>>
      tpu.enqueue_dma source(%arg4 : memref<80x128xf32, #tpu.memory_space<hbm>>) target(%arg12 : memref<80x128xf32, #tpu.memory_space<vmem>>) target_semaphore(%run_scoped3A_202 : memref<!tpu.dma_semaphore, #tpu.memory_space<semaphore_mem>>)
      tpu.wait_dma2 semaphore(%run_scoped3A_202 : memref<!tpu.dma_semaphore, #tpu.memory_space<semaphore_mem>>) src(%arg4 : memref<80x128xf32, #tpu.memory_space<hbm>>) dst(%arg12 : memref<80x128xf32, #tpu.memory_space<vmem>>)
      tpu.yield
    }) : () -> ()
    %add3A_3 = arith.constant 0 : i32
    %add3A_4 = arith.addi %mul3A_2, %add3A_3 : i32
    "tpu.region"() ({
      %run_scoped3A_202 = tpu.sem_alloc : memref<!tpu.dma_semaphore, #tpu.memory_space<semaphore_mem>>
      %dma_start3A_203 = arith.constant 0 : i32
      %dma_start3A_204 = tpu.memref_slice %arg14[%add3A_4, %dma_start3A_203] : memref<10240x128xf32, #tpu.memory_space<vmem_shared>> -> memref<80x128xf32, #tpu.memory_space<vmem_shared>>
      %dma_start3A_205 = arith.constant 0 : i32
      %dma_start3A_206 = tpu.memref_slice %arg14[%add3A_4, %dma_start3A_205] : memref<10240x128xf32, #tpu.memory_space<vmem_shared>> -> memref<80x128xf32, #tpu.memory_space<vmem_shared>>
      tpu.enqueue_dma source(%arg12 : memref<80x128xf32, #tpu.memory_space<vmem>>) target(%dma_start3A_206 : memref<80x128xf32, #tpu.memory_space<vmem_shared>>) target_semaphore(%run_scoped3A_202 : memref<!tpu.dma_semaphore, #tpu.memory_space<semaphore_mem>>)
      %dma_wait3A_207 = arith.constant 0 : i32
      %dma_wait3A_208 = tpu.memref_slice %arg14[%add3A_4, %dma_wait3A_207] : memref<10240x128xf32, #tpu.memory_space<vmem_shared>> -> memref<80x128xf32, #tpu.memory_space<vmem_shared>>
      %dma_wait3A_209 = arith.constant 0 : i32
      %dma_wait3A_210 = tpu.memref_slice %arg14[%add3A_4, %dma_wait3A_209] : memref<10240x128xf32, #tpu.memory_space<vmem_shared>> -> memref<80x128xf32, #tpu.memory_space<vmem_shared>>
      tpu.wait_dma2 semaphore(%run_scoped3A_202 : memref<!tpu.dma_semaphore, #tpu.memory_space<semaphore_mem>>) src(%arg12 : memref<80x128xf32, #tpu.memory_space<vmem>>) dst(%dma_wait3A_210 : memref<80x128xf32, #tpu.memory_space<vmem_shared>>)
      tpu.yield
    }) : () -> ()
    %add3A_5 = arith.constant 80 : i32
    %add3A_6 = arith.addi %mul3A_2, %add3A_5 : i32
    "tpu.region"() ({
      %run_scoped3A_202 = tpu.sem_alloc : memref<!tpu.dma_semaphore, #tpu.memory_space<semaphore_mem>>
      %dma_start3A_203 = arith.constant 0 : i32
      %dma_start3A_204 = tpu.memref_slice %arg14[%add3A_6, %dma_start3A_203] : memref<10240x128xf32, #tpu.memory_space<vmem_shared>> -> memref<80x128xf32, #tpu.memory_space<vmem_shared>>
      %dma_start3A_205 = arith.constant 0 : i32
      %dma_start3A_206 = tpu.memref_slice %arg14[%add3A_6, %dma_start3A_205] : memref<10240x128xf32, #tpu.memory_space<vmem_shared>> -> memref<80x128xf32, #tpu.memory_space<vmem_shared>>
      tpu.enqueue_dma source(%arg12 : memref<80x128xf32, #tpu.memory_space<vmem>>) target(%dma_start3A_206 : memref<80x128xf32, #tpu.memory_space<vmem_shared>>) target_semaphore(%run_scoped3A_202 : memref<!tpu.dma_semaphore, #tpu.memory_space<semaphore_mem>>)
      %dma_wait3A_207 = arith.constant 0 : i32
      %dma_wait3A_208 = tpu.memref_slice %arg14[%add3A_6, %dma_wait3A_207] : memref<10240x128xf32, #tpu.memory_space<vmem_shared>> -> memref<80x128xf32, #tpu.memory_space<vmem_shared>>
      %dma_wait3A_209 = arith.constant 0 : i32
      %dma_wait3A_210 = tpu.memref_slice %arg14[%add3A_6, %dma_wait3A_209] : memref<10240x128xf32, #tpu.memory_space<vmem_shared>> -> memref<80x128xf32, #tpu.memory_space<vmem_shared>>
      tpu.wait_dma2 semaphore(%run_scoped3A_202 : memref<!tpu.dma_semaphore, #tpu.memory_space<semaphore_mem>>) src(%arg12 : memref<80x128xf32, #tpu.memory_space<vmem>>) dst(%dma_wait3A_210 : memref<80x128xf32, #tpu.memory_space<vmem_shared>>)
      tpu.yield
    }) : () -> ()
    %add3A_7 = arith.constant 160 : i32
    %add3A_8 = arith.addi %mul3A_2, %add3A_7 : i32
    "tpu.region"() ({
      %run_scoped3A_202 = tpu.sem_alloc : memref<!tpu.dma_semaphore, #tpu.memory_space<semaphore_mem>>
      %dma_start3A_203 = arith.constant 0 : i32
      %dma_start3A_204 = tpu.memref_slice %arg14[%add3A_8, %dma_start3A_203] : memref<10240x128xf32, #tpu.memory_space<vmem_shared>> -> memref<80x128xf32, #tpu.memory_space<vmem_shared>>
      %dma_start3A_205 = arith.constant 0 : i32
      %dma_start3A_206 = tpu.memref_slice %arg14[%add3A_8, %dma_start3A_205] : memref<10240x128xf32, #tpu.memory_space<vmem_shared>> -> memref<80x128xf32, #tpu.memory_space<vmem_shared>>
      tpu.enqueue_dma source(%arg12 : memref<80x128xf32, #tpu.memory_space<vmem>>) target(%dma_start3A_206 : memref<80x128xf32, #tpu.memory_space<vmem_shared>>) target_semaphore(%run_scoped3A_202 : memref<!tpu.dma_semaphore, #tpu.memory_space<semaphore_mem>>)
      %dma_wait3A_207 = arith.constant 0 : i32
      %dma_wait3A_208 = tpu.memref_slice %arg14[%add3A_8, %dma_wait3A_207] : memref<10240x128xf32, #tpu.memory_space<vmem_shared>> -> memref<80x128xf32, #tpu.memory_space<vmem_shared>>
      %dma_wait3A_209 = arith.constant 0 : i32
      %dma_wait3A_210 = tpu.memref_slice %arg14[%add3A_8, %dma_wait3A_209] : memref<10240x128xf32, #tpu.memory_space<vmem_shared>> -> memref<80x128xf32, #tpu.memory_space<vmem_shared>>
      tpu.wait_dma2 semaphore(%run_scoped3A_202 : memref<!tpu.dma_semaphore, #tpu.memory_space<semaphore_mem>>) src(%arg12 : memref<80x128xf32, #tpu.memory_space<vmem>>) dst(%dma_wait3A_210 : memref<80x128xf32, #tpu.memory_space<vmem_shared>>)
      tpu.yield
    }) : () -> ()
    %add3A_9 = arith.constant 240 : i32
    %add3A_10 = arith.addi %mul3A_2, %add3A_9 : i32
    "tpu.region"() ({
      %run_scoped3A_202 = tpu.sem_alloc : memref<!tpu.dma_semaphore, #tpu.memory_space<semaphore_mem>>
      %dma_start3A_203 = arith.constant 0 : i32
      %dma_start3A_204 = tpu.memref_slice %arg14[%add3A_10, %dma_start3A_203] : memref<10240x128xf32, #tpu.memory_space<vmem_shared>> -> memref<80x128xf32, #tpu.memory_space<vmem_shared>>
      %dma_start3A_205 = arith.constant 0 : i32
      %dma_start3A_206 = tpu.memref_slice %arg14[%add3A_10, %dma_start3A_205] : memref<10240x128xf32, #tpu.memory_space<vmem_shared>> -> memref<80x128xf32, #tpu.memory_space<vmem_shared>>
      tpu.enqueue_dma source(%arg12 : memref<80x128xf32, #tpu.memory_space<vmem>>) target(%dma_start3A_206 : memref<80x128xf32, #tpu.memory_space<vmem_shared>>) target_semaphore(%run_scoped3A_202 : memref<!tpu.dma_semaphore, #tpu.memory_space<semaphore_mem>>)
      %dma_wait3A_207 = arith.constant 0 : i32
      %dma_wait3A_208 = tpu.memref_slice %arg14[%add3A_10, %dma_wait3A_207] : memref<10240x128xf32, #tpu.memory_space<vmem_shared>> -> memref<80x128xf32, #tpu.memory_space<vmem_shared>>
      %dma_wait3A_209 = arith.constant 0 : i32
      %dma_wait3A_210 = tpu.memref_slice %arg14[%add3A_10, %dma_wait3A_209] : memref<10240x128xf32, #tpu.memory_space<vmem_shared>> -> memref<80x128xf32, #tpu.memory_space<vmem_shared>>
      tpu.wait_dma2 semaphore(%run_scoped3A_202 : memref<!tpu.dma_semaphore, #tpu.memory_space<semaphore_mem>>) src(%arg12 : memref<80x128xf32, #tpu.memory_space<vmem>>) dst(%dma_wait3A_210 : memref<80x128xf32, #tpu.memory_space<vmem_shared>>)
      tpu.yield
    }) : () -> ()
    %add3A_11 = arith.constant 320 : i32
    %add3A_12 = arith.addi %mul3A_2, %add3A_11 : i32
    "tpu.region"() ({
      %run_scoped3A_202 = tpu.sem_alloc : memref<!tpu.dma_semaphore, #tpu.memory_space<semaphore_mem>>
      %dma_start3A_203 = arith.constant 0 : i32
      %dma_start3A_204 = tpu.memref_slice %arg14[%add3A_12, %dma_start3A_203] : memref<10240x128xf32, #tpu.memory_space<vmem_shared>> -> memref<80x128xf32, #tpu.memory_space<vmem_shared>>
      %dma_start3A_205 = arith.constant 0 : i32
      %dma_start3A_206 = tpu.memref_slice %arg14[%add3A_12, %dma_start3A_205] : memref<10240x128xf32, #tpu.memory_space<vmem_shared>> -> memref<80x128xf32, #tpu.memory_space<vmem_shared>>
      tpu.enqueue_dma source(%arg12 : memref<80x128xf32, #tpu.memory_space<vmem>>) target(%dma_start3A_206 : memref<80x128xf32, #tpu.memory_space<vmem_shared>>) target_semaphore(%run_scoped3A_202 : memref<!tpu.dma_semaphore, #tpu.memory_space<semaphore_mem>>)
      %dma_wait3A_207 = arith.constant 0 : i32
      %dma_wait3A_208 = tpu.memref_slice %arg14[%add3A_12, %dma_wait3A_207] : memref<10240x128xf32, #tpu.memory_space<vmem_shared>> -> memref<80x128xf32, #tpu.memory_space<vmem_shared>>
      %dma_wait3A_209 = arith.constant 0 : i32
      %dma_wait3A_210 = tpu.memref_slice %arg14[%add3A_12, %dma_wait3A_209] : memref<10240x128xf32, #tpu.memory_space<vmem_shared>> -> memref<80x128xf32, #tpu.memory_space<vmem_shared>>
      tpu.wait_dma2 semaphore(%run_scoped3A_202 : memref<!tpu.dma_semaphore, #tpu.memory_space<semaphore_mem>>) src(%arg12 : memref<80x128xf32, #tpu.memory_space<vmem>>) dst(%dma_wait3A_210 : memref<80x128xf32, #tpu.memory_space<vmem_shared>>)
      tpu.yield
    }) : () -> ()
    %add3A_13 = arith.constant 400 : i32
    %add3A_14 = arith.addi %mul3A_2, %add3A_13 : i32
    "tpu.region"() ({
      %run_scoped3A_202 = tpu.sem_alloc : memref<!tpu.dma_semaphore, #tpu.memory_space<semaphore_mem>>
      %dma_start3A_203 = arith.constant 0 : i32
      %dma_start3A_204 = tpu.memref_slice %arg14[%add3A_14, %dma_start3A_203] : memref<10240x128xf32, #tpu.memory_space<vmem_shared>> -> memref<80x128xf32, #tpu.memory_space<vmem_shared>>
      %dma_start3A_205 = arith.constant 0 : i32
      %dma_start3A_206 = tpu.memref_slice %arg14[%add3A_14, %dma_start3A_205] : memref<10240x128xf32, #tpu.memory_space<vmem_shared>> -> memref<80x128xf32, #tpu.memory_space<vmem_shared>>
      tpu.enqueue_dma source(%arg12 : memref<80x128xf32, #tpu.memory_space<vmem>>) target(%dma_start3A_206 : memref<80x128xf32, #tpu.memory_space<vmem_shared>>) target_semaphore(%run_scoped3A_202 : memref<!tpu.dma_semaphore, #tpu.memory_space<semaphore_mem>>)
      %dma_wait3A_207 = arith.constant 0 : i32
      %dma_wait3A_208 = tpu.memref_slice %arg14[%add3A_14, %dma_wait3A_207] : memref<10240x128xf32, #tpu.memory_space<vmem_shared>> -> memref<80x128xf32, #tpu.memory_space<vmem_shared>>
      %dma_wait3A_209 = arith.constant 0 : i32
      %dma_wait3A_210 = tpu.memref_slice %arg14[%add3A_14, %dma_wait3A_209] : memref<10240x128xf32, #tpu.memory_space<vmem_shared>> -> memref<80x128xf32, #tpu.memory_space<vmem_shared>>
      tpu.wait_dma2 semaphore(%run_scoped3A_202 : memref<!tpu.dma_semaphore, #tpu.memory_space<semaphore_mem>>) src(%arg12 : memref<80x128xf32, #tpu.memory_space<vmem>>) dst(%dma_wait3A_210 : memref<80x128xf32, #tpu.memory_space<vmem_shared>>)
      tpu.yield
    }) : () -> ()
    %add3A_15 = arith.constant 480 : i32
    %add3A_16 = arith.addi %mul3A_2, %add3A_15 : i32
    "tpu.region"() ({
      %run_scoped3A_202 = tpu.sem_alloc : memref<!tpu.dma_semaphore, #tpu.memory_space<semaphore_mem>>
      %dma_start3A_203 = arith.constant 0 : i32
      %dma_start3A_204 = tpu.memref_slice %arg14[%add3A_16, %dma_start3A_203] : memref<10240x128xf32, #tpu.memory_space<vmem_shared>> -> memref<80x128xf32, #tpu.memory_space<vmem_shared>>
      %dma_start3A_205 = arith.constant 0 : i32
      %dma_start3A_206 = tpu.memref_slice %arg14[%add3A_16, %dma_start3A_205] : memref<10240x128xf32, #tpu.memory_space<vmem_shared>> -> memref<80x128xf32, #tpu.memory_space<vmem_shared>>
      tpu.enqueue_dma source(%arg12 : memref<80x128xf32, #tpu.memory_space<vmem>>) target(%dma_start3A_206 : memref<80x128xf32, #tpu.memory_space<vmem_shared>>) target_semaphore(%run_scoped3A_202 : memref<!tpu.dma_semaphore, #tpu.memory_space<semaphore_mem>>)
      %dma_wait3A_207 = arith.constant 0 : i32
      %dma_wait3A_208 = tpu.memref_slice %arg14[%add3A_16, %dma_wait3A_207] : memref<10240x128xf32, #tpu.memory_space<vmem_shared>> -> memref<80x128xf32, #tpu.memory_space<vmem_shared>>
      %dma_wait3A_209 = arith.constant 0 : i32
      %dma_wait3A_210 = tpu.memref_slice %arg14[%add3A_16, %dma_wait3A_209] : memref<10240x128xf32, #tpu.memory_space<vmem_shared>> -> memref<80x128xf32, #tpu.memory_space<vmem_shared>>
      tpu.wait_dma2 semaphore(%run_scoped3A_202 : memref<!tpu.dma_semaphore, #tpu.memory_space<semaphore_mem>>) src(%arg12 : memref<80x128xf32, #tpu.memory_space<vmem>>) dst(%dma_wait3A_210 : memref<80x128xf32, #tpu.memory_space<vmem_shared>>)
      tpu.yield
    }) : () -> ()
    %add3A_17 = arith.constant 560 : i32
    %add3A_18 = arith.addi %mul3A_2, %add3A_17 : i32
    "tpu.region"() ({
      %run_scoped3A_202 = tpu.sem_alloc : memref<!tpu.dma_semaphore, #tpu.memory_space<semaphore_mem>>
      %dma_start3A_203 = arith.constant 0 : i32
      %dma_start3A_204 = tpu.memref_slice %arg14[%add3A_18, %dma_start3A_203] : memref<10240x128xf32, #tpu.memory_space<vmem_shared>> -> memref<80x128xf32, #tpu.memory_space<vmem_shared>>
      %dma_start3A_205 = arith.constant 0 : i32
      %dma_start3A_206 = tpu.memref_slice %arg14[%add3A_18, %dma_start3A_205] : memref<10240x128xf32, #tpu.memory_space<vmem_shared>> -> memref<80x128xf32, #tpu.memory_space<vmem_shared>>
      tpu.enqueue_dma source(%arg12 : memref<80x128xf32, #tpu.memory_space<vmem>>) target(%dma_start3A_206 : memref<80x128xf32, #tpu.memory_space<vmem_shared>>) target_semaphore(%run_scoped3A_202 : memref<!tpu.dma_semaphore, #tpu.memory_space<semaphore_mem>>)
      %dma_wait3A_207 = arith.constant 0 : i32
      %dma_wait3A_208 = tpu.memref_slice %arg14[%add3A_18, %dma_wait3A_207] : memref<10240x128xf32, #tpu.memory_space<vmem_shared>> -> memref<80x128xf32, #tpu.memory_space<vmem_shared>>
      %dma_wait3A_209 = arith.constant 0 : i32
      %dma_wait3A_210 = tpu.memref_slice %arg14[%add3A_18, %dma_wait3A_209] : memref<10240x128xf32, #tpu.memory_space<vmem_shared>> -> memref<80x128xf32, #tpu.memory_space<vmem_shared>>
      tpu.wait_dma2 semaphore(%run_scoped3A_202 : memref<!tpu.dma_semaphore, #tpu.memory_space<semaphore_mem>>) src(%arg12 : memref<80x128xf32, #tpu.memory_space<vmem>>) dst(%dma_wait3A_210 : memref<80x128xf32, #tpu.memory_space<vmem_shared>>)
      tpu.yield
    }) : () -> ()
    %barrier3A = arith.constant 0 : index
    tpu.barrier barrier_id(%barrier3A)
    %dma_start3A = arith.constant 0 : i32
    %dma_start3A_19 = arith.constant 0 : i32
    %dma_start3A_20 = arith.constant 0 : i32
    %dma_start3A_21 = tpu.memref_slice %arg3[%add3A, %dma_start3A, %dma_start3A_19, %dma_start3A_20] : memref<32x128x2x80xi32, #tpu.memory_space<hbm>> -> memref<1x1x2x80xi32, #tpu.memory_space<hbm>>
    %dma_start3A_22 = tpu.memref_squeeze %dma_start3A_21 : memref<1x1x2x80xi32, #tpu.memory_space<hbm>> -> memref<2x80xi32, #tpu.memory_space<hbm>>
    %dma_start3A_23 = arith.constant 0 : i32
    %dma_start3A_24 = arith.constant 0 : i32
    %dma_start3A_25 = tpu.memref_slice %arg3[%add3A, %dma_start3A, %dma_start3A_23, %dma_start3A_24] : memref<32x128x2x80xi32, #tpu.memory_space<hbm>> -> memref<1x1x2x80xi32, #tpu.memory_space<hbm>>
    %dma_start3A_26 = tpu.memref_squeeze %dma_start3A_25 : memref<1x1x2x80xi32, #tpu.memory_space<hbm>> -> memref<2x80xi32, #tpu.memory_space<hbm>>
    tpu.enqueue_dma source(%dma_start3A_26 : memref<2x80xi32, #tpu.memory_space<hbm>>) target(%arg8 : memref<2x80xi32, #tpu.memory_space<vmem>>) target_semaphore(%arg19 : memref<!tpu.dma_semaphore, #tpu.memory_space<semaphore_mem>>)
    %dma_start3A_27 = arith.constant 1 : i32
    %dma_start3A_28 = arith.constant 0 : i32
    %dma_start3A_29 = arith.constant 0 : i32
    %dma_start3A_30 = tpu.memref_slice %arg3[%add3A, %dma_start3A_27, %dma_start3A_28, %dma_start3A_29] : memref<32x128x2x80xi32, #tpu.memory_space<hbm>> -> memref<1x1x2x80xi32, #tpu.memory_space<hbm>>
    %dma_start3A_31 = tpu.memref_squeeze %dma_start3A_30 : memref<1x1x2x80xi32, #tpu.memory_space<hbm>> -> memref<2x80xi32, #tpu.memory_space<hbm>>
    %dma_start3A_32 = arith.constant 0 : i32
    %dma_start3A_33 = arith.constant 0 : i32
    %dma_start3A_34 = tpu.memref_slice %arg3[%add3A, %dma_start3A_27, %dma_start3A_32, %dma_start3A_33] : memref<32x128x2x80xi32, #tpu.memory_space<hbm>> -> memref<1x1x2x80xi32, #tpu.memory_space<hbm>>
    %dma_start3A_35 = tpu.memref_squeeze %dma_start3A_34 : memref<1x1x2x80xi32, #tpu.memory_space<hbm>> -> memref<2x80xi32, #tpu.memory_space<hbm>>
    tpu.enqueue_dma source(%dma_start3A_35 : memref<2x80xi32, #tpu.memory_space<hbm>>) target(%arg9 : memref<2x80xi32, #tpu.memory_space<vmem>>) target_semaphore(%arg20 : memref<!tpu.dma_semaphore, #tpu.memory_space<semaphore_mem>>)
    %scan3A = arith.constant 0 : i32
    %scan3A_36 = arith.constant 0 : i32
    %scan3A_37 = arith.constant 62 : i32
    %scan3A_38 = arith.addi %scan3A_36, %scan3A_37 : i32
    %scan3A_39 = arith.constant 1 : i32
    scf.for %scan3A_202 = %scan3A_36 to %scan3A_38 step %scan3A_39  : i32 {
      %mul3A_203 = arith.constant 2 : i32
      %mul3A_204 = arith.muli %mul3A_203, %scan3A_202 : i32
      %dma_wait3A_205 = arith.constant 0 : i32
      %dma_wait3A_206 = arith.constant 0 : i32
      %dma_wait3A_207 = arith.constant 0 : i32
      %dma_wait3A_208 = tpu.memref_slice %arg3[%add3A, %dma_wait3A_205, %dma_wait3A_206, %dma_wait3A_207] : memref<32x128x2x80xi32, #tpu.memory_space<hbm>> -> memref<1x1x2x80xi32, #tpu.memory_space<hbm>>
      %dma_wait3A_209 = tpu.memref_squeeze %dma_wait3A_208 : memref<1x1x2x80xi32, #tpu.memory_space<hbm>> -> memref<2x80xi32, #tpu.memory_space<hbm>>
      %dma_wait3A_210 = arith.constant 0 : i32
      %dma_wait3A_211 = arith.constant 0 : i32
      %dma_wait3A_212 = tpu.memref_slice %arg3[%add3A, %dma_wait3A_205, %dma_wait3A_210, %dma_wait3A_211] : memref<32x128x2x80xi32, #tpu.memory_space<hbm>> -> memref<1x1x2x80xi32, #tpu.memory_space<hbm>>
      %dma_wait3A_213 = tpu.memref_squeeze %dma_wait3A_212 : memref<1x1x2x80xi32, #tpu.memory_space<hbm>> -> memref<2x80xi32, #tpu.memory_space<hbm>>
      tpu.wait_dma2 semaphore(%arg19 : memref<!tpu.dma_semaphore, #tpu.memory_space<semaphore_mem>>) src(%dma_wait3A_213 : memref<2x80xi32, #tpu.memory_space<hbm>>) dst(%arg8 : memref<2x80xi32, #tpu.memory_space<vmem>>)
      %run_scoped3A_214 = arith.constant 1 : i32
      "tpu.region"() ({
        %run_scoped3A_245 = tpu.sem_alloc : memref<!tpu.dma_semaphore, #tpu.memory_space<semaphore_mem>>
        %dma_start3A_246 = arith.constant 0 : i32
        %dma_start3A_247 = tpu.memref_slice %arg8[%run_scoped3A_214, %dma_start3A_246] : memref<2x80xi32, #tpu.memory_space<vmem>> -> memref<1x80xi32, #tpu.memory_space<vmem>>
        %dma_start3A_248 = tpu.memref_squeeze %dma_start3A_247 : memref<1x80xi32, #tpu.memory_space<vmem>> -> memref<80xi32, #tpu.memory_space<vmem>>
        %dma_start3A_249 = arith.constant 0 : i32
        %dma_start3A_250 = arith.constant 0 : i32
        %dma_start3A_251 = tpu.memref_slice %arg14[%dma_start3A_249, %dma_start3A_250] : memref<10240x128xf32, #tpu.memory_space<vmem_shared>> -> memref<10240x128xf32, #tpu.memory_space<vmem_shared>>
        tpu.enqueue_indirect_dma source(%arg13 : memref<80x128xf32, #tpu.memory_space<vmem>>) target(%dma_start3A_251 : memref<10240x128xf32, #tpu.memory_space<vmem_shared>>) offsets(%dma_start3A_248 : memref<80xi32, #tpu.memory_space<vmem>>) semaphore(%run_scoped3A_245 : memref<!tpu.dma_semaphore, #tpu.memory_space<semaphore_mem>>) {add = true}
        %dma_wait3A_252 = arith.constant 0 : i32
        %dma_wait3A_253 = tpu.memref_slice %arg8[%run_scoped3A_214, %dma_wait3A_252] : memref<2x80xi32, #tpu.memory_space<vmem>> -> memref<1x80xi32, #tpu.memory_space<vmem>>
        %dma_wait3A_254 = tpu.memref_squeeze %dma_wait3A_253 : memref<1x80xi32, #tpu.memory_space<vmem>> -> memref<80xi32, #tpu.memory_space<vmem>>
        %dma_wait3A_255 = arith.constant 0 : i32
        %dma_wait3A_256 = arith.constant 0 : i32
        %dma_wait3A_257 = tpu.memref_slice %arg14[%dma_wait3A_255, %dma_wait3A_256] : memref<10240x128xf32, #tpu.memory_space<vmem_shared>> -> memref<10240x128xf32, #tpu.memory_space<vmem_shared>>
        tpu.wait_indirect_dma semaphore(%run_scoped3A_245 : memref<!tpu.dma_semaphore, #tpu.memory_space<semaphore_mem>>) src(%arg13 : memref<80x128xf32, #tpu.memory_space<vmem>>) dst(%dma_wait3A_257 : memref<10240x128xf32, #tpu.memory_space<vmem_shared>>)
        tpu.yield
      }) : () -> ()
      %add3A_215 = arith.constant 2 : i32
      %add3A_216 = arith.addi %mul3A_204, %add3A_215 : i32
      %dma_start3A_217 = arith.constant 0 : i32
      %dma_start3A_218 = arith.constant 0 : i32
      %dma_start3A_219 = tpu.memref_slice %arg3[%add3A, %add3A_216, %dma_start3A_217, %dma_start3A_218] : memref<32x128x2x80xi32, #tpu.memory_space<hbm>> -> memref<1x1x2x80xi32, #tpu.memory_space<hbm>>
      %dma_start3A_220 = tpu.memref_squeeze %dma_start3A_219 : memref<1x1x2x80xi32, #tpu.memory_space<hbm>> -> memref<2x80xi32, #tpu.memory_space<hbm>>
      %dma_start3A_221 = arith.constant 0 : i32
      %dma_start3A_222 = arith.constant 0 : i32
      %dma_start3A_223 = tpu.memref_slice %arg3[%add3A, %add3A_216, %dma_start3A_221, %dma_start3A_222] : memref<32x128x2x80xi32, #tpu.memory_space<hbm>> -> memref<1x1x2x80xi32, #tpu.memory_space<hbm>>
      %dma_start3A_224 = tpu.memref_squeeze %dma_start3A_223 : memref<1x1x2x80xi32, #tpu.memory_space<hbm>> -> memref<2x80xi32, #tpu.memory_space<hbm>>
      tpu.enqueue_dma source(%dma_start3A_224 : memref<2x80xi32, #tpu.memory_space<hbm>>) target(%arg8 : memref<2x80xi32, #tpu.memory_space<vmem>>) target_semaphore(%arg19 : memref<!tpu.dma_semaphore, #tpu.memory_space<semaphore_mem>>)
      %dma_wait3A_225 = arith.constant 0 : i32
      %dma_wait3A_226 = arith.constant 0 : i32
      %dma_wait3A_227 = arith.constant 0 : i32
      %dma_wait3A_228 = tpu.memref_slice %arg3[%add3A, %dma_wait3A_225, %dma_wait3A_226, %dma_wait3A_227] : memref<32x128x2x80xi32, #tpu.memory_space<hbm>> -> memref<1x1x2x80xi32, #tpu.memory_space<hbm>>
      %dma_wait3A_229 = tpu.memref_squeeze %dma_wait3A_228 : memref<1x1x2x80xi32, #tpu.memory_space<hbm>> -> memref<2x80xi32, #tpu.memory_space<hbm>>
      %dma_wait3A_230 = arith.constant 0 : i32
      %dma_wait3A_231 = arith.constant 0 : i32
      %dma_wait3A_232 = tpu.memref_slice %arg3[%add3A, %dma_wait3A_225, %dma_wait3A_230, %dma_wait3A_231] : memref<32x128x2x80xi32, #tpu.memory_space<hbm>> -> memref<1x1x2x80xi32, #tpu.memory_space<hbm>>
      %dma_wait3A_233 = tpu.memref_squeeze %dma_wait3A_232 : memref<1x1x2x80xi32, #tpu.memory_space<hbm>> -> memref<2x80xi32, #tpu.memory_space<hbm>>
      tpu.wait_dma2 semaphore(%arg20 : memref<!tpu.dma_semaphore, #tpu.memory_space<semaphore_mem>>) src(%dma_wait3A_233 : memref<2x80xi32, #tpu.memory_space<hbm>>) dst(%arg9 : memref<2x80xi32, #tpu.memory_space<vmem>>)
      %run_scoped3A_234 = arith.constant 1 : i32
      "tpu.region"() ({
        %run_scoped3A_245 = tpu.sem_alloc : memref<!tpu.dma_semaphore, #tpu.memory_space<semaphore_mem>>
        %dma_start3A_246 = arith.constant 0 : i32
        %dma_start3A_247 = tpu.memref_slice %arg9[%run_scoped3A_234, %dma_start3A_246] : memref<2x80xi32, #tpu.memory_space<vmem>> -> memref<1x80xi32, #tpu.memory_space<vmem>>
        %dma_start3A_248 = tpu.memref_squeeze %dma_start3A_247 : memref<1x80xi32, #tpu.memory_space<vmem>> -> memref<80xi32, #tpu.memory_space<vmem>>
        %dma_start3A_249 = arith.constant 0 : i32
        %dma_start3A_250 = arith.constant 0 : i32
        %dma_start3A_251 = tpu.memref_slice %arg14[%dma_start3A_249, %dma_start3A_250] : memref<10240x128xf32, #tpu.memory_space<vmem_shared>> -> memref<10240x128xf32, #tpu.memory_space<vmem_shared>>
        tpu.enqueue_indirect_dma source(%arg13 : memref<80x128xf32, #tpu.memory_space<vmem>>) target(%dma_start3A_251 : memref<10240x128xf32, #tpu.memory_space<vmem_shared>>) offsets(%dma_start3A_248 : memref<80xi32, #tpu.memory_space<vmem>>) semaphore(%run_scoped3A_245 : memref<!tpu.dma_semaphore, #tpu.memory_space<semaphore_mem>>) {add = true}
        %dma_wait3A_252 = arith.constant 0 : i32
        %dma_wait3A_253 = tpu.memref_slice %arg9[%run_scoped3A_234, %dma_wait3A_252] : memref<2x80xi32, #tpu.memory_space<vmem>> -> memref<1x80xi32, #tpu.memory_space<vmem>>
        %dma_wait3A_254 = tpu.memref_squeeze %dma_wait3A_253 : memref<1x80xi32, #tpu.memory_space<vmem>> -> memref<80xi32, #tpu.memory_space<vmem>>
        %dma_wait3A_255 = arith.constant 0 : i32
        %dma_wait3A_256 = arith.constant 0 : i32
        %dma_wait3A_257 = tpu.memref_slice %arg14[%dma_wait3A_255, %dma_wait3A_256] : memref<10240x128xf32, #tpu.memory_space<vmem_shared>> -> memref<10240x128xf32, #tpu.memory_space<vmem_shared>>
        tpu.wait_indirect_dma semaphore(%run_scoped3A_245 : memref<!tpu.dma_semaphore, #tpu.memory_space<semaphore_mem>>) src(%arg13 : memref<80x128xf32, #tpu.memory_space<vmem>>) dst(%dma_wait3A_257 : memref<10240x128xf32, #tpu.memory_space<vmem_shared>>)
        tpu.yield
      }) : () -> ()
      %add3A_235 = arith.constant 3 : i32
      %add3A_236 = arith.addi %mul3A_204, %add3A_235 : i32
      %dma_start3A_237 = arith.constant 0 : i32
      %dma_start3A_238 = arith.constant 0 : i32
      %dma_start3A_239 = tpu.memref_slice %arg3[%add3A, %add3A_236, %dma_start3A_237, %dma_start3A_238] : memref<32x128x2x80xi32, #tpu.memory_space<hbm>> -> memref<1x1x2x80xi32, #tpu.memory_space<hbm>>
      %dma_start3A_240 = tpu.memref_squeeze %dma_start3A_239 : memref<1x1x2x80xi32, #tpu.memory_space<hbm>> -> memref<2x80xi32, #tpu.memory_space<hbm>>
      %dma_start3A_241 = arith.constant 0 : i32
      %dma_start3A_242 = arith.constant 0 : i32
      %dma_start3A_243 = tpu.memref_slice %arg3[%add3A, %add3A_236, %dma_start3A_241, %dma_start3A_242] : memref<32x128x2x80xi32, #tpu.memory_space<hbm>> -> memref<1x1x2x80xi32, #tpu.memory_space<hbm>>
      %dma_start3A_244 = tpu.memref_squeeze %dma_start3A_243 : memref<1x1x2x80xi32, #tpu.memory_space<hbm>> -> memref<2x80xi32, #tpu.memory_space<hbm>>
      tpu.enqueue_dma source(%dma_start3A_244 : memref<2x80xi32, #tpu.memory_space<hbm>>) target(%arg9 : memref<2x80xi32, #tpu.memory_space<vmem>>) target_semaphore(%arg20 : memref<!tpu.dma_semaphore, #tpu.memory_space<semaphore_mem>>)
    }
    %scan3A_40 = arith.constant 62 : i32
    %dma_wait3A = arith.constant 0 : i32
    %dma_wait3A_41 = arith.constant 0 : i32
    %dma_wait3A_42 = arith.constant 0 : i32
    %dma_wait3A_43 = tpu.memref_slice %arg3[%add3A, %dma_wait3A, %dma_wait3A_41, %dma_wait3A_42] : memref<32x128x2x80xi32, #tpu.memory_space<hbm>> -> memref<1x1x2x80xi32, #tpu.memory_space<hbm>>
    %dma_wait3A_44 = tpu.memref_squeeze %dma_wait3A_43 : memref<1x1x2x80xi32, #tpu.memory_space<hbm>> -> memref<2x80xi32, #tpu.memory_space<hbm>>
    %dma_wait3A_45 = arith.constant 0 : i32
    %dma_wait3A_46 = arith.constant 0 : i32
    %dma_wait3A_47 = tpu.memref_slice %arg3[%add3A, %dma_wait3A, %dma_wait3A_45, %dma_wait3A_46] : memref<32x128x2x80xi32, #tpu.memory_space<hbm>> -> memref<1x1x2x80xi32, #tpu.memory_space<hbm>>
    %dma_wait3A_48 = tpu.memref_squeeze %dma_wait3A_47 : memref<1x1x2x80xi32, #tpu.memory_space<hbm>> -> memref<2x80xi32, #tpu.memory_space<hbm>>
    tpu.wait_dma2 semaphore(%arg19 : memref<!tpu.dma_semaphore, #tpu.memory_space<semaphore_mem>>) src(%dma_wait3A_48 : memref<2x80xi32, #tpu.memory_space<hbm>>) dst(%arg8 : memref<2x80xi32, #tpu.memory_space<vmem>>)
    %run_scoped3A = arith.constant 1 : i32
    "tpu.region"() ({
      %run_scoped3A_202 = tpu.sem_alloc : memref<!tpu.dma_semaphore, #tpu.memory_space<semaphore_mem>>
      %dma_start3A_203 = arith.constant 0 : i32
      %dma_start3A_204 = tpu.memref_slice %arg8[%run_scoped3A, %dma_start3A_203] : memref<2x80xi32, #tpu.memory_space<vmem>> -> memref<1x80xi32, #tpu.memory_space<vmem>>
      %dma_start3A_205 = tpu.memref_squeeze %dma_start3A_204 : memref<1x80xi32, #tpu.memory_space<vmem>> -> memref<80xi32, #tpu.memory_space<vmem>>
      %dma_start3A_206 = arith.constant 0 : i32
      %dma_start3A_207 = arith.constant 0 : i32
      %dma_start3A_208 = tpu.memref_slice %arg14[%dma_start3A_206, %dma_start3A_207] : memref<10240x128xf32, #tpu.memory_space<vmem_shared>> -> memref<10240x128xf32, #tpu.memory_space<vmem_shared>>
      tpu.enqueue_indirect_dma source(%arg13 : memref<80x128xf32, #tpu.memory_space<vmem>>) target(%dma_start3A_208 : memref<10240x128xf32, #tpu.memory_space<vmem_shared>>) offsets(%dma_start3A_205 : memref<80xi32, #tpu.memory_space<vmem>>) semaphore(%run_scoped3A_202 : memref<!tpu.dma_semaphore, #tpu.memory_space<semaphore_mem>>) {add = true}
      %dma_wait3A_209 = arith.constant 0 : i32
      %dma_wait3A_210 = tpu.memref_slice %arg8[%run_scoped3A, %dma_wait3A_209] : memref<2x80xi32, #tpu.memory_space<vmem>> -> memref<1x80xi32, #tpu.memory_space<vmem>>
      %dma_wait3A_211 = tpu.memref_squeeze %dma_wait3A_210 : memref<1x80xi32, #tpu.memory_space<vmem>> -> memref<80xi32, #tpu.memory_space<vmem>>
      %dma_wait3A_212 = arith.constant 0 : i32
      %dma_wait3A_213 = arith.constant 0 : i32
      %dma_wait3A_214 = tpu.memref_slice %arg14[%dma_wait3A_212, %dma_wait3A_213] : memref<10240x128xf32, #tpu.memory_space<vmem_shared>> -> memref<10240x128xf32, #tpu.memory_space<vmem_shared>>
      tpu.wait_indirect_dma semaphore(%run_scoped3A_202 : memref<!tpu.dma_semaphore, #tpu.memory_space<semaphore_mem>>) src(%arg13 : memref<80x128xf32, #tpu.memory_space<vmem>>) dst(%dma_wait3A_214 : memref<10240x128xf32, #tpu.memory_space<vmem_shared>>)
      tpu.yield
    }) : () -> ()
    %dma_wait3A_49 = arith.constant 0 : i32
    %dma_wait3A_50 = arith.constant 0 : i32
    %dma_wait3A_51 = arith.constant 0 : i32
    %dma_wait3A_52 = tpu.memref_slice %arg3[%add3A, %dma_wait3A_49, %dma_wait3A_50, %dma_wait3A_51] : memref<32x128x2x80xi32, #tpu.memory_space<hbm>> -> memref<1x1x2x80xi32, #tpu.memory_space<hbm>>
    %dma_wait3A_53 = tpu.memref_squeeze %dma_wait3A_52 : memref<1x1x2x80xi32, #tpu.memory_space<hbm>> -> memref<2x80xi32, #tpu.memory_space<hbm>>
    %dma_wait3A_54 = arith.constant 0 : i32
    %dma_wait3A_55 = arith.constant 0 : i32
    %dma_wait3A_56 = tpu.memref_slice %arg3[%add3A, %dma_wait3A_49, %dma_wait3A_54, %dma_wait3A_55] : memref<32x128x2x80xi32, #tpu.memory_space<hbm>> -> memref<1x1x2x80xi32, #tpu.memory_space<hbm>>
    %dma_wait3A_57 = tpu.memref_squeeze %dma_wait3A_56 : memref<1x1x2x80xi32, #tpu.memory_space<hbm>> -> memref<2x80xi32, #tpu.memory_space<hbm>>
    tpu.wait_dma2 semaphore(%arg20 : memref<!tpu.dma_semaphore, #tpu.memory_space<semaphore_mem>>) src(%dma_wait3A_57 : memref<2x80xi32, #tpu.memory_space<hbm>>) dst(%arg9 : memref<2x80xi32, #tpu.memory_space<vmem>>)
    %barrier3A_58 = arith.constant 0 : index
    tpu.barrier barrier_id(%barrier3A_58)
    %add3A_59 = arith.constant 0 : i32
    %add3A_60 = arith.addi %mul3A_2, %add3A_59 : i32
    "tpu.region"() ({
      %run_scoped3A_202 = tpu.sem_alloc : memref<!tpu.dma_semaphore, #tpu.memory_space<semaphore_mem>>
      %dma_start3A_203 = arith.constant 0 : i32
      %dma_start3A_204 = tpu.memref_slice %arg14[%add3A_60, %dma_start3A_203] : memref<10240x128xf32, #tpu.memory_space<vmem_shared>> -> memref<80x128xf32, #tpu.memory_space<vmem_shared>>
      %dma_start3A_205 = arith.constant 0 : i32
      %dma_start3A_206 = tpu.memref_slice %arg14[%add3A_60, %dma_start3A_205] : memref<10240x128xf32, #tpu.memory_space<vmem_shared>> -> memref<80x128xf32, #tpu.memory_space<vmem_shared>>
      tpu.enqueue_dma source(%dma_start3A_206 : memref<80x128xf32, #tpu.memory_space<vmem_shared>>) target(%arg12 : memref<80x128xf32, #tpu.memory_space<vmem>>) target_semaphore(%run_scoped3A_202 : memref<!tpu.dma_semaphore, #tpu.memory_space<semaphore_mem>>)
      %dma_wait3A_207 = arith.constant 0 : i32
      %dma_wait3A_208 = tpu.memref_slice %arg14[%add3A_60, %dma_wait3A_207] : memref<10240x128xf32, #tpu.memory_space<vmem_shared>> -> memref<80x128xf32, #tpu.memory_space<vmem_shared>>
      %dma_wait3A_209 = arith.constant 0 : i32
      %dma_wait3A_210 = tpu.memref_slice %arg14[%add3A_60, %dma_wait3A_209] : memref<10240x128xf32, #tpu.memory_space<vmem_shared>> -> memref<80x128xf32, #tpu.memory_space<vmem_shared>>
      tpu.wait_dma2 semaphore(%run_scoped3A_202 : memref<!tpu.dma_semaphore, #tpu.memory_space<semaphore_mem>>) src(%dma_wait3A_210 : memref<80x128xf32, #tpu.memory_space<vmem_shared>>) dst(%arg12 : memref<80x128xf32, #tpu.memory_space<vmem>>)
      tpu.yield
    }) : () -> ()
    "tpu.region"() ({
      %run_scoped3A_202 = tpu.sem_alloc : memref<!tpu.dma_semaphore, #tpu.memory_space<semaphore_mem>>
      %dma_start3A_203 = arith.constant 0 : i32
      %dma_start3A_204 = tpu.memref_slice %arg7[%arg0, %add3A_60, %dma_start3A_203] : memref<2x10240x128xf32, #tpu.memory_space<hbm>> -> memref<1x80x128xf32, #tpu.memory_space<hbm>>
      %dma_start3A_205 = tpu.memref_squeeze %dma_start3A_204 : memref<1x80x128xf32, #tpu.memory_space<hbm>> -> memref<80x128xf32, #tpu.memory_space<hbm>>
      %dma_start3A_206 = arith.constant 0 : i32
      %dma_start3A_207 = tpu.memref_slice %arg7[%arg0, %add3A_60, %dma_start3A_206] : memref<2x10240x128xf32, #tpu.memory_space<hbm>> -> memref<1x80x128xf32, #tpu.memory_space<hbm>>
      %dma_start3A_208 = tpu.memref_squeeze %dma_start3A_207 : memref<1x80x128xf32, #tpu.memory_space<hbm>> -> memref<80x128xf32, #tpu.memory_space<hbm>>
      tpu.enqueue_dma source(%arg12 : memref<80x128xf32, #tpu.memory_space<vmem>>) target(%dma_start3A_208 : memref<80x128xf32, #tpu.memory_space<hbm>>) target_semaphore(%run_scoped3A_202 : memref<!tpu.dma_semaphore, #tpu.memory_space<semaphore_mem>>)
      %dma_wait3A_209 = arith.constant 0 : i32
      %dma_wait3A_210 = tpu.memref_slice %arg7[%arg0, %add3A_60, %dma_wait3A_209] : memref<2x10240x128xf32, #tpu.memory_space<hbm>> -> memref<1x80x128xf32, #tpu.memory_space<hbm>>
      %dma_wait3A_211 = tpu.memref_squeeze %dma_wait3A_210 : memref<1x80x128xf32, #tpu.memory_space<hbm>> -> memref<80x128xf32, #tpu.memory_space<hbm>>
      %dma_wait3A_212 = arith.constant 0 : i32
      %dma_wait3A_213 = tpu.memref_slice %arg7[%arg0, %add3A_60, %dma_wait3A_212] : memref<2x10240x128xf32, #tpu.memory_space<hbm>> -> memref<1x80x128xf32, #tpu.memory_space<hbm>>
      %dma_wait3A_214 = tpu.memref_squeeze %dma_wait3A_213 : memref<1x80x128xf32, #tpu.memory_space<hbm>> -> memref<80x128xf32, #tpu.memory_space<hbm>>
      tpu.wait_dma2 semaphore(%run_scoped3A_202 : memref<!tpu.dma_semaphore, #tpu.memory_space<semaphore_mem>>) src(%arg12 : memref<80x128xf32, #tpu.memory_space<vmem>>) dst(%dma_wait3A_214 : memref<80x128xf32, #tpu.memory_space<hbm>>)
      tpu.yield
    }) : () -> ()
    %add3A_61 = arith.constant 80 : i32
    %add3A_62 = arith.addi %mul3A_2, %add3A_61 : i32
    "tpu.region"() ({
      %run_scoped3A_202 = tpu.sem_alloc : memref<!tpu.dma_semaphore, #tpu.memory_space<semaphore_mem>>
      %dma_start3A_203 = arith.constant 0 : i32
      %dma_start3A_204 = tpu.memref_slice %arg14[%add3A_62, %dma_start3A_203] : memref<10240x128xf32, #tpu.memory_space<vmem_shared>> -> memref<80x128xf32, #tpu.memory_space<vmem_shared>>
      %dma_start3A_205 = arith.constant 0 : i32
      %dma_start3A_206 = tpu.memref_slice %arg14[%add3A_62, %dma_start3A_205] : memref<10240x128xf32, #tpu.memory_space<vmem_shared>> -> memref<80x128xf32, #tpu.memory_space<vmem_shared>>
      tpu.enqueue_dma source(%dma_start3A_206 : memref<80x128xf32, #tpu.memory_space<vmem_shared>>) target(%arg12 : memref<80x128xf32, #tpu.memory_space<vmem>>) target_semaphore(%run_scoped3A_202 : memref<!tpu.dma_semaphore, #tpu.memory_space<semaphore_mem>>)
      %dma_wait3A_207 = arith.constant 0 : i32
      %dma_wait3A_208 = tpu.memref_slice %arg14[%add3A_62, %dma_wait3A_207] : memref<10240x128xf32, #tpu.memory_space<vmem_shared>> -> memref<80x128xf32, #tpu.memory_space<vmem_shared>>
      %dma_wait3A_209 = arith.constant 0 : i32
      %dma_wait3A_210 = tpu.memref_slice %arg14[%add3A_62, %dma_wait3A_209] : memref<10240x128xf32, #tpu.memory_space<vmem_shared>> -> memref<80x128xf32, #tpu.memory_space<vmem_shared>>
      tpu.wait_dma2 semaphore(%run_scoped3A_202 : memref<!tpu.dma_semaphore, #tpu.memory_space<semaphore_mem>>) src(%dma_wait3A_210 : memref<80x128xf32, #tpu.memory_space<vmem_shared>>) dst(%arg12 : memref<80x128xf32, #tpu.memory_space<vmem>>)
      tpu.yield
    }) : () -> ()
    "tpu.region"() ({
      %run_scoped3A_202 = tpu.sem_alloc : memref<!tpu.dma_semaphore, #tpu.memory_space<semaphore_mem>>
      %dma_start3A_203 = arith.constant 0 : i32
      %dma_start3A_204 = tpu.memref_slice %arg7[%arg0, %add3A_62, %dma_start3A_203] : memref<2x10240x128xf32, #tpu.memory_space<hbm>> -> memref<1x80x128xf32, #tpu.memory_space<hbm>>
      %dma_start3A_205 = tpu.memref_squeeze %dma_start3A_204 : memref<1x80x128xf32, #tpu.memory_space<hbm>> -> memref<80x128xf32, #tpu.memory_space<hbm>>
      %dma_start3A_206 = arith.constant 0 : i32
      %dma_start3A_207 = tpu.memref_slice %arg7[%arg0, %add3A_62, %dma_start3A_206] : memref<2x10240x128xf32, #tpu.memory_space<hbm>> -> memref<1x80x128xf32, #tpu.memory_space<hbm>>
      %dma_start3A_208 = tpu.memref_squeeze %dma_start3A_207 : memref<1x80x128xf32, #tpu.memory_space<hbm>> -> memref<80x128xf32, #tpu.memory_space<hbm>>
      tpu.enqueue_dma source(%arg12 : memref<80x128xf32, #tpu.memory_space<vmem>>) target(%dma_start3A_208 : memref<80x128xf32, #tpu.memory_space<hbm>>) target_semaphore(%run_scoped3A_202 : memref<!tpu.dma_semaphore, #tpu.memory_space<semaphore_mem>>)
      %dma_wait3A_209 = arith.constant 0 : i32
      %dma_wait3A_210 = tpu.memref_slice %arg7[%arg0, %add3A_62, %dma_wait3A_209] : memref<2x10240x128xf32, #tpu.memory_space<hbm>> -> memref<1x80x128xf32, #tpu.memory_space<hbm>>
      %dma_wait3A_211 = tpu.memref_squeeze %dma_wait3A_210 : memref<1x80x128xf32, #tpu.memory_space<hbm>> -> memref<80x128xf32, #tpu.memory_space<hbm>>
      %dma_wait3A_212 = arith.constant 0 : i32
      %dma_wait3A_213 = tpu.memref_slice %arg7[%arg0, %add3A_62, %dma_wait3A_212] : memref<2x10240x128xf32, #tpu.memory_space<hbm>> -> memref<1x80x128xf32, #tpu.memory_space<hbm>>
      %dma_wait3A_214 = tpu.memref_squeeze %dma_wait3A_213 : memref<1x80x128xf32, #tpu.memory_space<hbm>> -> memref<80x128xf32, #tpu.memory_space<hbm>>
      tpu.wait_dma2 semaphore(%run_scoped3A_202 : memref<!tpu.dma_semaphore, #tpu.memory_space<semaphore_mem>>) src(%arg12 : memref<80x128xf32, #tpu.memory_space<vmem>>) dst(%dma_wait3A_214 : memref<80x128xf32, #tpu.memory_space<hbm>>)
      tpu.yield
    }) : () -> ()
    %add3A_63 = arith.constant 160 : i32
    %add3A_64 = arith.addi %mul3A_2, %add3A_63 : i32
    "tpu.region"() ({
      %run_scoped3A_202 = tpu.sem_alloc : memref<!tpu.dma_semaphore, #tpu.memory_space<semaphore_mem>>
      %dma_start3A_203 = arith.constant 0 : i32
      %dma_start3A_204 = tpu.memref_slice %arg14[%add3A_64, %dma_start3A_203] : memref<10240x128xf32, #tpu.memory_space<vmem_shared>> -> memref<80x128xf32, #tpu.memory_space<vmem_shared>>
      %dma_start3A_205 = arith.constant 0 : i32
      %dma_start3A_206 = tpu.memref_slice %arg14[%add3A_64, %dma_start3A_205] : memref<10240x128xf32, #tpu.memory_space<vmem_shared>> -> memref<80x128xf32, #tpu.memory_space<vmem_shared>>
      tpu.enqueue_dma source(%dma_start3A_206 : memref<80x128xf32, #tpu.memory_space<vmem_shared>>) target(%arg12 : memref<80x128xf32, #tpu.memory_space<vmem>>) target_semaphore(%run_scoped3A_202 : memref<!tpu.dma_semaphore, #tpu.memory_space<semaphore_mem>>)
      %dma_wait3A_207 = arith.constant 0 : i32
      %dma_wait3A_208 = tpu.memref_slice %arg14[%add3A_64, %dma_wait3A_207] : memref<10240x128xf32, #tpu.memory_space<vmem_shared>> -> memref<80x128xf32, #tpu.memory_space<vmem_shared>>
      %dma_wait3A_209 = arith.constant 0 : i32
      %dma_wait3A_210 = tpu.memref_slice %arg14[%add3A_64, %dma_wait3A_209] : memref<10240x128xf32, #tpu.memory_space<vmem_shared>> -> memref<80x128xf32, #tpu.memory_space<vmem_shared>>
      tpu.wait_dma2 semaphore(%run_scoped3A_202 : memref<!tpu.dma_semaphore, #tpu.memory_space<semaphore_mem>>) src(%dma_wait3A_210 : memref<80x128xf32, #tpu.memory_space<vmem_shared>>) dst(%arg12 : memref<80x128xf32, #tpu.memory_space<vmem>>)
      tpu.yield
    }) : () -> ()
    "tpu.region"() ({
      %run_scoped3A_202 = tpu.sem_alloc : memref<!tpu.dma_semaphore, #tpu.memory_space<semaphore_mem>>
      %dma_start3A_203 = arith.constant 0 : i32
      %dma_start3A_204 = tpu.memref_slice %arg7[%arg0, %add3A_64, %dma_start3A_203] : memref<2x10240x128xf32, #tpu.memory_space<hbm>> -> memref<1x80x128xf32, #tpu.memory_space<hbm>>
      %dma_start3A_205 = tpu.memref_squeeze %dma_start3A_204 : memref<1x80x128xf32, #tpu.memory_space<hbm>> -> memref<80x128xf32, #tpu.memory_space<hbm>>
      %dma_start3A_206 = arith.constant 0 : i32
      %dma_start3A_207 = tpu.memref_slice %arg7[%arg0, %add3A_64, %dma_start3A_206] : memref<2x10240x128xf32, #tpu.memory_space<hbm>> -> memref<1x80x128xf32, #tpu.memory_space<hbm>>
      %dma_start3A_208 = tpu.memref_squeeze %dma_start3A_207 : memref<1x80x128xf32, #tpu.memory_space<hbm>> -> memref<80x128xf32, #tpu.memory_space<hbm>>
      tpu.enqueue_dma source(%arg12 : memref<80x128xf32, #tpu.memory_space<vmem>>) target(%dma_start3A_208 : memref<80x128xf32, #tpu.memory_space<hbm>>) target_semaphore(%run_scoped3A_202 : memref<!tpu.dma_semaphore, #tpu.memory_space<semaphore_mem>>)
      %dma_wait3A_209 = arith.constant 0 : i32
      %dma_wait3A_210 = tpu.memref_slice %arg7[%arg0, %add3A_64, %dma_wait3A_209] : memref<2x10240x128xf32, #tpu.memory_space<hbm>> -> memref<1x80x128xf32, #tpu.memory_space<hbm>>
      %dma_wait3A_211 = tpu.memref_squeeze %dma_wait3A_210 : memref<1x80x128xf32, #tpu.memory_space<hbm>> -> memref<80x128xf32, #tpu.memory_space<hbm>>
      %dma_wait3A_212 = arith.constant 0 : i32
      %dma_wait3A_213 = tpu.memref_slice %arg7[%arg0, %add3A_64, %dma_wait3A_212] : memref<2x10240x128xf32, #tpu.memory_space<hbm>> -> memref<1x80x128xf32, #tpu.memory_space<hbm>>
      %dma_wait3A_214 = tpu.memref_squeeze %dma_wait3A_213 : memref<1x80x128xf32, #tpu.memory_space<hbm>> -> memref<80x128xf32, #tpu.memory_space<hbm>>
      tpu.wait_dma2 semaphore(%run_scoped3A_202 : memref<!tpu.dma_semaphore, #tpu.memory_space<semaphore_mem>>) src(%arg12 : memref<80x128xf32, #tpu.memory_space<vmem>>) dst(%dma_wait3A_214 : memref<80x128xf32, #tpu.memory_space<hbm>>)
      tpu.yield
    }) : () -> ()
    %add3A_65 = arith.constant 240 : i32
    %add3A_66 = arith.addi %mul3A_2, %add3A_65 : i32
    "tpu.region"() ({
      %run_scoped3A_202 = tpu.sem_alloc : memref<!tpu.dma_semaphore, #tpu.memory_space<semaphore_mem>>
      %dma_start3A_203 = arith.constant 0 : i32
      %dma_start3A_204 = tpu.memref_slice %arg14[%add3A_66, %dma_start3A_203] : memref<10240x128xf32, #tpu.memory_space<vmem_shared>> -> memref<80x128xf32, #tpu.memory_space<vmem_shared>>
      %dma_start3A_205 = arith.constant 0 : i32
      %dma_start3A_206 = tpu.memref_slice %arg14[%add3A_66, %dma_start3A_205] : memref<10240x128xf32, #tpu.memory_space<vmem_shared>> -> memref<80x128xf32, #tpu.memory_space<vmem_shared>>
      tpu.enqueue_dma source(%dma_start3A_206 : memref<80x128xf32, #tpu.memory_space<vmem_shared>>) target(%arg12 : memref<80x128xf32, #tpu.memory_space<vmem>>) target_semaphore(%run_scoped3A_202 : memref<!tpu.dma_semaphore, #tpu.memory_space<semaphore_mem>>)
      %dma_wait3A_207 = arith.constant 0 : i32
      %dma_wait3A_208 = tpu.memref_slice %arg14[%add3A_66, %dma_wait3A_207] : memref<10240x128xf32, #tpu.memory_space<vmem_shared>> -> memref<80x128xf32, #tpu.memory_space<vmem_shared>>
      %dma_wait3A_209 = arith.constant 0 : i32
      %dma_wait3A_210 = tpu.memref_slice %arg14[%add3A_66, %dma_wait3A_209] : memref<10240x128xf32, #tpu.memory_space<vmem_shared>> -> memref<80x128xf32, #tpu.memory_space<vmem_shared>>
      tpu.wait_dma2 semaphore(%run_scoped3A_202 : memref<!tpu.dma_semaphore, #tpu.memory_space<semaphore_mem>>) src(%dma_wait3A_210 : memref<80x128xf32, #tpu.memory_space<vmem_shared>>) dst(%arg12 : memref<80x128xf32, #tpu.memory_space<vmem>>)
      tpu.yield
    }) : () -> ()
    "tpu.region"() ({
      %run_scoped3A_202 = tpu.sem_alloc : memref<!tpu.dma_semaphore, #tpu.memory_space<semaphore_mem>>
      %dma_start3A_203 = arith.constant 0 : i32
      %dma_start3A_204 = tpu.memref_slice %arg7[%arg0, %add3A_66, %dma_start3A_203] : memref<2x10240x128xf32, #tpu.memory_space<hbm>> -> memref<1x80x128xf32, #tpu.memory_space<hbm>>
      %dma_start3A_205 = tpu.memref_squeeze %dma_start3A_204 : memref<1x80x128xf32, #tpu.memory_space<hbm>> -> memref<80x128xf32, #tpu.memory_space<hbm>>
      %dma_start3A_206 = arith.constant 0 : i32
      %dma_start3A_207 = tpu.memref_slice %arg7[%arg0, %add3A_66, %dma_start3A_206] : memref<2x10240x128xf32, #tpu.memory_space<hbm>> -> memref<1x80x128xf32, #tpu.memory_space<hbm>>
      %dma_start3A_208 = tpu.memref_squeeze %dma_start3A_207 : memref<1x80x128xf32, #tpu.memory_space<hbm>> -> memref<80x128xf32, #tpu.memory_space<hbm>>
      tpu.enqueue_dma source(%arg12 : memref<80x128xf32, #tpu.memory_space<vmem>>) target(%dma_start3A_208 : memref<80x128xf32, #tpu.memory_space<hbm>>) target_semaphore(%run_scoped3A_202 : memref<!tpu.dma_semaphore, #tpu.memory_space<semaphore_mem>>)
      %dma_wait3A_209 = arith.constant 0 : i32
      %dma_wait3A_210 = tpu.memref_slice %arg7[%arg0, %add3A_66, %dma_wait3A_209] : memref<2x10240x128xf32, #tpu.memory_space<hbm>> -> memref<1x80x128xf32, #tpu.memory_space<hbm>>
      %dma_wait3A_211 = tpu.memref_squeeze %dma_wait3A_210 : memref<1x80x128xf32, #tpu.memory_space<hbm>> -> memref<80x128xf32, #tpu.memory_space<hbm>>
      %dma_wait3A_212 = arith.constant 0 : i32
      %dma_wait3A_213 = tpu.memref_slice %arg7[%arg0, %add3A_66, %dma_wait3A_212] : memref<2x10240x128xf32, #tpu.memory_space<hbm>> -> memref<1x80x128xf32, #tpu.memory_space<hbm>>
      %dma_wait3A_214 = tpu.memref_squeeze %dma_wait3A_213 : memref<1x80x128xf32, #tpu.memory_space<hbm>> -> memref<80x128xf32, #tpu.memory_space<hbm>>
      tpu.wait_dma2 semaphore(%run_scoped3A_202 : memref<!tpu.dma_semaphore, #tpu.memory_space<semaphore_mem>>) src(%arg12 : memref<80x128xf32, #tpu.memory_space<vmem>>) dst(%dma_wait3A_214 : memref<80x128xf32, #tpu.memory_space<hbm>>)
      tpu.yield
    }) : () -> ()
    %add3A_67 = arith.constant 320 : i32
    %add3A_68 = arith.addi %mul3A_2, %add3A_67 : i32
    "tpu.region"() ({
      %run_scoped3A_202 = tpu.sem_alloc : memref<!tpu.dma_semaphore, #tpu.memory_space<semaphore_mem>>
      %dma_start3A_203 = arith.constant 0 : i32
      %dma_start3A_204 = tpu.memref_slice %arg14[%add3A_68, %dma_start3A_203] : memref<10240x128xf32, #tpu.memory_space<vmem_shared>> -> memref<80x128xf32, #tpu.memory_space<vmem_shared>>
      %dma_start3A_205 = arith.constant 0 : i32
      %dma_start3A_206 = tpu.memref_slice %arg14[%add3A_68, %dma_start3A_205] : memref<10240x128xf32, #tpu.memory_space<vmem_shared>> -> memref<80x128xf32, #tpu.memory_space<vmem_shared>>
      tpu.enqueue_dma source(%dma_start3A_206 : memref<80x128xf32, #tpu.memory_space<vmem_shared>>) target(%arg12 : memref<80x128xf32, #tpu.memory_space<vmem>>) target_semaphore(%run_scoped3A_202 : memref<!tpu.dma_semaphore, #tpu.memory_space<semaphore_mem>>)
      %dma_wait3A_207 = arith.constant 0 : i32
      %dma_wait3A_208 = tpu.memref_slice %arg14[%add3A_68, %dma_wait3A_207] : memref<10240x128xf32, #tpu.memory_space<vmem_shared>> -> memref<80x128xf32, #tpu.memory_space<vmem_shared>>
      %dma_wait3A_209 = arith.constant 0 : i32
      %dma_wait3A_210 = tpu.memref_slice %arg14[%add3A_68, %dma_wait3A_209] : memref<10240x128xf32, #tpu.memory_space<vmem_shared>> -> memref<80x128xf32, #tpu.memory_space<vmem_shared>>
      tpu.wait_dma2 semaphore(%run_scoped3A_202 : memref<!tpu.dma_semaphore, #tpu.memory_space<semaphore_mem>>) src(%dma_wait3A_210 : memref<80x128xf32, #tpu.memory_space<vmem_shared>>) dst(%arg12 : memref<80x128xf32, #tpu.memory_space<vmem>>)
      tpu.yield
    }) : () -> ()
    "tpu.region"() ({
      %run_scoped3A_202 = tpu.sem_alloc : memref<!tpu.dma_semaphore, #tpu.memory_space<semaphore_mem>>
      %dma_start3A_203 = arith.constant 0 : i32
      %dma_start3A_204 = tpu.memref_slice %arg7[%arg0, %add3A_68, %dma_start3A_203] : memref<2x10240x128xf32, #tpu.memory_space<hbm>> -> memref<1x80x128xf32, #tpu.memory_space<hbm>>
      %dma_start3A_205 = tpu.memref_squeeze %dma_start3A_204 : memref<1x80x128xf32, #tpu.memory_space<hbm>> -> memref<80x128xf32, #tpu.memory_space<hbm>>
      %dma_start3A_206 = arith.constant 0 : i32
      %dma_start3A_207 = tpu.memref_slice %arg7[%arg0, %add3A_68, %dma_start3A_206] : memref<2x10240x128xf32, #tpu.memory_space<hbm>> -> memref<1x80x128xf32, #tpu.memory_space<hbm>>
      %dma_start3A_208 = tpu.memref_squeeze %dma_start3A_207 : memref<1x80x128xf32, #tpu.memory_space<hbm>> -> memref<80x128xf32, #tpu.memory_space<hbm>>
      tpu.enqueue_dma source(%arg12 : memref<80x128xf32, #tpu.memory_space<vmem>>) target(%dma_start3A_208 : memref<80x128xf32, #tpu.memory_space<hbm>>) target_semaphore(%run_scoped3A_202 : memref<!tpu.dma_semaphore, #tpu.memory_space<semaphore_mem>>)
      %dma_wait3A_209 = arith.constant 0 : i32
      %dma_wait3A_210 = tpu.memref_slice %arg7[%arg0, %add3A_68, %dma_wait3A_209] : memref<2x10240x128xf32, #tpu.memory_space<hbm>> -> memref<1x80x128xf32, #tpu.memory_space<hbm>>
      %dma_wait3A_211 = tpu.memref_squeeze %dma_wait3A_210 : memref<1x80x128xf32, #tpu.memory_space<hbm>> -> memref<80x128xf32, #tpu.memory_space<hbm>>
      %dma_wait3A_212 = arith.constant 0 : i32
      %dma_wait3A_213 = tpu.memref_slice %arg7[%arg0, %add3A_68, %dma_wait3A_212] : memref<2x10240x128xf32, #tpu.memory_space<hbm>> -> memref<1x80x128xf32, #tpu.memory_space<hbm>>
      %dma_wait3A_214 = tpu.memref_squeeze %dma_wait3A_213 : memref<1x80x128xf32, #tpu.memory_space<hbm>> -> memref<80x128xf32, #tpu.memory_space<hbm>>
      tpu.wait_dma2 semaphore(%run_scoped3A_202 : memref<!tpu.dma_semaphore, #tpu.memory_space<semaphore_mem>>) src(%arg12 : memref<80x128xf32, #tpu.memory_space<vmem>>) dst(%dma_wait3A_214 : memref<80x128xf32, #tpu.memory_space<hbm>>)
      tpu.yield
    }) : () -> ()
    %add3A_69 = arith.constant 400 : i32
    %add3A_70 = arith.addi %mul3A_2, %add3A_69 : i32
    "tpu.region"() ({
      %run_scoped3A_202 = tpu.sem_alloc : memref<!tpu.dma_semaphore, #tpu.memory_space<semaphore_mem>>
      %dma_start3A_203 = arith.constant 0 : i32
      %dma_start3A_204 = tpu.memref_slice %arg14[%add3A_70, %dma_start3A_203] : memref<10240x128xf32, #tpu.memory_space<vmem_shared>> -> memref<80x128xf32, #tpu.memory_space<vmem_shared>>
      %dma_start3A_205 = arith.constant 0 : i32
      %dma_start3A_206 = tpu.memref_slice %arg14[%add3A_70, %dma_start3A_205] : memref<10240x128xf32, #tpu.memory_space<vmem_shared>> -> memref<80x128xf32, #tpu.memory_space<vmem_shared>>
      tpu.enqueue_dma source(%dma_start3A_206 : memref<80x128xf32, #tpu.memory_space<vmem_shared>>) target(%arg12 : memref<80x128xf32, #tpu.memory_space<vmem>>) target_semaphore(%run_scoped3A_202 : memref<!tpu.dma_semaphore, #tpu.memory_space<semaphore_mem>>)
      %dma_wait3A_207 = arith.constant 0 : i32
      %dma_wait3A_208 = tpu.memref_slice %arg14[%add3A_70, %dma_wait3A_207] : memref<10240x128xf32, #tpu.memory_space<vmem_shared>> -> memref<80x128xf32, #tpu.memory_space<vmem_shared>>
      %dma_wait3A_209 = arith.constant 0 : i32
      %dma_wait3A_210 = tpu.memref_slice %arg14[%add3A_70, %dma_wait3A_209] : memref<10240x128xf32, #tpu.memory_space<vmem_shared>> -> memref<80x128xf32, #tpu.memory_space<vmem_shared>>
      tpu.wait_dma2 semaphore(%run_scoped3A_202 : memref<!tpu.dma_semaphore, #tpu.memory_space<semaphore_mem>>) src(%dma_wait3A_210 : memref<80x128xf32, #tpu.memory_space<vmem_shared>>) dst(%arg12 : memref<80x128xf32, #tpu.memory_space<vmem>>)
      tpu.yield
    }) : () -> ()
    "tpu.region"() ({
      %run_scoped3A_202 = tpu.sem_alloc : memref<!tpu.dma_semaphore, #tpu.memory_space<semaphore_mem>>
      %dma_start3A_203 = arith.constant 0 : i32
      %dma_start3A_204 = tpu.memref_slice %arg7[%arg0, %add3A_70, %dma_start3A_203] : memref<2x10240x128xf32, #tpu.memory_space<hbm>> -> memref<1x80x128xf32, #tpu.memory_space<hbm>>
      %dma_start3A_205 = tpu.memref_squeeze %dma_start3A_204 : memref<1x80x128xf32, #tpu.memory_space<hbm>> -> memref<80x128xf32, #tpu.memory_space<hbm>>
      %dma_start3A_206 = arith.constant 0 : i32
      %dma_start3A_207 = tpu.memref_slice %arg7[%arg0, %add3A_70, %dma_start3A_206] : memref<2x10240x128xf32, #tpu.memory_space<hbm>> -> memref<1x80x128xf32, #tpu.memory_space<hbm>>
      %dma_start3A_208 = tpu.memref_squeeze %dma_start3A_207 : memref<1x80x128xf32, #tpu.memory_space<hbm>> -> memref<80x128xf32, #tpu.memory_space<hbm>>
      tpu.enqueue_dma source(%arg12 : memref<80x128xf32, #tpu.memory_space<vmem>>) target(%dma_start3A_208 : memref<80x128xf32, #tpu.memory_space<hbm>>) target_semaphore(%run_scoped3A_202 : memref<!tpu.dma_semaphore, #tpu.memory_space<semaphore_mem>>)
      %dma_wait3A_209 = arith.constant 0 : i32
      %dma_wait3A_210 = tpu.memref_slice %arg7[%arg0, %add3A_70, %dma_wait3A_209] : memref<2x10240x128xf32, #tpu.memory_space<hbm>> -> memref<1x80x128xf32, #tpu.memory_space<hbm>>
      %dma_wait3A_211 = tpu.memref_squeeze %dma_wait3A_210 : memref<1x80x128xf32, #tpu.memory_space<hbm>> -> memref<80x128xf32, #tpu.memory_space<hbm>>
      %dma_wait3A_212 = arith.constant 0 : i32
      %dma_wait3A_213 = tpu.memref_slice %arg7[%arg0, %add3A_70, %dma_wait3A_212] : memref<2x10240x128xf32, #tpu.memory_space<hbm>> -> memref<1x80x128xf32, #tpu.memory_space<hbm>>
      %dma_wait3A_214 = tpu.memref_squeeze %dma_wait3A_213 : memref<1x80x128xf32, #tpu.memory_space<hbm>> -> memref<80x128xf32, #tpu.memory_space<hbm>>
      tpu.wait_dma2 semaphore(%run_scoped3A_202 : memref<!tpu.dma_semaphore, #tpu.memory_space<semaphore_mem>>) src(%arg12 : memref<80x128xf32, #tpu.memory_space<vmem>>) dst(%dma_wait3A_214 : memref<80x128xf32, #tpu.memory_space<hbm>>)
      tpu.yield
    }) : () -> ()
    %add3A_71 = arith.constant 480 : i32
    %add3A_72 = arith.addi %mul3A_2, %add3A_71 : i32
    "tpu.region"() ({
      %run_scoped3A_202 = tpu.sem_alloc : memref<!tpu.dma_semaphore, #tpu.memory_space<semaphore_mem>>
      %dma_start3A_203 = arith.constant 0 : i32
      %dma_start3A_204 = tpu.memref_slice %arg14[%add3A_72, %dma_start3A_203] : memref<10240x128xf32, #tpu.memory_space<vmem_shared>> -> memref<80x128xf32, #tpu.memory_space<vmem_shared>>
      %dma_start3A_205 = arith.constant 0 : i32
      %dma_start3A_206 = tpu.memref_slice %arg14[%add3A_72, %dma_start3A_205] : memref<10240x128xf32, #tpu.memory_space<vmem_shared>> -> memref<80x128xf32, #tpu.memory_space<vmem_shared>>
      tpu.enqueue_dma source(%dma_start3A_206 : memref<80x128xf32, #tpu.memory_space<vmem_shared>>) target(%arg12 : memref<80x128xf32, #tpu.memory_space<vmem>>) target_semaphore(%run_scoped3A_202 : memref<!tpu.dma_semaphore, #tpu.memory_space<semaphore_mem>>)
      %dma_wait3A_207 = arith.constant 0 : i32
      %dma_wait3A_208 = tpu.memref_slice %arg14[%add3A_72, %dma_wait3A_207] : memref<10240x128xf32, #tpu.memory_space<vmem_shared>> -> memref<80x128xf32, #tpu.memory_space<vmem_shared>>
      %dma_wait3A_209 = arith.constant 0 : i32
      %dma_wait3A_210 = tpu.memref_slice %arg14[%add3A_72, %dma_wait3A_209] : memref<10240x128xf32, #tpu.memory_space<vmem_shared>> -> memref<80x128xf32, #tpu.memory_space<vmem_shared>>
      tpu.wait_dma2 semaphore(%run_scoped3A_202 : memref<!tpu.dma_semaphore, #tpu.memory_space<semaphore_mem>>) src(%dma_wait3A_210 : memref<80x128xf32, #tpu.memory_space<vmem_shared>>) dst(%arg12 : memref<80x128xf32, #tpu.memory_space<vmem>>)
      tpu.yield
    }) : () -> ()
    "tpu.region"() ({
      %run_scoped3A_202 = tpu.sem_alloc : memref<!tpu.dma_semaphore, #tpu.memory_space<semaphore_mem>>
      %dma_start3A_203 = arith.constant 0 : i32
      %dma_start3A_204 = tpu.memref_slice %arg7[%arg0, %add3A_72, %dma_start3A_203] : memref<2x10240x128xf32, #tpu.memory_space<hbm>> -> memref<1x80x128xf32, #tpu.memory_space<hbm>>
      %dma_start3A_205 = tpu.memref_squeeze %dma_start3A_204 : memref<1x80x128xf32, #tpu.memory_space<hbm>> -> memref<80x128xf32, #tpu.memory_space<hbm>>
      %dma_start3A_206 = arith.constant 0 : i32
      %dma_start3A_207 = tpu.memref_slice %arg7[%arg0, %add3A_72, %dma_start3A_206] : memref<2x10240x128xf32, #tpu.memory_space<hbm>> -> memref<1x80x128xf32, #tpu.memory_space<hbm>>
      %dma_start3A_208 = tpu.memref_squeeze %dma_start3A_207 : memref<1x80x128xf32, #tpu.memory_space<hbm>> -> memref<80x128xf32, #tpu.memory_space<hbm>>
      tpu.enqueue_dma source(%arg12 : memref<80x128xf32, #tpu.memory_space<vmem>>) target(%dma_start3A_208 : memref<80x128xf32, #tpu.memory_space<hbm>>) target_semaphore(%run_scoped3A_202 : memref<!tpu.dma_semaphore, #tpu.memory_space<semaphore_mem>>)
      %dma_wait3A_209 = arith.constant 0 : i32
      %dma_wait3A_210 = tpu.memref_slice %arg7[%arg0, %add3A_72, %dma_wait3A_209] : memref<2x10240x128xf32, #tpu.memory_space<hbm>> -> memref<1x80x128xf32, #tpu.memory_space<hbm>>
      %dma_wait3A_211 = tpu.memref_squeeze %dma_wait3A_210 : memref<1x80x128xf32, #tpu.memory_space<hbm>> -> memref<80x128xf32, #tpu.memory_space<hbm>>
      %dma_wait3A_212 = arith.constant 0 : i32
      %dma_wait3A_213 = tpu.memref_slice %arg7[%arg0, %add3A_72, %dma_wait3A_212] : memref<2x10240x128xf32, #tpu.memory_space<hbm>> -> memref<1x80x128xf32, #tpu.memory_space<hbm>>
      %dma_wait3A_214 = tpu.memref_squeeze %dma_wait3A_213 : memref<1x80x128xf32, #tpu.memory_space<hbm>> -> memref<80x128xf32, #tpu.memory_space<hbm>>
      tpu.wait_dma2 semaphore(%run_scoped3A_202 : memref<!tpu.dma_semaphore, #tpu.memory_space<semaphore_mem>>) src(%arg12 : memref<80x128xf32, #tpu.memory_space<vmem>>) dst(%dma_wait3A_214 : memref<80x128xf32, #tpu.memory_space<hbm>>)
      tpu.yield
    }) : () -> ()
    %add3A_73 = arith.constant 560 : i32
    %add3A_74 = arith.addi %mul3A_2, %add3A_73 : i32
    "tpu.region"() ({
      %run_scoped3A_202 = tpu.sem_alloc : memref<!tpu.dma_semaphore, #tpu.memory_space<semaphore_mem>>
      %dma_start3A_203 = arith.constant 0 : i32
      %dma_start3A_204 = tpu.memref_slice %arg14[%add3A_74, %dma_start3A_203] : memref<10240x128xf32, #tpu.memory_space<vmem_shared>> -> memref<80x128xf32, #tpu.memory_space<vmem_shared>>
      %dma_start3A_205 = arith.constant 0 : i32
      %dma_start3A_206 = tpu.memref_slice %arg14[%add3A_74, %dma_start3A_205] : memref<10240x128xf32, #tpu.memory_space<vmem_shared>> -> memref<80x128xf32, #tpu.memory_space<vmem_shared>>
      tpu.enqueue_dma source(%dma_start3A_206 : memref<80x128xf32, #tpu.memory_space<vmem_shared>>) target(%arg12 : memref<80x128xf32, #tpu.memory_space<vmem>>) target_semaphore(%run_scoped3A_202 : memref<!tpu.dma_semaphore, #tpu.memory_space<semaphore_mem>>)
      %dma_wait3A_207 = arith.constant 0 : i32
      %dma_wait3A_208 = tpu.memref_slice %arg14[%add3A_74, %dma_wait3A_207] : memref<10240x128xf32, #tpu.memory_space<vmem_shared>> -> memref<80x128xf32, #tpu.memory_space<vmem_shared>>
      %dma_wait3A_209 = arith.constant 0 : i32
      %dma_wait3A_210 = tpu.memref_slice %arg14[%add3A_74, %dma_wait3A_209] : memref<10240x128xf32, #tpu.memory_space<vmem_shared>> -> memref<80x128xf32, #tpu.memory_space<vmem_shared>>
      tpu.wait_dma2 semaphore(%run_scoped3A_202 : memref<!tpu.dma_semaphore, #tpu.memory_space<semaphore_mem>>) src(%dma_wait3A_210 : memref<80x128xf32, #tpu.memory_space<vmem_shared>>) dst(%arg12 : memref<80x128xf32, #tpu.memory_space<vmem>>)
      tpu.yield
    }) : () -> ()
    "tpu.region"() ({
      %run_scoped3A_202 = tpu.sem_alloc : memref<!tpu.dma_semaphore, #tpu.memory_space<semaphore_mem>>
      %dma_start3A_203 = arith.constant 0 : i32
      %dma_start3A_204 = tpu.memref_slice %arg7[%arg0, %add3A_74, %dma_start3A_203] : memref<2x10240x128xf32, #tpu.memory_space<hbm>> -> memref<1x80x128xf32, #tpu.memory_space<hbm>>
      %dma_start3A_205 = tpu.memref_squeeze %dma_start3A_204 : memref<1x80x128xf32, #tpu.memory_space<hbm>> -> memref<80x128xf32, #tpu.memory_space<hbm>>
      %dma_start3A_206 = arith.constant 0 : i32
      %dma_start3A_207 = tpu.memref_slice %arg7[%arg0, %add3A_74, %dma_start3A_206] : memref<2x10240x128xf32, #tpu.memory_space<hbm>> -> memref<1x80x128xf32, #tpu.memory_space<hbm>>
      %dma_start3A_208 = tpu.memref_squeeze %dma_start3A_207 : memref<1x80x128xf32, #tpu.memory_space<hbm>> -> memref<80x128xf32, #tpu.memory_space<hbm>>
      tpu.enqueue_dma source(%arg12 : memref<80x128xf32, #tpu.memory_space<vmem>>) target(%dma_start3A_208 : memref<80x128xf32, #tpu.memory_space<hbm>>) target_semaphore(%run_scoped3A_202 : memref<!tpu.dma_semaphore, #tpu.memory_space<semaphore_mem>>)
      %dma_wait3A_209 = arith.constant 0 : i32
      %dma_wait3A_210 = tpu.memref_slice %arg7[%arg0, %add3A_74, %dma_wait3A_209] : memref<2x10240x128xf32, #tpu.memory_space<hbm>> -> memref<1x80x128xf32, #tpu.memory_space<hbm>>
      %dma_wait3A_211 = tpu.memref_squeeze %dma_wait3A_210 : memref<1x80x128xf32, #tpu.memory_space<hbm>> -> memref<80x128xf32, #tpu.memory_space<hbm>>
      %dma_wait3A_212 = arith.constant 0 : i32
      %dma_wait3A_213 = tpu.memref_slice %arg7[%arg0, %add3A_74, %dma_wait3A_212] : memref<2x10240x128xf32, #tpu.memory_space<hbm>> -> memref<1x80x128xf32, #tpu.memory_space<hbm>>
      %dma_wait3A_214 = tpu.memref_squeeze %dma_wait3A_213 : memref<1x80x128xf32, #tpu.memory_space<hbm>> -> memref<80x128xf32, #tpu.memory_space<hbm>>
      tpu.wait_dma2 semaphore(%run_scoped3A_202 : memref<!tpu.dma_semaphore, #tpu.memory_space<semaphore_mem>>) src(%arg12 : memref<80x128xf32, #tpu.memory_space<vmem>>) dst(%dma_wait3A_214 : memref<80x128xf32, #tpu.memory_space<hbm>>)
      tpu.yield
    }) : () -> ()
    "tpu.region"() ({
      %run_scoped3A_202 = tpu.sem_alloc : memref<!tpu.dma_semaphore, #tpu.memory_space<semaphore_mem>>
      tpu.enqueue_dma source(%arg4 : memref<80x128xf32, #tpu.memory_space<hbm>>) target(%arg12 : memref<80x128xf32, #tpu.memory_space<vmem>>) target_semaphore(%run_scoped3A_202 : memref<!tpu.dma_semaphore, #tpu.memory_space<semaphore_mem>>)
      tpu.wait_dma2 semaphore(%run_scoped3A_202 : memref<!tpu.dma_semaphore, #tpu.memory_space<semaphore_mem>>) src(%arg4 : memref<80x128xf32, #tpu.memory_space<hbm>>) dst(%arg12 : memref<80x128xf32, #tpu.memory_space<vmem>>)
      tpu.yield
    }) : () -> ()
    %add3A_75 = arith.constant 0 : i32
    %add3A_76 = arith.addi %mul3A_2, %add3A_75 : i32
    "tpu.region"() ({
      %run_scoped3A_202 = tpu.sem_alloc : memref<!tpu.dma_semaphore, #tpu.memory_space<semaphore_mem>>
      %dma_start3A_203 = arith.constant 0 : i32
      %dma_start3A_204 = tpu.memref_slice %arg14[%add3A_76, %dma_start3A_203] : memref<10240x128xf32, #tpu.memory_space<vmem_shared>> -> memref<80x128xf32, #tpu.memory_space<vmem_shared>>
      %dma_start3A_205 = arith.constant 0 : i32
      %dma_start3A_206 = tpu.memref_slice %arg14[%add3A_76, %dma_start3A_205] : memref<10240x128xf32, #tpu.memory_space<vmem_shared>> -> memref<80x128xf32, #tpu.memory_space<vmem_shared>>
      tpu.enqueue_dma source(%arg12 : memref<80x128xf32, #tpu.memory_space<vmem>>) target(%dma_start3A_206 : memref<80x128xf32, #tpu.memory_space<vmem_shared>>) target_semaphore(%run_scoped3A_202 : memref<!tpu.dma_semaphore, #tpu.memory_space<semaphore_mem>>)
      %dma_wait3A_207 = arith.constant 0 : i32
      %dma_wait3A_208 = tpu.memref_slice %arg14[%add3A_76, %dma_wait3A_207] : memref<10240x128xf32, #tpu.memory_space<vmem_shared>> -> memref<80x128xf32, #tpu.memory_space<vmem_shared>>
      %dma_wait3A_209 = arith.constant 0 : i32
      %dma_wait3A_210 = tpu.memref_slice %arg14[%add3A_76, %dma_wait3A_209] : memref<10240x128xf32, #tpu.memory_space<vmem_shared>> -> memref<80x128xf32, #tpu.memory_space<vmem_shared>>
      tpu.wait_dma2 semaphore(%run_scoped3A_202 : memref<!tpu.dma_semaphore, #tpu.memory_space<semaphore_mem>>) src(%arg12 : memref<80x128xf32, #tpu.memory_space<vmem>>) dst(%dma_wait3A_210 : memref<80x128xf32, #tpu.memory_space<vmem_shared>>)
      tpu.yield
    }) : () -> ()
    %add3A_77 = arith.constant 80 : i32
    %add3A_78 = arith.addi %mul3A_2, %add3A_77 : i32
    "tpu.region"() ({
      %run_scoped3A_202 = tpu.sem_alloc : memref<!tpu.dma_semaphore, #tpu.memory_space<semaphore_mem>>
      %dma_start3A_203 = arith.constant 0 : i32
      %dma_start3A_204 = tpu.memref_slice %arg14[%add3A_78, %dma_start3A_203] : memref<10240x128xf32, #tpu.memory_space<vmem_shared>> -> memref<80x128xf32, #tpu.memory_space<vmem_shared>>
      %dma_start3A_205 = arith.constant 0 : i32
      %dma_start3A_206 = tpu.memref_slice %arg14[%add3A_78, %dma_start3A_205] : memref<10240x128xf32, #tpu.memory_space<vmem_shared>> -> memref<80x128xf32, #tpu.memory_space<vmem_shared>>
      tpu.enqueue_dma source(%arg12 : memref<80x128xf32, #tpu.memory_space<vmem>>) target(%dma_start3A_206 : memref<80x128xf32, #tpu.memory_space<vmem_shared>>) target_semaphore(%run_scoped3A_202 : memref<!tpu.dma_semaphore, #tpu.memory_space<semaphore_mem>>)
      %dma_wait3A_207 = arith.constant 0 : i32
      %dma_wait3A_208 = tpu.memref_slice %arg14[%add3A_78, %dma_wait3A_207] : memref<10240x128xf32, #tpu.memory_space<vmem_shared>> -> memref<80x128xf32, #tpu.memory_space<vmem_shared>>
      %dma_wait3A_209 = arith.constant 0 : i32
      %dma_wait3A_210 = tpu.memref_slice %arg14[%add3A_78, %dma_wait3A_209] : memref<10240x128xf32, #tpu.memory_space<vmem_shared>> -> memref<80x128xf32, #tpu.memory_space<vmem_shared>>
      tpu.wait_dma2 semaphore(%run_scoped3A_202 : memref<!tpu.dma_semaphore, #tpu.memory_space<semaphore_mem>>) src(%arg12 : memref<80x128xf32, #tpu.memory_space<vmem>>) dst(%dma_wait3A_210 : memref<80x128xf32, #tpu.memory_space<vmem_shared>>)
      tpu.yield
    }) : () -> ()
    %add3A_79 = arith.constant 160 : i32
    %add3A_80 = arith.addi %mul3A_2, %add3A_79 : i32
    "tpu.region"() ({
      %run_scoped3A_202 = tpu.sem_alloc : memref<!tpu.dma_semaphore, #tpu.memory_space<semaphore_mem>>
      %dma_start3A_203 = arith.constant 0 : i32
      %dma_start3A_204 = tpu.memref_slice %arg14[%add3A_80, %dma_start3A_203] : memref<10240x128xf32, #tpu.memory_space<vmem_shared>> -> memref<80x128xf32, #tpu.memory_space<vmem_shared>>
      %dma_start3A_205 = arith.constant 0 : i32
      %dma_start3A_206 = tpu.memref_slice %arg14[%add3A_80, %dma_start3A_205] : memref<10240x128xf32, #tpu.memory_space<vmem_shared>> -> memref<80x128xf32, #tpu.memory_space<vmem_shared>>
      tpu.enqueue_dma source(%arg12 : memref<80x128xf32, #tpu.memory_space<vmem>>) target(%dma_start3A_206 : memref<80x128xf32, #tpu.memory_space<vmem_shared>>) target_semaphore(%run_scoped3A_202 : memref<!tpu.dma_semaphore, #tpu.memory_space<semaphore_mem>>)
      %dma_wait3A_207 = arith.constant 0 : i32
      %dma_wait3A_208 = tpu.memref_slice %arg14[%add3A_80, %dma_wait3A_207] : memref<10240x128xf32, #tpu.memory_space<vmem_shared>> -> memref<80x128xf32, #tpu.memory_space<vmem_shared>>
      %dma_wait3A_209 = arith.constant 0 : i32
      %dma_wait3A_210 = tpu.memref_slice %arg14[%add3A_80, %dma_wait3A_209] : memref<10240x128xf32, #tpu.memory_space<vmem_shared>> -> memref<80x128xf32, #tpu.memory_space<vmem_shared>>
      tpu.wait_dma2 semaphore(%run_scoped3A_202 : memref<!tpu.dma_semaphore, #tpu.memory_space<semaphore_mem>>) src(%arg12 : memref<80x128xf32, #tpu.memory_space<vmem>>) dst(%dma_wait3A_210 : memref<80x128xf32, #tpu.memory_space<vmem_shared>>)
      tpu.yield
    }) : () -> ()
    %add3A_81 = arith.constant 240 : i32
    %add3A_82 = arith.addi %mul3A_2, %add3A_81 : i32
    "tpu.region"() ({
      %run_scoped3A_202 = tpu.sem_alloc : memref<!tpu.dma_semaphore, #tpu.memory_space<semaphore_mem>>
      %dma_start3A_203 = arith.constant 0 : i32
      %dma_start3A_204 = tpu.memref_slice %arg14[%add3A_82, %dma_start3A_203] : memref<10240x128xf32, #tpu.memory_space<vmem_shared>> -> memref<80x128xf32, #tpu.memory_space<vmem_shared>>
      %dma_start3A_205 = arith.constant 0 : i32
      %dma_start3A_206 = tpu.memref_slice %arg14[%add3A_82, %dma_start3A_205] : memref<10240x128xf32, #tpu.memory_space<vmem_shared>> -> memref<80x128xf32, #tpu.memory_space<vmem_shared>>
      tpu.enqueue_dma source(%arg12 : memref<80x128xf32, #tpu.memory_space<vmem>>) target(%dma_start3A_206 : memref<80x128xf32, #tpu.memory_space<vmem_shared>>) target_semaphore(%run_scoped3A_202 : memref<!tpu.dma_semaphore, #tpu.memory_space<semaphore_mem>>)
      %dma_wait3A_207 = arith.constant 0 : i32
      %dma_wait3A_208 = tpu.memref_slice %arg14[%add3A_82, %dma_wait3A_207] : memref<10240x128xf32, #tpu.memory_space<vmem_shared>> -> memref<80x128xf32, #tpu.memory_space<vmem_shared>>
      %dma_wait3A_209 = arith.constant 0 : i32
      %dma_wait3A_210 = tpu.memref_slice %arg14[%add3A_82, %dma_wait3A_209] : memref<10240x128xf32, #tpu.memory_space<vmem_shared>> -> memref<80x128xf32, #tpu.memory_space<vmem_shared>>
      tpu.wait_dma2 semaphore(%run_scoped3A_202 : memref<!tpu.dma_semaphore, #tpu.memory_space<semaphore_mem>>) src(%arg12 : memref<80x128xf32, #tpu.memory_space<vmem>>) dst(%dma_wait3A_210 : memref<80x128xf32, #tpu.memory_space<vmem_shared>>)
      tpu.yield
    }) : () -> ()
    %add3A_83 = arith.constant 320 : i32
    %add3A_84 = arith.addi %mul3A_2, %add3A_83 : i32
    "tpu.region"() ({
      %run_scoped3A_202 = tpu.sem_alloc : memref<!tpu.dma_semaphore, #tpu.memory_space<semaphore_mem>>
      %dma_start3A_203 = arith.constant 0 : i32
      %dma_start3A_204 = tpu.memref_slice %arg14[%add3A_84, %dma_start3A_203] : memref<10240x128xf32, #tpu.memory_space<vmem_shared>> -> memref<80x128xf32, #tpu.memory_space<vmem_shared>>
      %dma_start3A_205 = arith.constant 0 : i32
      %dma_start3A_206 = tpu.memref_slice %arg14[%add3A_84, %dma_start3A_205] : memref<10240x128xf32, #tpu.memory_space<vmem_shared>> -> memref<80x128xf32, #tpu.memory_space<vmem_shared>>
      tpu.enqueue_dma source(%arg12 : memref<80x128xf32, #tpu.memory_space<vmem>>) target(%dma_start3A_206 : memref<80x128xf32, #tpu.memory_space<vmem_shared>>) target_semaphore(%run_scoped3A_202 : memref<!tpu.dma_semaphore, #tpu.memory_space<semaphore_mem>>)
      %dma_wait3A_207 = arith.constant 0 : i32
      %dma_wait3A_208 = tpu.memref_slice %arg14[%add3A_84, %dma_wait3A_207] : memref<10240x128xf32, #tpu.memory_space<vmem_shared>> -> memref<80x128xf32, #tpu.memory_space<vmem_shared>>
      %dma_wait3A_209 = arith.constant 0 : i32
      %dma_wait3A_210 = tpu.memref_slice %arg14[%add3A_84, %dma_wait3A_209] : memref<10240x128xf32, #tpu.memory_space<vmem_shared>> -> memref<80x128xf32, #tpu.memory_space<vmem_shared>>
      tpu.wait_dma2 semaphore(%run_scoped3A_202 : memref<!tpu.dma_semaphore, #tpu.memory_space<semaphore_mem>>) src(%arg12 : memref<80x128xf32, #tpu.memory_space<vmem>>) dst(%dma_wait3A_210 : memref<80x128xf32, #tpu.memory_space<vmem_shared>>)
      tpu.yield
    }) : () -> ()
    %add3A_85 = arith.constant 400 : i32
    %add3A_86 = arith.addi %mul3A_2, %add3A_85 : i32
    "tpu.region"() ({
      %run_scoped3A_202 = tpu.sem_alloc : memref<!tpu.dma_semaphore, #tpu.memory_space<semaphore_mem>>
      %dma_start3A_203 = arith.constant 0 : i32
      %dma_start3A_204 = tpu.memref_slice %arg14[%add3A_86, %dma_start3A_203] : memref<10240x128xf32, #tpu.memory_space<vmem_shared>> -> memref<80x128xf32, #tpu.memory_space<vmem_shared>>
      %dma_start3A_205 = arith.constant 0 : i32
      %dma_start3A_206 = tpu.memref_slice %arg14[%add3A_86, %dma_start3A_205] : memref<10240x128xf32, #tpu.memory_space<vmem_shared>> -> memref<80x128xf32, #tpu.memory_space<vmem_shared>>
      tpu.enqueue_dma source(%arg12 : memref<80x128xf32, #tpu.memory_space<vmem>>) target(%dma_start3A_206 : memref<80x128xf32, #tpu.memory_space<vmem_shared>>) target_semaphore(%run_scoped3A_202 : memref<!tpu.dma_semaphore, #tpu.memory_space<semaphore_mem>>)
      %dma_wait3A_207 = arith.constant 0 : i32
      %dma_wait3A_208 = tpu.memref_slice %arg14[%add3A_86, %dma_wait3A_207] : memref<10240x128xf32, #tpu.memory_space<vmem_shared>> -> memref<80x128xf32, #tpu.memory_space<vmem_shared>>
      %dma_wait3A_209 = arith.constant 0 : i32
      %dma_wait3A_210 = tpu.memref_slice %arg14[%add3A_86, %dma_wait3A_209] : memref<10240x128xf32, #tpu.memory_space<vmem_shared>> -> memref<80x128xf32, #tpu.memory_space<vmem_shared>>
      tpu.wait_dma2 semaphore(%run_scoped3A_202 : memref<!tpu.dma_semaphore, #tpu.memory_space<semaphore_mem>>) src(%arg12 : memref<80x128xf32, #tpu.memory_space<vmem>>) dst(%dma_wait3A_210 : memref<80x128xf32, #tpu.memory_space<vmem_shared>>)
      tpu.yield
    }) : () -> ()
    %add3A_87 = arith.constant 480 : i32
    %add3A_88 = arith.addi %mul3A_2, %add3A_87 : i32
    "tpu.region"() ({
      %run_scoped3A_202 = tpu.sem_alloc : memref<!tpu.dma_semaphore, #tpu.memory_space<semaphore_mem>>
      %dma_start3A_203 = arith.constant 0 : i32
      %dma_start3A_204 = tpu.memref_slice %arg14[%add3A_88, %dma_start3A_203] : memref<10240x128xf32, #tpu.memory_space<vmem_shared>> -> memref<80x128xf32, #tpu.memory_space<vmem_shared>>
      %dma_start3A_205 = arith.constant 0 : i32
      %dma_start3A_206 = tpu.memref_slice %arg14[%add3A_88, %dma_start3A_205] : memref<10240x128xf32, #tpu.memory_space<vmem_shared>> -> memref<80x128xf32, #tpu.memory_space<vmem_shared>>
      tpu.enqueue_dma source(%arg12 : memref<80x128xf32, #tpu.memory_space<vmem>>) target(%dma_start3A_206 : memref<80x128xf32, #tpu.memory_space<vmem_shared>>) target_semaphore(%run_scoped3A_202 : memref<!tpu.dma_semaphore, #tpu.memory_space<semaphore_mem>>)
      %dma_wait3A_207 = arith.constant 0 : i32
      %dma_wait3A_208 = tpu.memref_slice %arg14[%add3A_88, %dma_wait3A_207] : memref<10240x128xf32, #tpu.memory_space<vmem_shared>> -> memref<80x128xf32, #tpu.memory_space<vmem_shared>>
      %dma_wait3A_209 = arith.constant 0 : i32
      %dma_wait3A_210 = tpu.memref_slice %arg14[%add3A_88, %dma_wait3A_209] : memref<10240x128xf32, #tpu.memory_space<vmem_shared>> -> memref<80x128xf32, #tpu.memory_space<vmem_shared>>
      tpu.wait_dma2 semaphore(%run_scoped3A_202 : memref<!tpu.dma_semaphore, #tpu.memory_space<semaphore_mem>>) src(%arg12 : memref<80x128xf32, #tpu.memory_space<vmem>>) dst(%dma_wait3A_210 : memref<80x128xf32, #tpu.memory_space<vmem_shared>>)
      tpu.yield
    }) : () -> ()
    %add3A_89 = arith.constant 560 : i32
    %add3A_90 = arith.addi %mul3A_2, %add3A_89 : i32
    "tpu.region"() ({
      %run_scoped3A_202 = tpu.sem_alloc : memref<!tpu.dma_semaphore, #tpu.memory_space<semaphore_mem>>
      %dma_start3A_203 = arith.constant 0 : i32
      %dma_start3A_204 = tpu.memref_slice %arg14[%add3A_90, %dma_start3A_203] : memref<10240x128xf32, #tpu.memory_space<vmem_shared>> -> memref<80x128xf32, #tpu.memory_space<vmem_shared>>
      %dma_start3A_205 = arith.constant 0 : i32
      %dma_start3A_206 = tpu.memref_slice %arg14[%add3A_90, %dma_start3A_205] : memref<10240x128xf32, #tpu.memory_space<vmem_shared>> -> memref<80x128xf32, #tpu.memory_space<vmem_shared>>
      tpu.enqueue_dma source(%arg12 : memref<80x128xf32, #tpu.memory_space<vmem>>) target(%dma_start3A_206 : memref<80x128xf32, #tpu.memory_space<vmem_shared>>) target_semaphore(%run_scoped3A_202 : memref<!tpu.dma_semaphore, #tpu.memory_space<semaphore_mem>>)
      %dma_wait3A_207 = arith.constant 0 : i32
      %dma_wait3A_208 = tpu.memref_slice %arg14[%add3A_90, %dma_wait3A_207] : memref<10240x128xf32, #tpu.memory_space<vmem_shared>> -> memref<80x128xf32, #tpu.memory_space<vmem_shared>>
      %dma_wait3A_209 = arith.constant 0 : i32
      %dma_wait3A_210 = tpu.memref_slice %arg14[%add3A_90, %dma_wait3A_209] : memref<10240x128xf32, #tpu.memory_space<vmem_shared>> -> memref<80x128xf32, #tpu.memory_space<vmem_shared>>
      tpu.wait_dma2 semaphore(%run_scoped3A_202 : memref<!tpu.dma_semaphore, #tpu.memory_space<semaphore_mem>>) src(%arg12 : memref<80x128xf32, #tpu.memory_space<vmem>>) dst(%dma_wait3A_210 : memref<80x128xf32, #tpu.memory_space<vmem_shared>>)
      tpu.yield
    }) : () -> ()
    %barrier3A_91 = arith.constant 0 : index
    tpu.barrier barrier_id(%barrier3A_91)
    %dma_start3A_92 = arith.constant 0 : i32
    %dma_start3A_93 = arith.constant 0 : i32
    %dma_start3A_94 = arith.constant 0 : i32
    %dma_start3A_95 = tpu.memref_slice %arg3[%add3A, %dma_start3A_92, %dma_start3A_93, %dma_start3A_94] : memref<32x128x2x80xi32, #tpu.memory_space<hbm>> -> memref<1x1x2x80xi32, #tpu.memory_space<hbm>>
    %dma_start3A_96 = tpu.memref_squeeze %dma_start3A_95 : memref<1x1x2x80xi32, #tpu.memory_space<hbm>> -> memref<2x80xi32, #tpu.memory_space<hbm>>
    %dma_start3A_97 = arith.constant 0 : i32
    %dma_start3A_98 = arith.constant 0 : i32
    %dma_start3A_99 = tpu.memref_slice %arg3[%add3A, %dma_start3A_92, %dma_start3A_97, %dma_start3A_98] : memref<32x128x2x80xi32, #tpu.memory_space<hbm>> -> memref<1x1x2x80xi32, #tpu.memory_space<hbm>>
    %dma_start3A_100 = tpu.memref_squeeze %dma_start3A_99 : memref<1x1x2x80xi32, #tpu.memory_space<hbm>> -> memref<2x80xi32, #tpu.memory_space<hbm>>
    tpu.enqueue_dma source(%dma_start3A_100 : memref<2x80xi32, #tpu.memory_space<hbm>>) target(%arg8 : memref<2x80xi32, #tpu.memory_space<vmem>>) target_semaphore(%arg19 : memref<!tpu.dma_semaphore, #tpu.memory_space<semaphore_mem>>)
    %dma_start3A_101 = arith.constant 1 : i32
    %dma_start3A_102 = arith.constant 0 : i32
    %dma_start3A_103 = arith.constant 0 : i32
    %dma_start3A_104 = tpu.memref_slice %arg3[%add3A, %dma_start3A_101, %dma_start3A_102, %dma_start3A_103] : memref<32x128x2x80xi32, #tpu.memory_space<hbm>> -> memref<1x1x2x80xi32, #tpu.memory_space<hbm>>
    %dma_start3A_105 = tpu.memref_squeeze %dma_start3A_104 : memref<1x1x2x80xi32, #tpu.memory_space<hbm>> -> memref<2x80xi32, #tpu.memory_space<hbm>>
    %dma_start3A_106 = arith.constant 0 : i32
    %dma_start3A_107 = arith.constant 0 : i32
    %dma_start3A_108 = tpu.memref_slice %arg3[%add3A, %dma_start3A_101, %dma_start3A_106, %dma_start3A_107] : memref<32x128x2x80xi32, #tpu.memory_space<hbm>> -> memref<1x1x2x80xi32, #tpu.memory_space<hbm>>
    %dma_start3A_109 = tpu.memref_squeeze %dma_start3A_108 : memref<1x1x2x80xi32, #tpu.memory_space<hbm>> -> memref<2x80xi32, #tpu.memory_space<hbm>>
    tpu.enqueue_dma source(%dma_start3A_109 : memref<2x80xi32, #tpu.memory_space<hbm>>) target(%arg9 : memref<2x80xi32, #tpu.memory_space<vmem>>) target_semaphore(%arg20 : memref<!tpu.dma_semaphore, #tpu.memory_space<semaphore_mem>>)
    %dma_start3A_110 = arith.constant 2 : i32
    %dma_start3A_111 = arith.constant 0 : i32
    %dma_start3A_112 = arith.constant 0 : i32
    %dma_start3A_113 = tpu.memref_slice %arg3[%add3A, %dma_start3A_110, %dma_start3A_111, %dma_start3A_112] : memref<32x128x2x80xi32, #tpu.memory_space<hbm>> -> memref<1x1x2x80xi32, #tpu.memory_space<hbm>>
    %dma_start3A_114 = tpu.memref_squeeze %dma_start3A_113 : memref<1x1x2x80xi32, #tpu.memory_space<hbm>> -> memref<2x80xi32, #tpu.memory_space<hbm>>
    %dma_start3A_115 = arith.constant 0 : i32
    %dma_start3A_116 = arith.constant 0 : i32
    %dma_start3A_117 = tpu.memref_slice %arg3[%add3A, %dma_start3A_110, %dma_start3A_115, %dma_start3A_116] : memref<32x128x2x80xi32, #tpu.memory_space<hbm>> -> memref<1x1x2x80xi32, #tpu.memory_space<hbm>>
    %dma_start3A_118 = tpu.memref_squeeze %dma_start3A_117 : memref<1x1x2x80xi32, #tpu.memory_space<hbm>> -> memref<2x80xi32, #tpu.memory_space<hbm>>
    tpu.enqueue_dma source(%dma_start3A_118 : memref<2x80xi32, #tpu.memory_space<hbm>>) target(%arg10 : memref<2x80xi32, #tpu.memory_space<vmem>>) target_semaphore(%arg21 : memref<!tpu.dma_semaphore, #tpu.memory_space<semaphore_mem>>)
    %dma_start3A_119 = arith.constant 3 : i32
    %dma_start3A_120 = arith.constant 0 : i32
    %dma_start3A_121 = arith.constant 0 : i32
    %dma_start3A_122 = tpu.memref_slice %arg3[%add3A, %dma_start3A_119, %dma_start3A_120, %dma_start3A_121] : memref<32x128x2x80xi32, #tpu.memory_space<hbm>> -> memref<1x1x2x80xi32, #tpu.memory_space<hbm>>
    %dma_start3A_123 = tpu.memref_squeeze %dma_start3A_122 : memref<1x1x2x80xi32, #tpu.memory_space<hbm>> -> memref<2x80xi32, #tpu.memory_space<hbm>>
    %dma_start3A_124 = arith.constant 0 : i32
    %dma_start3A_125 = arith.constant 0 : i32
    %dma_start3A_126 = tpu.memref_slice %arg3[%add3A, %dma_start3A_119, %dma_start3A_124, %dma_start3A_125] : memref<32x128x2x80xi32, #tpu.memory_space<hbm>> -> memref<1x1x2x80xi32, #tpu.memory_space<hbm>>
    %dma_start3A_127 = tpu.memref_squeeze %dma_start3A_126 : memref<1x1x2x80xi32, #tpu.memory_space<hbm>> -> memref<2x80xi32, #tpu.memory_space<hbm>>
    tpu.enqueue_dma source(%dma_start3A_127 : memref<2x80xi32, #tpu.memory_space<hbm>>) target(%arg11 : memref<2x80xi32, #tpu.memory_space<vmem>>) target_semaphore(%arg22 : memref<!tpu.dma_semaphore, #tpu.memory_space<semaphore_mem>>)
    %dma_wait3A_128 = arith.constant 0 : i32
    %dma_wait3A_129 = arith.constant 0 : i32
    %dma_wait3A_130 = arith.constant 0 : i32
    %dma_wait3A_131 = tpu.memref_slice %arg3[%add3A, %dma_wait3A_128, %dma_wait3A_129, %dma_wait3A_130] : memref<32x128x2x80xi32, #tpu.memory_space<hbm>> -> memref<1x1x2x80xi32, #tpu.memory_space<hbm>>
    %dma_wait3A_132 = tpu.memref_squeeze %dma_wait3A_131 : memref<1x1x2x80xi32, #tpu.memory_space<hbm>> -> memref<2x80xi32, #tpu.memory_space<hbm>>
    %dma_wait3A_133 = arith.constant 0 : i32
    %dma_wait3A_134 = arith.constant 0 : i32
    %dma_wait3A_135 = tpu.memref_slice %arg3[%add3A, %dma_wait3A_128, %dma_wait3A_133, %dma_wait3A_134] : memref<32x128x2x80xi32, #tpu.memory_space<hbm>> -> memref<1x1x2x80xi32, #tpu.memory_space<hbm>>
    %dma_wait3A_136 = tpu.memref_squeeze %dma_wait3A_135 : memref<1x1x2x80xi32, #tpu.memory_space<hbm>> -> memref<2x80xi32, #tpu.memory_space<hbm>>
    tpu.wait_dma2 semaphore(%arg19 : memref<!tpu.dma_semaphore, #tpu.memory_space<semaphore_mem>>) src(%dma_wait3A_136 : memref<2x80xi32, #tpu.memory_space<hbm>>) dst(%arg8 : memref<2x80xi32, #tpu.memory_space<vmem>>)
    %dma_start3A_137 = arith.constant 0 : i32
    %dma_start3A_138 = arith.constant 0 : i32
    %dma_start3A_139 = tpu.memref_slice %arg8[%dma_start3A_137, %dma_start3A_138] : memref<2x80xi32, #tpu.memory_space<vmem>> -> memref<1x80xi32, #tpu.memory_space<vmem>>
    %dma_start3A_140 = tpu.memref_squeeze %dma_start3A_139 : memref<1x80xi32, #tpu.memory_space<vmem>> -> memref<80xi32, #tpu.memory_space<vmem>>
    %dma_start3A_141 = arith.constant 0 : i32
    %dma_start3A_142 = arith.constant 0 : i32
    %dma_start3A_143 = tpu.memref_slice %arg2[%dma_start3A_141, %dma_start3A_142] : memref<10000x128xf32, #tpu.memory_space<hbm>> -> memref<10000x128xf32, #tpu.memory_space<hbm>>
    tpu.enqueue_indirect_dma source(%dma_start3A_143 : memref<10000x128xf32, #tpu.memory_space<hbm>>) target(%arg12 : memref<80x128xf32, #tpu.memory_space<vmem>>) offsets(%dma_start3A_140 : memref<80xi32, #tpu.memory_space<vmem>>) semaphore(%arg15 : memref<!tpu.dma_semaphore, #tpu.memory_space<semaphore_mem>>)
    %dma_wait3A_144 = arith.constant 0 : i32
    %dma_wait3A_145 = arith.constant 0 : i32
    %dma_wait3A_146 = arith.constant 0 : i32
    %dma_wait3A_147 = tpu.memref_slice %arg3[%add3A, %dma_wait3A_144, %dma_wait3A_145, %dma_wait3A_146] : memref<32x128x2x80xi32, #tpu.memory_space<hbm>> -> memref<1x1x2x80xi32, #tpu.memory_space<hbm>>
    %dma_wait3A_148 = tpu.memref_squeeze %dma_wait3A_147 : memref<1x1x2x80xi32, #tpu.memory_space<hbm>> -> memref<2x80xi32, #tpu.memory_space<hbm>>
    %dma_wait3A_149 = arith.constant 0 : i32
    %dma_wait3A_150 = arith.constant 0 : i32
    %dma_wait3A_151 = tpu.memref_slice %arg3[%add3A, %dma_wait3A_144, %dma_wait3A_149, %dma_wait3A_150] : memref<32x128x2x80xi32, #tpu.memory_space<hbm>> -> memref<1x1x2x80xi32, #tpu.memory_space<hbm>>
    %dma_wait3A_152 = tpu.memref_squeeze %dma_wait3A_151 : memref<1x1x2x80xi32, #tpu.memory_space<hbm>> -> memref<2x80xi32, #tpu.memory_space<hbm>>
    tpu.wait_dma2 semaphore(%arg20 : memref<!tpu.dma_semaphore, #tpu.memory_space<semaphore_mem>>) src(%dma_wait3A_152 : memref<2x80xi32, #tpu.memory_space<hbm>>) dst(%arg9 : memref<2x80xi32, #tpu.memory_space<vmem>>)
    %dma_start3A_153 = arith.constant 0 : i32
    %dma_start3A_154 = arith.constant 0 : i32
    %dma_start3A_155 = tpu.memref_slice %arg9[%dma_start3A_153, %dma_start3A_154] : memref<2x80xi32, #tpu.memory_space<vmem>> -> memref<1x80xi32, #tpu.memory_space<vmem>>
    %dma_start3A_156 = tpu.memref_squeeze %dma_start3A_155 : memref<1x80xi32, #tpu.memory_space<vmem>> -> memref<80xi32, #tpu.memory_space<vmem>>
    %dma_start3A_157 = arith.constant 0 : i32
    %dma_start3A_158 = arith.constant 0 : i32
    %dma_start3A_159 = tpu.memref_slice %arg2[%dma_start3A_157, %dma_start3A_158] : memref<10000x128xf32, #tpu.memory_space<hbm>> -> memref<10000x128xf32, #tpu.memory_space<hbm>>
    tpu.enqueue_indirect_dma source(%dma_start3A_159 : memref<10000x128xf32, #tpu.memory_space<hbm>>) target(%arg13 : memref<80x128xf32, #tpu.memory_space<vmem>>) offsets(%dma_start3A_156 : memref<80xi32, #tpu.memory_space<vmem>>) semaphore(%arg16 : memref<!tpu.dma_semaphore, #tpu.memory_space<semaphore_mem>>)
    %scan3A_160 = arith.constant 0 : i32
    %scan3A_161 = arith.constant 0 : i32
    %scan3A_162 = arith.constant 31 : i32
    %scan3A_163 = arith.addi %scan3A_161, %scan3A_162 : i32
    %scan3A_164 = arith.constant 1 : i32
    scf.for %scan3A_202 = %scan3A_161 to %scan3A_163 step %scan3A_164  : i32 {
      %mul3A_203 = arith.constant 4 : i32
      %mul3A_204 = arith.muli %mul3A_203, %scan3A_202 : i32
      tpu.wait_dma2 semaphore(%arg15 : memref<!tpu.dma_semaphore, #tpu.memory_space<semaphore_mem>>) src(%arg4 : memref<80x128xf32, #tpu.memory_space<hbm>>) dst(%arg12 : memref<80x128xf32, #tpu.memory_space<vmem>>)
      %run_scoped3A_205 = arith.constant 1 : i32
      "tpu.region"() ({
        %run_scoped3A_321 = tpu.sem_alloc : memref<!tpu.dma_semaphore, #tpu.memory_space<semaphore_mem>>
        %dma_start3A_322 = arith.constant 0 : i32
        %dma_start3A_323 = tpu.memref_slice %arg8[%run_scoped3A_205, %dma_start3A_322] : memref<2x80xi32, #tpu.memory_space<vmem>> -> memref<1x80xi32, #tpu.memory_space<vmem>>
        %dma_start3A_324 = tpu.memref_squeeze %dma_start3A_323 : memref<1x80xi32, #tpu.memory_space<vmem>> -> memref<80xi32, #tpu.memory_space<vmem>>
        %dma_start3A_325 = arith.constant 0 : i32
        %dma_start3A_326 = arith.constant 0 : i32
        %dma_start3A_327 = tpu.memref_slice %arg14[%dma_start3A_325, %dma_start3A_326] : memref<10240x128xf32, #tpu.memory_space<vmem_shared>> -> memref<10240x128xf32, #tpu.memory_space<vmem_shared>>
        tpu.enqueue_indirect_dma source(%arg12 : memref<80x128xf32, #tpu.memory_space<vmem>>) target(%dma_start3A_327 : memref<10240x128xf32, #tpu.memory_space<vmem_shared>>) offsets(%dma_start3A_324 : memref<80xi32, #tpu.memory_space<vmem>>) semaphore(%run_scoped3A_321 : memref<!tpu.dma_semaphore, #tpu.memory_space<semaphore_mem>>) {add = true}
        %dma_wait3A_328 = arith.constant 0 : i32
        %dma_wait3A_329 = tpu.memref_slice %arg8[%run_scoped3A_205, %dma_wait3A_328] : memref<2x80xi32, #tpu.memory_space<vmem>> -> memref<1x80xi32, #tpu.memory_space<vmem>>
        %dma_wait3A_330 = tpu.memref_squeeze %dma_wait3A_329 : memref<1x80xi32, #tpu.memory_space<vmem>> -> memref<80xi32, #tpu.memory_space<vmem>>
        %dma_wait3A_331 = arith.constant 0 : i32
        %dma_wait3A_332 = arith.constant 0 : i32
        %dma_wait3A_333 = tpu.memref_slice %arg14[%dma_wait3A_331, %dma_wait3A_332] : memref<10240x128xf32, #tpu.memory_space<vmem_shared>> -> memref<10240x128xf32, #tpu.memory_space<vmem_shared>>
        tpu.wait_indirect_dma semaphore(%run_scoped3A_321 : memref<!tpu.dma_semaphore, #tpu.memory_space<semaphore_mem>>) src(%arg12 : memref<80x128xf32, #tpu.memory_space<vmem>>) dst(%dma_wait3A_333 : memref<10240x128xf32, #tpu.memory_space<vmem_shared>>)
        tpu.yield
      }) : () -> ()
      %dma_wait3A_206 = arith.constant 0 : i32
      %dma_wait3A_207 = arith.constant 0 : i32
      %dma_wait3A_208 = arith.constant 0 : i32
      %dma_wait3A_209 = tpu.memref_slice %arg3[%add3A, %dma_wait3A_206, %dma_wait3A_207, %dma_wait3A_208] : memref<32x128x2x80xi32, #tpu.memory_space<hbm>> -> memref<1x1x2x80xi32, #tpu.memory_space<hbm>>
      %dma_wait3A_210 = tpu.memref_squeeze %dma_wait3A_209 : memref<1x1x2x80xi32, #tpu.memory_space<hbm>> -> memref<2x80xi32, #tpu.memory_space<hbm>>
      %dma_wait3A_211 = arith.constant 0 : i32
      %dma_wait3A_212 = arith.constant 0 : i32
      %dma_wait3A_213 = tpu.memref_slice %arg3[%add3A, %dma_wait3A_206, %dma_wait3A_211, %dma_wait3A_212] : memref<32x128x2x80xi32, #tpu.memory_space<hbm>> -> memref<1x1x2x80xi32, #tpu.memory_space<hbm>>
      %dma_wait3A_214 = tpu.memref_squeeze %dma_wait3A_213 : memref<1x1x2x80xi32, #tpu.memory_space<hbm>> -> memref<2x80xi32, #tpu.memory_space<hbm>>
      tpu.wait_dma2 semaphore(%arg21 : memref<!tpu.dma_semaphore, #tpu.memory_space<semaphore_mem>>) src(%dma_wait3A_214 : memref<2x80xi32, #tpu.memory_space<hbm>>) dst(%arg10 : memref<2x80xi32, #tpu.memory_space<vmem>>)
      %dma_start3A_215 = arith.constant 0 : i32
      %dma_start3A_216 = arith.constant 0 : i32
      %dma_start3A_217 = tpu.memref_slice %arg10[%dma_start3A_215, %dma_start3A_216] : memref<2x80xi32, #tpu.memory_space<vmem>> -> memref<1x80xi32, #tpu.memory_space<vmem>>
      %dma_start3A_218 = tpu.memref_squeeze %dma_start3A_217 : memref<1x80xi32, #tpu.memory_space<vmem>> -> memref<80xi32, #tpu.memory_space<vmem>>
      %dma_start3A_219 = arith.constant 0 : i32
      %dma_start3A_220 = arith.constant 0 : i32
      %dma_start3A_221 = tpu.memref_slice %arg2[%dma_start3A_219, %dma_start3A_220] : memref<10000x128xf32, #tpu.memory_space<hbm>> -> memref<10000x128xf32, #tpu.memory_space<hbm>>
      tpu.enqueue_indirect_dma source(%dma_start3A_221 : memref<10000x128xf32, #tpu.memory_space<hbm>>) target(%arg12 : memref<80x128xf32, #tpu.memory_space<vmem>>) offsets(%dma_start3A_218 : memref<80xi32, #tpu.memory_space<vmem>>) semaphore(%arg15 : memref<!tpu.dma_semaphore, #tpu.memory_space<semaphore_mem>>)
      %add3A_222 = arith.constant 0 : i32
      %add3A_223 = arith.addi %mul3A_204, %add3A_222 : i32
      %add3A_224 = arith.constant 4 : i32
      %add3A_225 = arith.addi %add3A_223, %add3A_224 : i32
      %dma_start3A_226 = arith.constant 0 : i32
      %dma_start3A_227 = arith.constant 0 : i32
      %dma_start3A_228 = tpu.memref_slice %arg3[%add3A, %add3A_225, %dma_start3A_226, %dma_start3A_227] : memref<32x128x2x80xi32, #tpu.memory_space<hbm>> -> memref<1x1x2x80xi32, #tpu.memory_space<hbm>>
      %dma_start3A_229 = tpu.memref_squeeze %dma_start3A_228 : memref<1x1x2x80xi32, #tpu.memory_space<hbm>> -> memref<2x80xi32, #tpu.memory_space<hbm>>
      %dma_start3A_230 = arith.constant 0 : i32
      %dma_start3A_231 = arith.constant 0 : i32
      %dma_start3A_232 = tpu.memref_slice %arg3[%add3A, %add3A_225, %dma_start3A_230, %dma_start3A_231] : memref<32x128x2x80xi32, #tpu.memory_space<hbm>> -> memref<1x1x2x80xi32, #tpu.memory_space<hbm>>
      %dma_start3A_233 = tpu.memref_squeeze %dma_start3A_232 : memref<1x1x2x80xi32, #tpu.memory_space<hbm>> -> memref<2x80xi32, #tpu.memory_space<hbm>>
      tpu.enqueue_dma source(%dma_start3A_233 : memref<2x80xi32, #tpu.memory_space<hbm>>) target(%arg8 : memref<2x80xi32, #tpu.memory_space<vmem>>) target_semaphore(%arg19 : memref<!tpu.dma_semaphore, #tpu.memory_space<semaphore_mem>>)
      tpu.wait_dma2 semaphore(%arg16 : memref<!tpu.dma_semaphore, #tpu.memory_space<semaphore_mem>>) src(%arg4 : memref<80x128xf32, #tpu.memory_space<hbm>>) dst(%arg13 : memref<80x128xf32, #tpu.memory_space<vmem>>)
      %run_scoped3A_234 = arith.constant 1 : i32
      "tpu.region"() ({
        %run_scoped3A_321 = tpu.sem_alloc : memref<!tpu.dma_semaphore, #tpu.memory_space<semaphore_mem>>
        %dma_start3A_322 = arith.constant 0 : i32
        %dma_start3A_323 = tpu.memref_slice %arg9[%run_scoped3A_234, %dma_start3A_322] : memref<2x80xi32, #tpu.memory_space<vmem>> -> memref<1x80xi32, #tpu.memory_space<vmem>>
        %dma_start3A_324 = tpu.memref_squeeze %dma_start3A_323 : memref<1x80xi32, #tpu.memory_space<vmem>> -> memref<80xi32, #tpu.memory_space<vmem>>
        %dma_start3A_325 = arith.constant 0 : i32
        %dma_start3A_326 = arith.constant 0 : i32
        %dma_start3A_327 = tpu.memref_slice %arg14[%dma_start3A_325, %dma_start3A_326] : memref<10240x128xf32, #tpu.memory_space<vmem_shared>> -> memref<10240x128xf32, #tpu.memory_space<vmem_shared>>
        tpu.enqueue_indirect_dma source(%arg13 : memref<80x128xf32, #tpu.memory_space<vmem>>) target(%dma_start3A_327 : memref<10240x128xf32, #tpu.memory_space<vmem_shared>>) offsets(%dma_start3A_324 : memref<80xi32, #tpu.memory_space<vmem>>) semaphore(%run_scoped3A_321 : memref<!tpu.dma_semaphore, #tpu.memory_space<semaphore_mem>>) {add = true}
        %dma_wait3A_328 = arith.constant 0 : i32
        %dma_wait3A_329 = tpu.memref_slice %arg9[%run_scoped3A_234, %dma_wait3A_328] : memref<2x80xi32, #tpu.memory_space<vmem>> -> memref<1x80xi32, #tpu.memory_space<vmem>>
        %dma_wait3A_330 = tpu.memref_squeeze %dma_wait3A_329 : memref<1x80xi32, #tpu.memory_space<vmem>> -> memref<80xi32, #tpu.memory_space<vmem>>
        %dma_wait3A_331 = arith.constant 0 : i32
        %dma_wait3A_332 = arith.constant 0 : i32
        %dma_wait3A_333 = tpu.memref_slice %arg14[%dma_wait3A_331, %dma_wait3A_332] : memref<10240x128xf32, #tpu.memory_space<vmem_shared>> -> memref<10240x128xf32, #tpu.memory_space<vmem_shared>>
        tpu.wait_indirect_dma semaphore(%run_scoped3A_321 : memref<!tpu.dma_semaphore, #tpu.memory_space<semaphore_mem>>) src(%arg13 : memref<80x128xf32, #tpu.memory_space<vmem>>) dst(%dma_wait3A_333 : memref<10240x128xf32, #tpu.memory_space<vmem_shared>>)
        tpu.yield
      }) : () -> ()
      %dma_wait3A_235 = arith.constant 0 : i32
      %dma_wait3A_236 = arith.constant 0 : i32
      %dma_wait3A_237 = arith.constant 0 : i32
      %dma_wait3A_238 = tpu.memref_slice %arg3[%add3A, %dma_wait3A_235, %dma_wait3A_236, %dma_wait3A_237] : memref<32x128x2x80xi32, #tpu.memory_space<hbm>> -> memref<1x1x2x80xi32, #tpu.memory_space<hbm>>
      %dma_wait3A_239 = tpu.memref_squeeze %dma_wait3A_238 : memref<1x1x2x80xi32, #tpu.memory_space<hbm>> -> memref<2x80xi32, #tpu.memory_space<hbm>>
      %dma_wait3A_240 = arith.constant 0 : i32
      %dma_wait3A_241 = arith.constant 0 : i32
      %dma_wait3A_242 = tpu.memref_slice %arg3[%add3A, %dma_wait3A_235, %dma_wait3A_240, %dma_wait3A_241] : memref<32x128x2x80xi32, #tpu.memory_space<hbm>> -> memref<1x1x2x80xi32, #tpu.memory_space<hbm>>
      %dma_wait3A_243 = tpu.memref_squeeze %dma_wait3A_242 : memref<1x1x2x80xi32, #tpu.memory_space<hbm>> -> memref<2x80xi32, #tpu.memory_space<hbm>>
      tpu.wait_dma2 semaphore(%arg22 : memref<!tpu.dma_semaphore, #tpu.memory_space<semaphore_mem>>) src(%dma_wait3A_243 : memref<2x80xi32, #tpu.memory_space<hbm>>) dst(%arg11 : memref<2x80xi32, #tpu.memory_space<vmem>>)
      %dma_start3A_244 = arith.constant 0 : i32
      %dma_start3A_245 = arith.constant 0 : i32
      %dma_start3A_246 = tpu.memref_slice %arg11[%dma_start3A_244, %dma_start3A_245] : memref<2x80xi32, #tpu.memory_space<vmem>> -> memref<1x80xi32, #tpu.memory_space<vmem>>
      %dma_start3A_247 = tpu.memref_squeeze %dma_start3A_246 : memref<1x80xi32, #tpu.memory_space<vmem>> -> memref<80xi32, #tpu.memory_space<vmem>>
      %dma_start3A_248 = arith.constant 0 : i32
      %dma_start3A_249 = arith.constant 0 : i32
      %dma_start3A_250 = tpu.memref_slice %arg2[%dma_start3A_248, %dma_start3A_249] : memref<10000x128xf32, #tpu.memory_space<hbm>> -> memref<10000x128xf32, #tpu.memory_space<hbm>>
      tpu.enqueue_indirect_dma source(%dma_start3A_250 : memref<10000x128xf32, #tpu.memory_space<hbm>>) target(%arg13 : memref<80x128xf32, #tpu.memory_space<vmem>>) offsets(%dma_start3A_247 : memref<80xi32, #tpu.memory_space<vmem>>) semaphore(%arg16 : memref<!tpu.dma_semaphore, #tpu.memory_space<semaphore_mem>>)
      %add3A_251 = arith.constant 1 : i32
      %add3A_252 = arith.addi %mul3A_204, %add3A_251 : i32
      %add3A_253 = arith.constant 4 : i32
      %add3A_254 = arith.addi %add3A_252, %add3A_253 : i32
      %dma_start3A_255 = arith.constant 0 : i32
      %dma_start3A_256 = arith.constant 0 : i32
      %dma_start3A_257 = tpu.memref_slice %arg3[%add3A, %add3A_254, %dma_start3A_255, %dma_start3A_256] : memref<32x128x2x80xi32, #tpu.memory_space<hbm>> -> memref<1x1x2x80xi32, #tpu.memory_space<hbm>>
      %dma_start3A_258 = tpu.memref_squeeze %dma_start3A_257 : memref<1x1x2x80xi32, #tpu.memory_space<hbm>> -> memref<2x80xi32, #tpu.memory_space<hbm>>
      %dma_start3A_259 = arith.constant 0 : i32
      %dma_start3A_260 = arith.constant 0 : i32
      %dma_start3A_261 = tpu.memref_slice %arg3[%add3A, %add3A_254, %dma_start3A_259, %dma_start3A_260] : memref<32x128x2x80xi32, #tpu.memory_space<hbm>> -> memref<1x1x2x80xi32, #tpu.memory_space<hbm>>
      %dma_start3A_262 = tpu.memref_squeeze %dma_start3A_261 : memref<1x1x2x80xi32, #tpu.memory_space<hbm>> -> memref<2x80xi32, #tpu.memory_space<hbm>>
      tpu.enqueue_dma source(%dma_start3A_262 : memref<2x80xi32, #tpu.memory_space<hbm>>) target(%arg9 : memref<2x80xi32, #tpu.memory_space<vmem>>) target_semaphore(%arg20 : memref<!tpu.dma_semaphore, #tpu.memory_space<semaphore_mem>>)
      tpu.wait_dma2 semaphore(%arg15 : memref<!tpu.dma_semaphore, #tpu.memory_space<semaphore_mem>>) src(%arg4 : memref<80x128xf32, #tpu.memory_space<hbm>>) dst(%arg12 : memref<80x128xf32, #tpu.memory_space<vmem>>)
      %run_scoped3A_263 = arith.constant 1 : i32
      "tpu.region"() ({
        %run_scoped3A_321 = tpu.sem_alloc : memref<!tpu.dma_semaphore, #tpu.memory_space<semaphore_mem>>
        %dma_start3A_322 = arith.constant 0 : i32
        %dma_start3A_323 = tpu.memref_slice %arg10[%run_scoped3A_263, %dma_start3A_322] : memref<2x80xi32, #tpu.memory_space<vmem>> -> memref<1x80xi32, #tpu.memory_space<vmem>>
        %dma_start3A_324 = tpu.memref_squeeze %dma_start3A_323 : memref<1x80xi32, #tpu.memory_space<vmem>> -> memref<80xi32, #tpu.memory_space<vmem>>
        %dma_start3A_325 = arith.constant 0 : i32
        %dma_start3A_326 = arith.constant 0 : i32
        %dma_start3A_327 = tpu.memref_slice %arg14[%dma_start3A_325, %dma_start3A_326] : memref<10240x128xf32, #tpu.memory_space<vmem_shared>> -> memref<10240x128xf32, #tpu.memory_space<vmem_shared>>
        tpu.enqueue_indirect_dma source(%arg12 : memref<80x128xf32, #tpu.memory_space<vmem>>) target(%dma_start3A_327 : memref<10240x128xf32, #tpu.memory_space<vmem_shared>>) offsets(%dma_start3A_324 : memref<80xi32, #tpu.memory_space<vmem>>) semaphore(%run_scoped3A_321 : memref<!tpu.dma_semaphore, #tpu.memory_space<semaphore_mem>>) {add = true}
        %dma_wait3A_328 = arith.constant 0 : i32
        %dma_wait3A_329 = tpu.memref_slice %arg10[%run_scoped3A_263, %dma_wait3A_328] : memref<2x80xi32, #tpu.memory_space<vmem>> -> memref<1x80xi32, #tpu.memory_space<vmem>>
        %dma_wait3A_330 = tpu.memref_squeeze %dma_wait3A_329 : memref<1x80xi32, #tpu.memory_space<vmem>> -> memref<80xi32, #tpu.memory_space<vmem>>
        %dma_wait3A_331 = arith.constant 0 : i32
        %dma_wait3A_332 = arith.constant 0 : i32
        %dma_wait3A_333 = tpu.memref_slice %arg14[%dma_wait3A_331, %dma_wait3A_332] : memref<10240x128xf32, #tpu.memory_space<vmem_shared>> -> memref<10240x128xf32, #tpu.memory_space<vmem_shared>>
        tpu.wait_indirect_dma semaphore(%run_scoped3A_321 : memref<!tpu.dma_semaphore, #tpu.memory_space<semaphore_mem>>) src(%arg12 : memref<80x128xf32, #tpu.memory_space<vmem>>) dst(%dma_wait3A_333 : memref<10240x128xf32, #tpu.memory_space<vmem_shared>>)
        tpu.yield
      }) : () -> ()
      %dma_wait3A_264 = arith.constant 0 : i32
      %dma_wait3A_265 = arith.constant 0 : i32
      %dma_wait3A_266 = arith.constant 0 : i32
      %dma_wait3A_267 = tpu.memref_slice %arg3[%add3A, %dma_wait3A_264, %dma_wait3A_265, %dma_wait3A_266] : memref<32x128x2x80xi32, #tpu.memory_space<hbm>> -> memref<1x1x2x80xi32, #tpu.memory_space<hbm>>
      %dma_wait3A_268 = tpu.memref_squeeze %dma_wait3A_267 : memref<1x1x2x80xi32, #tpu.memory_space<hbm>> -> memref<2x80xi32, #tpu.memory_space<hbm>>
      %dma_wait3A_269 = arith.constant 0 : i32
      %dma_wait3A_270 = arith.constant 0 : i32
      %dma_wait3A_271 = tpu.memref_slice %arg3[%add3A, %dma_wait3A_264, %dma_wait3A_269, %dma_wait3A_270] : memref<32x128x2x80xi32, #tpu.memory_space<hbm>> -> memref<1x1x2x80xi32, #tpu.memory_space<hbm>>
      %dma_wait3A_272 = tpu.memref_squeeze %dma_wait3A_271 : memref<1x1x2x80xi32, #tpu.memory_space<hbm>> -> memref<2x80xi32, #tpu.memory_space<hbm>>
      tpu.wait_dma2 semaphore(%arg19 : memref<!tpu.dma_semaphore, #tpu.memory_space<semaphore_mem>>) src(%dma_wait3A_272 : memref<2x80xi32, #tpu.memory_space<hbm>>) dst(%arg8 : memref<2x80xi32, #tpu.memory_space<vmem>>)
      %dma_start3A_273 = arith.constant 0 : i32
      %dma_start3A_274 = arith.constant 0 : i32
      %dma_start3A_275 = tpu.memref_slice %arg8[%dma_start3A_273, %dma_start3A_274] : memref<2x80xi32, #tpu.memory_space<vmem>> -> memref<1x80xi32, #tpu.memory_space<vmem>>
      %dma_start3A_276 = tpu.memref_squeeze %dma_start3A_275 : memref<1x80xi32, #tpu.memory_space<vmem>> -> memref<80xi32, #tpu.memory_space<vmem>>
      %dma_start3A_277 = arith.constant 0 : i32
      %dma_start3A_278 = arith.constant 0 : i32
      %dma_start3A_279 = tpu.memref_slice %arg2[%dma_start3A_277, %dma_start3A_278] : memref<10000x128xf32, #tpu.memory_space<hbm>> -> memref<10000x128xf32, #tpu.memory_space<hbm>>
      tpu.enqueue_indirect_dma source(%dma_start3A_279 : memref<10000x128xf32, #tpu.memory_space<hbm>>) target(%arg12 : memref<80x128xf32, #tpu.memory_space<vmem>>) offsets(%dma_start3A_276 : memref<80xi32, #tpu.memory_space<vmem>>) semaphore(%arg15 : memref<!tpu.dma_semaphore, #tpu.memory_space<semaphore_mem>>)
      %add3A_280 = arith.constant 2 : i32
      %add3A_281 = arith.addi %mul3A_204, %add3A_280 : i32
      %add3A_282 = arith.constant 4 : i32
      %add3A_283 = arith.addi %add3A_281, %add3A_282 : i32
      %dma_start3A_284 = arith.constant 0 : i32
      %dma_start3A_285 = arith.constant 0 : i32
      %dma_start3A_286 = tpu.memref_slice %arg3[%add3A, %add3A_283, %dma_start3A_284, %dma_start3A_285] : memref<32x128x2x80xi32, #tpu.memory_space<hbm>> -> memref<1x1x2x80xi32, #tpu.memory_space<hbm>>
      %dma_start3A_287 = tpu.memref_squeeze %dma_start3A_286 : memref<1x1x2x80xi32, #tpu.memory_space<hbm>> -> memref<2x80xi32, #tpu.memory_space<hbm>>
      %dma_start3A_288 = arith.constant 0 : i32
      %dma_start3A_289 = arith.constant 0 : i32
      %dma_start3A_290 = tpu.memref_slice %arg3[%add3A, %add3A_283, %dma_start3A_288, %dma_start3A_289] : memref<32x128x2x80xi32, #tpu.memory_space<hbm>> -> memref<1x1x2x80xi32, #tpu.memory_space<hbm>>
      %dma_start3A_291 = tpu.memref_squeeze %dma_start3A_290 : memref<1x1x2x80xi32, #tpu.memory_space<hbm>> -> memref<2x80xi32, #tpu.memory_space<hbm>>
      tpu.enqueue_dma source(%dma_start3A_291 : memref<2x80xi32, #tpu.memory_space<hbm>>) target(%arg10 : memref<2x80xi32, #tpu.memory_space<vmem>>) target_semaphore(%arg21 : memref<!tpu.dma_semaphore, #tpu.memory_space<semaphore_mem>>)
      tpu.wait_dma2 semaphore(%arg16 : memref<!tpu.dma_semaphore, #tpu.memory_space<semaphore_mem>>) src(%arg4 : memref<80x128xf32, #tpu.memory_space<hbm>>) dst(%arg13 : memref<80x128xf32, #tpu.memory_space<vmem>>)
      %run_scoped3A_292 = arith.constant 1 : i32
      "tpu.region"() ({
        %run_scoped3A_321 = tpu.sem_alloc : memref<!tpu.dma_semaphore, #tpu.memory_space<semaphore_mem>>
        %dma_start3A_322 = arith.constant 0 : i32
        %dma_start3A_323 = tpu.memref_slice %arg11[%run_scoped3A_292, %dma_start3A_322] : memref<2x80xi32, #tpu.memory_space<vmem>> -> memref<1x80xi32, #tpu.memory_space<vmem>>
        %dma_start3A_324 = tpu.memref_squeeze %dma_start3A_323 : memref<1x80xi32, #tpu.memory_space<vmem>> -> memref<80xi32, #tpu.memory_space<vmem>>
        %dma_start3A_325 = arith.constant 0 : i32
        %dma_start3A_326 = arith.constant 0 : i32
        %dma_start3A_327 = tpu.memref_slice %arg14[%dma_start3A_325, %dma_start3A_326] : memref<10240x128xf32, #tpu.memory_space<vmem_shared>> -> memref<10240x128xf32, #tpu.memory_space<vmem_shared>>
        tpu.enqueue_indirect_dma source(%arg13 : memref<80x128xf32, #tpu.memory_space<vmem>>) target(%dma_start3A_327 : memref<10240x128xf32, #tpu.memory_space<vmem_shared>>) offsets(%dma_start3A_324 : memref<80xi32, #tpu.memory_space<vmem>>) semaphore(%run_scoped3A_321 : memref<!tpu.dma_semaphore, #tpu.memory_space<semaphore_mem>>) {add = true}
        %dma_wait3A_328 = arith.constant 0 : i32
        %dma_wait3A_329 = tpu.memref_slice %arg11[%run_scoped3A_292, %dma_wait3A_328] : memref<2x80xi32, #tpu.memory_space<vmem>> -> memref<1x80xi32, #tpu.memory_space<vmem>>
        %dma_wait3A_330 = tpu.memref_squeeze %dma_wait3A_329 : memref<1x80xi32, #tpu.memory_space<vmem>> -> memref<80xi32, #tpu.memory_space<vmem>>
        %dma_wait3A_331 = arith.constant 0 : i32
        %dma_wait3A_332 = arith.constant 0 : i32
        %dma_wait3A_333 = tpu.memref_slice %arg14[%dma_wait3A_331, %dma_wait3A_332] : memref<10240x128xf32, #tpu.memory_space<vmem_shared>> -> memref<10240x128xf32, #tpu.memory_space<vmem_shared>>
        tpu.wait_indirect_dma semaphore(%run_scoped3A_321 : memref<!tpu.dma_semaphore, #tpu.memory_space<semaphore_mem>>) src(%arg13 : memref<80x128xf32, #tpu.memory_space<vmem>>) dst(%dma_wait3A_333 : memref<10240x128xf32, #tpu.memory_space<vmem_shared>>)
        tpu.yield
      }) : () -> ()
      %dma_wait3A_293 = arith.constant 0 : i32
      %dma_wait3A_294 = arith.constant 0 : i32
      %dma_wait3A_295 = arith.constant 0 : i32
      %dma_wait3A_296 = tpu.memref_slice %arg3[%add3A, %dma_wait3A_293, %dma_wait3A_294, %dma_wait3A_295] : memref<32x128x2x80xi32, #tpu.memory_space<hbm>> -> memref<1x1x2x80xi32, #tpu.memory_space<hbm>>
      %dma_wait3A_297 = tpu.memref_squeeze %dma_wait3A_296 : memref<1x1x2x80xi32, #tpu.memory_space<hbm>> -> memref<2x80xi32, #tpu.memory_space<hbm>>
      %dma_wait3A_298 = arith.constant 0 : i32
      %dma_wait3A_299 = arith.constant 0 : i32
      %dma_wait3A_300 = tpu.memref_slice %arg3[%add3A, %dma_wait3A_293, %dma_wait3A_298, %dma_wait3A_299] : memref<32x128x2x80xi32, #tpu.memory_space<hbm>> -> memref<1x1x2x80xi32, #tpu.memory_space<hbm>>
      %dma_wait3A_301 = tpu.memref_squeeze %dma_wait3A_300 : memref<1x1x2x80xi32, #tpu.memory_space<hbm>> -> memref<2x80xi32, #tpu.memory_space<hbm>>
      tpu.wait_dma2 semaphore(%arg20 : memref<!tpu.dma_semaphore, #tpu.memory_space<semaphore_mem>>) src(%dma_wait3A_301 : memref<2x80xi32, #tpu.memory_space<hbm>>) dst(%arg9 : memref<2x80xi32, #tpu.memory_space<vmem>>)
      %dma_start3A_302 = arith.constant 0 : i32
      %dma_start3A_303 = arith.constant 0 : i32
      %dma_start3A_304 = tpu.memref_slice %arg9[%dma_start3A_302, %dma_start3A_303] : memref<2x80xi32, #tpu.memory_space<vmem>> -> memref<1x80xi32, #tpu.memory_space<vmem>>
      %dma_start3A_305 = tpu.memref_squeeze %dma_start3A_304 : memref<1x80xi32, #tpu.memory_space<vmem>> -> memref<80xi32, #tpu.memory_space<vmem>>
      %dma_start3A_306 = arith.constant 0 : i32
      %dma_start3A_307 = arith.constant 0 : i32
      %dma_start3A_308 = tpu.memref_slice %arg2[%dma_start3A_306, %dma_start3A_307] : memref<10000x128xf32, #tpu.memory_space<hbm>> -> memref<10000x128xf32, #tpu.memory_space<hbm>>
      tpu.enqueue_indirect_dma source(%dma_start3A_308 : memref<10000x128xf32, #tpu.memory_space<hbm>>) target(%arg13 : memref<80x128xf32, #tpu.memory_space<vmem>>) offsets(%dma_start3A_305 : memref<80xi32, #tpu.memory_space<vmem>>) semaphore(%arg16 : memref<!tpu.dma_semaphore, #tpu.memory_space<semaphore_mem>>)
      %add3A_309 = arith.constant 3 : i32
      %add3A_310 = arith.addi %mul3A_204, %add3A_309 : i32
      %add3A_311 = arith.constant 4 : i32
      %add3A_312 = arith.addi %add3A_310, %add3A_311 : i32
      %dma_start3A_313 = arith.constant 0 : i32
      %dma_start3A_314 = arith.constant 0 : i32
      %dma_start3A_315 = tpu.memref_slice %arg3[%add3A, %add3A_312, %dma_start3A_313, %dma_start3A_314] : memref<32x128x2x80xi32, #tpu.memory_space<hbm>> -> memref<1x1x2x80xi32, #tpu.memory_space<hbm>>
      %dma_start3A_316 = tpu.memref_squeeze %dma_start3A_315 : memref<1x1x2x80xi32, #tpu.memory_space<hbm>> -> memref<2x80xi32, #tpu.memory_space<hbm>>
      %dma_start3A_317 = arith.constant 0 : i32
      %dma_start3A_318 = arith.constant 0 : i32
      %dma_start3A_319 = tpu.memref_slice %arg3[%add3A, %add3A_312, %dma_start3A_317, %dma_start3A_318] : memref<32x128x2x80xi32, #tpu.memory_space<hbm>> -> memref<1x1x2x80xi32, #tpu.memory_space<hbm>>
      %dma_start3A_320 = tpu.memref_squeeze %dma_start3A_319 : memref<1x1x2x80xi32, #tpu.memory_space<hbm>> -> memref<2x80xi32, #tpu.memory_space<hbm>>
      tpu.enqueue_dma source(%dma_start3A_320 : memref<2x80xi32, #tpu.memory_space<hbm>>) target(%arg11 : memref<2x80xi32, #tpu.memory_space<vmem>>) target_semaphore(%arg22 : memref<!tpu.dma_semaphore, #tpu.memory_space<semaphore_mem>>)
    }
    %scan3A_165 = arith.constant 31 : i32
    tpu.wait_dma2 semaphore(%arg15 : memref<!tpu.dma_semaphore, #tpu.memory_space<semaphore_mem>>) src(%arg4 : memref<80x128xf32, #tpu.memory_space<hbm>>) dst(%arg12 : memref<80x128xf32, #tpu.memory_space<vmem>>)
    %run_scoped3A_166 = arith.constant 1 : i32
    "tpu.region"() ({
      %run_scoped3A_202 = tpu.sem_alloc : memref<!tpu.dma_semaphore, #tpu.memory_space<semaphore_mem>>
      %dma_start3A_203 = arith.constant 0 : i32
      %dma_start3A_204 = tpu.memref_slice %arg8[%run_scoped3A_166, %dma_start3A_203] : memref<2x80xi32, #tpu.memory_space<vmem>> -> memref<1x80xi32, #tpu.memory_space<vmem>>
      %dma_start3A_205 = tpu.memref_squeeze %dma_start3A_204 : memref<1x80xi32, #tpu.memory_space<vmem>> -> memref<80xi32, #tpu.memory_space<vmem>>
      %dma_start3A_206 = arith.constant 0 : i32
      %dma_start3A_207 = arith.constant 0 : i32
      %dma_start3A_208 = tpu.memref_slice %arg14[%dma_start3A_206, %dma_start3A_207] : memref<10240x128xf32, #tpu.memory_space<vmem_shared>> -> memref<10240x128xf32, #tpu.memory_space<vmem_shared>>
      tpu.enqueue_indirect_dma source(%arg12 : memref<80x128xf32, #tpu.memory_space<vmem>>) target(%dma_start3A_208 : memref<10240x128xf32, #tpu.memory_space<vmem_shared>>) offsets(%dma_start3A_205 : memref<80xi32, #tpu.memory_space<vmem>>) semaphore(%run_scoped3A_202 : memref<!tpu.dma_semaphore, #tpu.memory_space<semaphore_mem>>) {add = true}
      %dma_wait3A_209 = arith.constant 0 : i32
      %dma_wait3A_210 = tpu.memref_slice %arg8[%run_scoped3A_166, %dma_wait3A_209] : memref<2x80xi32, #tpu.memory_space<vmem>> -> memref<1x80xi32, #tpu.memory_space<vmem>>
      %dma_wait3A_211 = tpu.memref_squeeze %dma_wait3A_210 : memref<1x80xi32, #tpu.memory_space<vmem>> -> memref<80xi32, #tpu.memory_space<vmem>>
      %dma_wait3A_212 = arith.constant 0 : i32
      %dma_wait3A_213 = arith.constant 0 : i32
      %dma_wait3A_214 = tpu.memref_slice %arg14[%dma_wait3A_212, %dma_wait3A_213] : memref<10240x128xf32, #tpu.memory_space<vmem_shared>> -> memref<10240x128xf32, #tpu.memory_space<vmem_shared>>
      tpu.wait_indirect_dma semaphore(%run_scoped3A_202 : memref<!tpu.dma_semaphore, #tpu.memory_space<semaphore_mem>>) src(%arg12 : memref<80x128xf32, #tpu.memory_space<vmem>>) dst(%dma_wait3A_214 : memref<10240x128xf32, #tpu.memory_space<vmem_shared>>)
      tpu.yield
    }) : () -> ()
    tpu.wait_dma2 semaphore(%arg16 : memref<!tpu.dma_semaphore, #tpu.memory_space<semaphore_mem>>) src(%arg4 : memref<80x128xf32, #tpu.memory_space<hbm>>) dst(%arg13 : memref<80x128xf32, #tpu.memory_space<vmem>>)
    %dma_wait3A_167 = arith.constant 0 : i32
    %dma_wait3A_168 = arith.constant 0 : i32
    %dma_wait3A_169 = arith.constant 0 : i32
    %dma_wait3A_170 = tpu.memref_slice %arg3[%add3A, %dma_wait3A_167, %dma_wait3A_168, %dma_wait3A_169] : memref<32x128x2x80xi32, #tpu.memory_space<hbm>> -> memref<1x1x2x80xi32, #tpu.memory_space<hbm>>
    %dma_wait3A_171 = tpu.memref_squeeze %dma_wait3A_170 : memref<1x1x2x80xi32, #tpu.memory_space<hbm>> -> memref<2x80xi32, #tpu.memory_space<hbm>>
    %dma_wait3A_172 = arith.constant 0 : i32
    %dma_wait3A_173 = arith.constant 0 : i32
    %dma_wait3A_174 = tpu.memref_slice %arg3[%add3A, %dma_wait3A_167, %dma_wait3A_172, %dma_wait3A_173] : memref<32x128x2x80xi32, #tpu.memory_space<hbm>> -> memref<1x1x2x80xi32, #tpu.memory_space<hbm>>
    %dma_wait3A_175 = tpu.memref_squeeze %dma_wait3A_174 : memref<1x1x2x80xi32, #tpu.memory_space<hbm>> -> memref<2x80xi32, #tpu.memory_space<hbm>>
    tpu.wait_dma2 semaphore(%arg21 : memref<!tpu.dma_semaphore, #tpu.memory_space<semaphore_mem>>) src(%dma_wait3A_175 : memref<2x80xi32, #tpu.memory_space<hbm>>) dst(%arg10 : memref<2x80xi32, #tpu.memory_space<vmem>>)
    %dma_wait3A_176 = arith.constant 0 : i32
    %dma_wait3A_177 = arith.constant 0 : i32
    %dma_wait3A_178 = arith.constant 0 : i32
    %dma_wait3A_179 = tpu.memref_slice %arg3[%add3A, %dma_wait3A_176, %dma_wait3A_177, %dma_wait3A_178] : memref<32x128x2x80xi32, #tpu.memory_space<hbm>> -> memref<1x1x2x80xi32, #tpu.memory_space<hbm>>
    %dma_wait3A_180 = tpu.memref_squeeze %dma_wait3A_179 : memref<1x1x2x80xi32, #tpu.memory_space<hbm>> -> memref<2x80xi32, #tpu.memory_space<hbm>>
    %dma_wait3A_181 = arith.constant 0 : i32
    %dma_wait3A_182 = arith.constant 0 : i32
    %dma_wait3A_183 = tpu.memref_slice %arg3[%add3A, %dma_wait3A_176, %dma_wait3A_181, %dma_wait3A_182] : memref<32x128x2x80xi32, #tpu.memory_space<hbm>> -> memref<1x1x2x80xi32, #tpu.memory_space<hbm>>
    %dma_wait3A_184 = tpu.memref_squeeze %dma_wait3A_183 : memref<1x1x2x80xi32, #tpu.memory_space<hbm>> -> memref<2x80xi32, #tpu.memory_space<hbm>>
    tpu.wait_dma2 semaphore(%arg22 : memref<!tpu.dma_semaphore, #tpu.memory_space<semaphore_mem>>) src(%dma_wait3A_184 : memref<2x80xi32, #tpu.memory_space<hbm>>) dst(%arg11 : memref<2x80xi32, #tpu.memory_space<vmem>>)
    %barrier3A_185 = arith.constant 0 : index
    tpu.barrier barrier_id(%barrier3A_185)
    %add3A_186 = arith.constant 0 : i32
    %add3A_187 = arith.addi %mul3A_2, %add3A_186 : i32
    "tpu.region"() ({
      %run_scoped3A_202 = tpu.sem_alloc : memref<!tpu.dma_semaphore, #tpu.memory_space<semaphore_mem>>
      %dma_start3A_203 = arith.constant 0 : i32
      %dma_start3A_204 = tpu.memref_slice %arg14[%add3A_187, %dma_start3A_203] : memref<10240x128xf32, #tpu.memory_space<vmem_shared>> -> memref<80x128xf32, #tpu.memory_space<vmem_shared>>
      %dma_start3A_205 = arith.constant 0 : i32
      %dma_start3A_206 = tpu.memref_slice %arg14[%add3A_187, %dma_start3A_205] : memref<10240x128xf32, #tpu.memory_space<vmem_shared>> -> memref<80x128xf32, #tpu.memory_space<vmem_shared>>
      tpu.enqueue_dma source(%dma_start3A_206 : memref<80x128xf32, #tpu.memory_space<vmem_shared>>) target(%arg12 : memref<80x128xf32, #tpu.memory_space<vmem>>) target_semaphore(%run_scoped3A_202 : memref<!tpu.dma_semaphore, #tpu.memory_space<semaphore_mem>>)
      %dma_wait3A_207 = arith.constant 0 : i32
      %dma_wait3A_208 = tpu.memref_slice %arg14[%add3A_187, %dma_wait3A_207] : memref<10240x128xf32, #tpu.memory_space<vmem_shared>> -> memref<80x128xf32, #tpu.memory_space<vmem_shared>>
      %dma_wait3A_209 = arith.constant 0 : i32
      %dma_wait3A_210 = tpu.memref_slice %arg14[%add3A_187, %dma_wait3A_209] : memref<10240x128xf32, #tpu.memory_space<vmem_shared>> -> memref<80x128xf32, #tpu.memory_space<vmem_shared>>
      tpu.wait_dma2 semaphore(%run_scoped3A_202 : memref<!tpu.dma_semaphore, #tpu.memory_space<semaphore_mem>>) src(%dma_wait3A_210 : memref<80x128xf32, #tpu.memory_space<vmem_shared>>) dst(%arg12 : memref<80x128xf32, #tpu.memory_space<vmem>>)
      tpu.yield
    }) : () -> ()
    "tpu.region"() ({
      %run_scoped3A_202 = tpu.sem_alloc : memref<!tpu.dma_semaphore, #tpu.memory_space<semaphore_mem>>
      %dma_start3A_203 = arith.constant 0 : i32
      %dma_start3A_204 = tpu.memref_slice %arg6[%arg0, %add3A_187, %dma_start3A_203] : memref<2x10240x128xf32, #tpu.memory_space<hbm>> -> memref<1x80x128xf32, #tpu.memory_space<hbm>>
      %dma_start3A_205 = tpu.memref_squeeze %dma_start3A_204 : memref<1x80x128xf32, #tpu.memory_space<hbm>> -> memref<80x128xf32, #tpu.memory_space<hbm>>
      %dma_start3A_206 = arith.constant 0 : i32
      %dma_start3A_207 = tpu.memref_slice %arg6[%arg0, %add3A_187, %dma_start3A_206] : memref<2x10240x128xf32, #tpu.memory_space<hbm>> -> memref<1x80x128xf32, #tpu.memory_space<hbm>>
      %dma_start3A_208 = tpu.memref_squeeze %dma_start3A_207 : memref<1x80x128xf32, #tpu.memory_space<hbm>> -> memref<80x128xf32, #tpu.memory_space<hbm>>
      tpu.enqueue_dma source(%arg12 : memref<80x128xf32, #tpu.memory_space<vmem>>) target(%dma_start3A_208 : memref<80x128xf32, #tpu.memory_space<hbm>>) target_semaphore(%run_scoped3A_202 : memref<!tpu.dma_semaphore, #tpu.memory_space<semaphore_mem>>)
      %dma_wait3A_209 = arith.constant 0 : i32
      %dma_wait3A_210 = tpu.memref_slice %arg6[%arg0, %add3A_187, %dma_wait3A_209] : memref<2x10240x128xf32, #tpu.memory_space<hbm>> -> memref<1x80x128xf32, #tpu.memory_space<hbm>>
      %dma_wait3A_211 = tpu.memref_squeeze %dma_wait3A_210 : memref<1x80x128xf32, #tpu.memory_space<hbm>> -> memref<80x128xf32, #tpu.memory_space<hbm>>
      %dma_wait3A_212 = arith.constant 0 : i32
      %dma_wait3A_213 = tpu.memref_slice %arg6[%arg0, %add3A_187, %dma_wait3A_212] : memref<2x10240x128xf32, #tpu.memory_space<hbm>> -> memref<1x80x128xf32, #tpu.memory_space<hbm>>
      %dma_wait3A_214 = tpu.memref_squeeze %dma_wait3A_213 : memref<1x80x128xf32, #tpu.memory_space<hbm>> -> memref<80x128xf32, #tpu.memory_space<hbm>>
      tpu.wait_dma2 semaphore(%run_scoped3A_202 : memref<!tpu.dma_semaphore, #tpu.memory_space<semaphore_mem>>) src(%arg12 : memref<80x128xf32, #tpu.memory_space<vmem>>) dst(%dma_wait3A_214 : memref<80x128xf32, #tpu.memory_space<hbm>>)
      tpu.yield
    }) : () -> ()
    %add3A_188 = arith.constant 80 : i32
    %add3A_189 = arith.addi %mul3A_2, %add3A_188 : i32
    "tpu.region"() ({
      %run_scoped3A_202 = tpu.sem_alloc : memref<!tpu.dma_semaphore, #tpu.memory_space<semaphore_mem>>
      %dma_start3A_203 = arith.constant 0 : i32
      %dma_start3A_204 = tpu.memref_slice %arg14[%add3A_189, %dma_start3A_203] : memref<10240x128xf32, #tpu.memory_space<vmem_shared>> -> memref<80x128xf32, #tpu.memory_space<vmem_shared>>
      %dma_start3A_205 = arith.constant 0 : i32
      %dma_start3A_206 = tpu.memref_slice %arg14[%add3A_189, %dma_start3A_205] : memref<10240x128xf32, #tpu.memory_space<vmem_shared>> -> memref<80x128xf32, #tpu.memory_space<vmem_shared>>
      tpu.enqueue_dma source(%dma_start3A_206 : memref<80x128xf32, #tpu.memory_space<vmem_shared>>) target(%arg12 : memref<80x128xf32, #tpu.memory_space<vmem>>) target_semaphore(%run_scoped3A_202 : memref<!tpu.dma_semaphore, #tpu.memory_space<semaphore_mem>>)
      %dma_wait3A_207 = arith.constant 0 : i32
      %dma_wait3A_208 = tpu.memref_slice %arg14[%add3A_189, %dma_wait3A_207] : memref<10240x128xf32, #tpu.memory_space<vmem_shared>> -> memref<80x128xf32, #tpu.memory_space<vmem_shared>>
      %dma_wait3A_209 = arith.constant 0 : i32
      %dma_wait3A_210 = tpu.memref_slice %arg14[%add3A_189, %dma_wait3A_209] : memref<10240x128xf32, #tpu.memory_space<vmem_shared>> -> memref<80x128xf32, #tpu.memory_space<vmem_shared>>
      tpu.wait_dma2 semaphore(%run_scoped3A_202 : memref<!tpu.dma_semaphore, #tpu.memory_space<semaphore_mem>>) src(%dma_wait3A_210 : memref<80x128xf32, #tpu.memory_space<vmem_shared>>) dst(%arg12 : memref<80x128xf32, #tpu.memory_space<vmem>>)
      tpu.yield
    }) : () -> ()
    "tpu.region"() ({
      %run_scoped3A_202 = tpu.sem_alloc : memref<!tpu.dma_semaphore, #tpu.memory_space<semaphore_mem>>
      %dma_start3A_203 = arith.constant 0 : i32
      %dma_start3A_204 = tpu.memref_slice %arg6[%arg0, %add3A_189, %dma_start3A_203] : memref<2x10240x128xf32, #tpu.memory_space<hbm>> -> memref<1x80x128xf32, #tpu.memory_space<hbm>>
      %dma_start3A_205 = tpu.memref_squeeze %dma_start3A_204 : memref<1x80x128xf32, #tpu.memory_space<hbm>> -> memref<80x128xf32, #tpu.memory_space<hbm>>
      %dma_start3A_206 = arith.constant 0 : i32
      %dma_start3A_207 = tpu.memref_slice %arg6[%arg0, %add3A_189, %dma_start3A_206] : memref<2x10240x128xf32, #tpu.memory_space<hbm>> -> memref<1x80x128xf32, #tpu.memory_space<hbm>>
      %dma_start3A_208 = tpu.memref_squeeze %dma_start3A_207 : memref<1x80x128xf32, #tpu.memory_space<hbm>> -> memref<80x128xf32, #tpu.memory_space<hbm>>
      tpu.enqueue_dma source(%arg12 : memref<80x128xf32, #tpu.memory_space<vmem>>) target(%dma_start3A_208 : memref<80x128xf32, #tpu.memory_space<hbm>>) target_semaphore(%run_scoped3A_202 : memref<!tpu.dma_semaphore, #tpu.memory_space<semaphore_mem>>)
      %dma_wait3A_209 = arith.constant 0 : i32
      %dma_wait3A_210 = tpu.memref_slice %arg6[%arg0, %add3A_189, %dma_wait3A_209] : memref<2x10240x128xf32, #tpu.memory_space<hbm>> -> memref<1x80x128xf32, #tpu.memory_space<hbm>>
      %dma_wait3A_211 = tpu.memref_squeeze %dma_wait3A_210 : memref<1x80x128xf32, #tpu.memory_space<hbm>> -> memref<80x128xf32, #tpu.memory_space<hbm>>
      %dma_wait3A_212 = arith.constant 0 : i32
      %dma_wait3A_213 = tpu.memref_slice %arg6[%arg0, %add3A_189, %dma_wait3A_212] : memref<2x10240x128xf32, #tpu.memory_space<hbm>> -> memref<1x80x128xf32, #tpu.memory_space<hbm>>
      %dma_wait3A_214 = tpu.memref_squeeze %dma_wait3A_213 : memref<1x80x128xf32, #tpu.memory_space<hbm>> -> memref<80x128xf32, #tpu.memory_space<hbm>>
      tpu.wait_dma2 semaphore(%run_scoped3A_202 : memref<!tpu.dma_semaphore, #tpu.memory_space<semaphore_mem>>) src(%arg12 : memref<80x128xf32, #tpu.memory_space<vmem>>) dst(%dma_wait3A_214 : memref<80x128xf32, #tpu.memory_space<hbm>>)
      tpu.yield
    }) : () -> ()
    %add3A_190 = arith.constant 160 : i32
    %add3A_191 = arith.addi %mul3A_2, %add3A_190 : i32
    "tpu.region"() ({
      %run_scoped3A_202 = tpu.sem_alloc : memref<!tpu.dma_semaphore, #tpu.memory_space<semaphore_mem>>
      %dma_start3A_203 = arith.constant 0 : i32
      %dma_start3A_204 = tpu.memref_slice %arg14[%add3A_191, %dma_start3A_203] : memref<10240x128xf32, #tpu.memory_space<vmem_shared>> -> memref<80x128xf32, #tpu.memory_space<vmem_shared>>
      %dma_start3A_205 = arith.constant 0 : i32
      %dma_start3A_206 = tpu.memref_slice %arg14[%add3A_191, %dma_start3A_205] : memref<10240x128xf32, #tpu.memory_space<vmem_shared>> -> memref<80x128xf32, #tpu.memory_space<vmem_shared>>
      tpu.enqueue_dma source(%dma_start3A_206 : memref<80x128xf32, #tpu.memory_space<vmem_shared>>) target(%arg12 : memref<80x128xf32, #tpu.memory_space<vmem>>) target_semaphore(%run_scoped3A_202 : memref<!tpu.dma_semaphore, #tpu.memory_space<semaphore_mem>>)
      %dma_wait3A_207 = arith.constant 0 : i32
      %dma_wait3A_208 = tpu.memref_slice %arg14[%add3A_191, %dma_wait3A_207] : memref<10240x128xf32, #tpu.memory_space<vmem_shared>> -> memref<80x128xf32, #tpu.memory_space<vmem_shared>>
      %dma_wait3A_209 = arith.constant 0 : i32
      %dma_wait3A_210 = tpu.memref_slice %arg14[%add3A_191, %dma_wait3A_209] : memref<10240x128xf32, #tpu.memory_space<vmem_shared>> -> memref<80x128xf32, #tpu.memory_space<vmem_shared>>
      tpu.wait_dma2 semaphore(%run_scoped3A_202 : memref<!tpu.dma_semaphore, #tpu.memory_space<semaphore_mem>>) src(%dma_wait3A_210 : memref<80x128xf32, #tpu.memory_space<vmem_shared>>) dst(%arg12 : memref<80x128xf32, #tpu.memory_space<vmem>>)
      tpu.yield
    }) : () -> ()
    "tpu.region"() ({
      %run_scoped3A_202 = tpu.sem_alloc : memref<!tpu.dma_semaphore, #tpu.memory_space<semaphore_mem>>
      %dma_start3A_203 = arith.constant 0 : i32
      %dma_start3A_204 = tpu.memref_slice %arg6[%arg0, %add3A_191, %dma_start3A_203] : memref<2x10240x128xf32, #tpu.memory_space<hbm>> -> memref<1x80x128xf32, #tpu.memory_space<hbm>>
      %dma_start3A_205 = tpu.memref_squeeze %dma_start3A_204 : memref<1x80x128xf32, #tpu.memory_space<hbm>> -> memref<80x128xf32, #tpu.memory_space<hbm>>
      %dma_start3A_206 = arith.constant 0 : i32
      %dma_start3A_207 = tpu.memref_slice %arg6[%arg0, %add3A_191, %dma_start3A_206] : memref<2x10240x128xf32, #tpu.memory_space<hbm>> -> memref<1x80x128xf32, #tpu.memory_space<hbm>>
      %dma_start3A_208 = tpu.memref_squeeze %dma_start3A_207 : memref<1x80x128xf32, #tpu.memory_space<hbm>> -> memref<80x128xf32, #tpu.memory_space<hbm>>
      tpu.enqueue_dma source(%arg12 : memref<80x128xf32, #tpu.memory_space<vmem>>) target(%dma_start3A_208 : memref<80x128xf32, #tpu.memory_space<hbm>>) target_semaphore(%run_scoped3A_202 : memref<!tpu.dma_semaphore, #tpu.memory_space<semaphore_mem>>)
      %dma_wait3A_209 = arith.constant 0 : i32
      %dma_wait3A_210 = tpu.memref_slice %arg6[%arg0, %add3A_191, %dma_wait3A_209] : memref<2x10240x128xf32, #tpu.memory_space<hbm>> -> memref<1x80x128xf32, #tpu.memory_space<hbm>>
      %dma_wait3A_211 = tpu.memref_squeeze %dma_wait3A_210 : memref<1x80x128xf32, #tpu.memory_space<hbm>> -> memref<80x128xf32, #tpu.memory_space<hbm>>
      %dma_wait3A_212 = arith.constant 0 : i32
      %dma_wait3A_213 = tpu.memref_slice %arg6[%arg0, %add3A_191, %dma_wait3A_212] : memref<2x10240x128xf32, #tpu.memory_space<hbm>> -> memref<1x80x128xf32, #tpu.memory_space<hbm>>
      %dma_wait3A_214 = tpu.memref_squeeze %dma_wait3A_213 : memref<1x80x128xf32, #tpu.memory_space<hbm>> -> memref<80x128xf32, #tpu.memory_space<hbm>>
      tpu.wait_dma2 semaphore(%run_scoped3A_202 : memref<!tpu.dma_semaphore, #tpu.memory_space<semaphore_mem>>) src(%arg12 : memref<80x128xf32, #tpu.memory_space<vmem>>) dst(%dma_wait3A_214 : memref<80x128xf32, #tpu.memory_space<hbm>>)
      tpu.yield
    }) : () -> ()
    %add3A_192 = arith.constant 240 : i32
    %add3A_193 = arith.addi %mul3A_2, %add3A_192 : i32
    "tpu.region"() ({
      %run_scoped3A_202 = tpu.sem_alloc : memref<!tpu.dma_semaphore, #tpu.memory_space<semaphore_mem>>
      %dma_start3A_203 = arith.constant 0 : i32
      %dma_start3A_204 = tpu.memref_slice %arg14[%add3A_193, %dma_start3A_203] : memref<10240x128xf32, #tpu.memory_space<vmem_shared>> -> memref<80x128xf32, #tpu.memory_space<vmem_shared>>
      %dma_start3A_205 = arith.constant 0 : i32
      %dma_start3A_206 = tpu.memref_slice %arg14[%add3A_193, %dma_start3A_205] : memref<10240x128xf32, #tpu.memory_space<vmem_shared>> -> memref<80x128xf32, #tpu.memory_space<vmem_shared>>
      tpu.enqueue_dma source(%dma_start3A_206 : memref<80x128xf32, #tpu.memory_space<vmem_shared>>) target(%arg12 : memref<80x128xf32, #tpu.memory_space<vmem>>) target_semaphore(%run_scoped3A_202 : memref<!tpu.dma_semaphore, #tpu.memory_space<semaphore_mem>>)
      %dma_wait3A_207 = arith.constant 0 : i32
      %dma_wait3A_208 = tpu.memref_slice %arg14[%add3A_193, %dma_wait3A_207] : memref<10240x128xf32, #tpu.memory_space<vmem_shared>> -> memref<80x128xf32, #tpu.memory_space<vmem_shared>>
      %dma_wait3A_209 = arith.constant 0 : i32
      %dma_wait3A_210 = tpu.memref_slice %arg14[%add3A_193, %dma_wait3A_209] : memref<10240x128xf32, #tpu.memory_space<vmem_shared>> -> memref<80x128xf32, #tpu.memory_space<vmem_shared>>
      tpu.wait_dma2 semaphore(%run_scoped3A_202 : memref<!tpu.dma_semaphore, #tpu.memory_space<semaphore_mem>>) src(%dma_wait3A_210 : memref<80x128xf32, #tpu.memory_space<vmem_shared>>) dst(%arg12 : memref<80x128xf32, #tpu.memory_space<vmem>>)
      tpu.yield
    }) : () -> ()
    "tpu.region"() ({
      %run_scoped3A_202 = tpu.sem_alloc : memref<!tpu.dma_semaphore, #tpu.memory_space<semaphore_mem>>
      %dma_start3A_203 = arith.constant 0 : i32
      %dma_start3A_204 = tpu.memref_slice %arg6[%arg0, %add3A_193, %dma_start3A_203] : memref<2x10240x128xf32, #tpu.memory_space<hbm>> -> memref<1x80x128xf32, #tpu.memory_space<hbm>>
      %dma_start3A_205 = tpu.memref_squeeze %dma_start3A_204 : memref<1x80x128xf32, #tpu.memory_space<hbm>> -> memref<80x128xf32, #tpu.memory_space<hbm>>
      %dma_start3A_206 = arith.constant 0 : i32
      %dma_start3A_207 = tpu.memref_slice %arg6[%arg0, %add3A_193, %dma_start3A_206] : memref<2x10240x128xf32, #tpu.memory_space<hbm>> -> memref<1x80x128xf32, #tpu.memory_space<hbm>>
      %dma_start3A_208 = tpu.memref_squeeze %dma_start3A_207 : memref<1x80x128xf32, #tpu.memory_space<hbm>> -> memref<80x128xf32, #tpu.memory_space<hbm>>
      tpu.enqueue_dma source(%arg12 : memref<80x128xf32, #tpu.memory_space<vmem>>) target(%dma_start3A_208 : memref<80x128xf32, #tpu.memory_space<hbm>>) target_semaphore(%run_scoped3A_202 : memref<!tpu.dma_semaphore, #tpu.memory_space<semaphore_mem>>)
      %dma_wait3A_209 = arith.constant 0 : i32
      %dma_wait3A_210 = tpu.memref_slice %arg6[%arg0, %add3A_193, %dma_wait3A_209] : memref<2x10240x128xf32, #tpu.memory_space<hbm>> -> memref<1x80x128xf32, #tpu.memory_space<hbm>>
      %dma_wait3A_211 = tpu.memref_squeeze %dma_wait3A_210 : memref<1x80x128xf32, #tpu.memory_space<hbm>> -> memref<80x128xf32, #tpu.memory_space<hbm>>
      %dma_wait3A_212 = arith.constant 0 : i32
      %dma_wait3A_213 = tpu.memref_slice %arg6[%arg0, %add3A_193, %dma_wait3A_212] : memref<2x10240x128xf32, #tpu.memory_space<hbm>> -> memref<1x80x128xf32, #tpu.memory_space<hbm>>
      %dma_wait3A_214 = tpu.memref_squeeze %dma_wait3A_213 : memref<1x80x128xf32, #tpu.memory_space<hbm>> -> memref<80x128xf32, #tpu.memory_space<hbm>>
      tpu.wait_dma2 semaphore(%run_scoped3A_202 : memref<!tpu.dma_semaphore, #tpu.memory_space<semaphore_mem>>) src(%arg12 : memref<80x128xf32, #tpu.memory_space<vmem>>) dst(%dma_wait3A_214 : memref<80x128xf32, #tpu.memory_space<hbm>>)
      tpu.yield
    }) : () -> ()
    %add3A_194 = arith.constant 320 : i32
    %add3A_195 = arith.addi %mul3A_2, %add3A_194 : i32
    "tpu.region"() ({
      %run_scoped3A_202 = tpu.sem_alloc : memref<!tpu.dma_semaphore, #tpu.memory_space<semaphore_mem>>
      %dma_start3A_203 = arith.constant 0 : i32
      %dma_start3A_204 = tpu.memref_slice %arg14[%add3A_195, %dma_start3A_203] : memref<10240x128xf32, #tpu.memory_space<vmem_shared>> -> memref<80x128xf32, #tpu.memory_space<vmem_shared>>
      %dma_start3A_205 = arith.constant 0 : i32
      %dma_start3A_206 = tpu.memref_slice %arg14[%add3A_195, %dma_start3A_205] : memref<10240x128xf32, #tpu.memory_space<vmem_shared>> -> memref<80x128xf32, #tpu.memory_space<vmem_shared>>
      tpu.enqueue_dma source(%dma_start3A_206 : memref<80x128xf32, #tpu.memory_space<vmem_shared>>) target(%arg12 : memref<80x128xf32, #tpu.memory_space<vmem>>) target_semaphore(%run_scoped3A_202 : memref<!tpu.dma_semaphore, #tpu.memory_space<semaphore_mem>>)
      %dma_wait3A_207 = arith.constant 0 : i32
      %dma_wait3A_208 = tpu.memref_slice %arg14[%add3A_195, %dma_wait3A_207] : memref<10240x128xf32, #tpu.memory_space<vmem_shared>> -> memref<80x128xf32, #tpu.memory_space<vmem_shared>>
      %dma_wait3A_209 = arith.constant 0 : i32
      %dma_wait3A_210 = tpu.memref_slice %arg14[%add3A_195, %dma_wait3A_209] : memref<10240x128xf32, #tpu.memory_space<vmem_shared>> -> memref<80x128xf32, #tpu.memory_space<vmem_shared>>
      tpu.wait_dma2 semaphore(%run_scoped3A_202 : memref<!tpu.dma_semaphore, #tpu.memory_space<semaphore_mem>>) src(%dma_wait3A_210 : memref<80x128xf32, #tpu.memory_space<vmem_shared>>) dst(%arg12 : memref<80x128xf32, #tpu.memory_space<vmem>>)
      tpu.yield
    }) : () -> ()
    "tpu.region"() ({
      %run_scoped3A_202 = tpu.sem_alloc : memref<!tpu.dma_semaphore, #tpu.memory_space<semaphore_mem>>
      %dma_start3A_203 = arith.constant 0 : i32
      %dma_start3A_204 = tpu.memref_slice %arg6[%arg0, %add3A_195, %dma_start3A_203] : memref<2x10240x128xf32, #tpu.memory_space<hbm>> -> memref<1x80x128xf32, #tpu.memory_space<hbm>>
      %dma_start3A_205 = tpu.memref_squeeze %dma_start3A_204 : memref<1x80x128xf32, #tpu.memory_space<hbm>> -> memref<80x128xf32, #tpu.memory_space<hbm>>
      %dma_start3A_206 = arith.constant 0 : i32
      %dma_start3A_207 = tpu.memref_slice %arg6[%arg0, %add3A_195, %dma_start3A_206] : memref<2x10240x128xf32, #tpu.memory_space<hbm>> -> memref<1x80x128xf32, #tpu.memory_space<hbm>>
      %dma_start3A_208 = tpu.memref_squeeze %dma_start3A_207 : memref<1x80x128xf32, #tpu.memory_space<hbm>> -> memref<80x128xf32, #tpu.memory_space<hbm>>
      tpu.enqueue_dma source(%arg12 : memref<80x128xf32, #tpu.memory_space<vmem>>) target(%dma_start3A_208 : memref<80x128xf32, #tpu.memory_space<hbm>>) target_semaphore(%run_scoped3A_202 : memref<!tpu.dma_semaphore, #tpu.memory_space<semaphore_mem>>)
      %dma_wait3A_209 = arith.constant 0 : i32
      %dma_wait3A_210 = tpu.memref_slice %arg6[%arg0, %add3A_195, %dma_wait3A_209] : memref<2x10240x128xf32, #tpu.memory_space<hbm>> -> memref<1x80x128xf32, #tpu.memory_space<hbm>>
      %dma_wait3A_211 = tpu.memref_squeeze %dma_wait3A_210 : memref<1x80x128xf32, #tpu.memory_space<hbm>> -> memref<80x128xf32, #tpu.memory_space<hbm>>
      %dma_wait3A_212 = arith.constant 0 : i32
      %dma_wait3A_213 = tpu.memref_slice %arg6[%arg0, %add3A_195, %dma_wait3A_212] : memref<2x10240x128xf32, #tpu.memory_space<hbm>> -> memref<1x80x128xf32, #tpu.memory_space<hbm>>
      %dma_wait3A_214 = tpu.memref_squeeze %dma_wait3A_213 : memref<1x80x128xf32, #tpu.memory_space<hbm>> -> memref<80x128xf32, #tpu.memory_space<hbm>>
      tpu.wait_dma2 semaphore(%run_scoped3A_202 : memref<!tpu.dma_semaphore, #tpu.memory_space<semaphore_mem>>) src(%arg12 : memref<80x128xf32, #tpu.memory_space<vmem>>) dst(%dma_wait3A_214 : memref<80x128xf32, #tpu.memory_space<hbm>>)
      tpu.yield
    }) : () -> ()
    %add3A_196 = arith.constant 400 : i32
    %add3A_197 = arith.addi %mul3A_2, %add3A_196 : i32
    "tpu.region"() ({
      %run_scoped3A_202 = tpu.sem_alloc : memref<!tpu.dma_semaphore, #tpu.memory_space<semaphore_mem>>
      %dma_start3A_203 = arith.constant 0 : i32
      %dma_start3A_204 = tpu.memref_slice %arg14[%add3A_197, %dma_start3A_203] : memref<10240x128xf32, #tpu.memory_space<vmem_shared>> -> memref<80x128xf32, #tpu.memory_space<vmem_shared>>
      %dma_start3A_205 = arith.constant 0 : i32
      %dma_start3A_206 = tpu.memref_slice %arg14[%add3A_197, %dma_start3A_205] : memref<10240x128xf32, #tpu.memory_space<vmem_shared>> -> memref<80x128xf32, #tpu.memory_space<vmem_shared>>
      tpu.enqueue_dma source(%dma_start3A_206 : memref<80x128xf32, #tpu.memory_space<vmem_shared>>) target(%arg12 : memref<80x128xf32, #tpu.memory_space<vmem>>) target_semaphore(%run_scoped3A_202 : memref<!tpu.dma_semaphore, #tpu.memory_space<semaphore_mem>>)
      %dma_wait3A_207 = arith.constant 0 : i32
      %dma_wait3A_208 = tpu.memref_slice %arg14[%add3A_197, %dma_wait3A_207] : memref<10240x128xf32, #tpu.memory_space<vmem_shared>> -> memref<80x128xf32, #tpu.memory_space<vmem_shared>>
      %dma_wait3A_209 = arith.constant 0 : i32
      %dma_wait3A_210 = tpu.memref_slice %arg14[%add3A_197, %dma_wait3A_209] : memref<10240x128xf32, #tpu.memory_space<vmem_shared>> -> memref<80x128xf32, #tpu.memory_space<vmem_shared>>
      tpu.wait_dma2 semaphore(%run_scoped3A_202 : memref<!tpu.dma_semaphore, #tpu.memory_space<semaphore_mem>>) src(%dma_wait3A_210 : memref<80x128xf32, #tpu.memory_space<vmem_shared>>) dst(%arg12 : memref<80x128xf32, #tpu.memory_space<vmem>>)
      tpu.yield
    }) : () -> ()
    "tpu.region"() ({
      %run_scoped3A_202 = tpu.sem_alloc : memref<!tpu.dma_semaphore, #tpu.memory_space<semaphore_mem>>
      %dma_start3A_203 = arith.constant 0 : i32
      %dma_start3A_204 = tpu.memref_slice %arg6[%arg0, %add3A_197, %dma_start3A_203] : memref<2x10240x128xf32, #tpu.memory_space<hbm>> -> memref<1x80x128xf32, #tpu.memory_space<hbm>>
      %dma_start3A_205 = tpu.memref_squeeze %dma_start3A_204 : memref<1x80x128xf32, #tpu.memory_space<hbm>> -> memref<80x128xf32, #tpu.memory_space<hbm>>
      %dma_start3A_206 = arith.constant 0 : i32
      %dma_start3A_207 = tpu.memref_slice %arg6[%arg0, %add3A_197, %dma_start3A_206] : memref<2x10240x128xf32, #tpu.memory_space<hbm>> -> memref<1x80x128xf32, #tpu.memory_space<hbm>>
      %dma_start3A_208 = tpu.memref_squeeze %dma_start3A_207 : memref<1x80x128xf32, #tpu.memory_space<hbm>> -> memref<80x128xf32, #tpu.memory_space<hbm>>
      tpu.enqueue_dma source(%arg12 : memref<80x128xf32, #tpu.memory_space<vmem>>) target(%dma_start3A_208 : memref<80x128xf32, #tpu.memory_space<hbm>>) target_semaphore(%run_scoped3A_202 : memref<!tpu.dma_semaphore, #tpu.memory_space<semaphore_mem>>)
      %dma_wait3A_209 = arith.constant 0 : i32
      %dma_wait3A_210 = tpu.memref_slice %arg6[%arg0, %add3A_197, %dma_wait3A_209] : memref<2x10240x128xf32, #tpu.memory_space<hbm>> -> memref<1x80x128xf32, #tpu.memory_space<hbm>>
      %dma_wait3A_211 = tpu.memref_squeeze %dma_wait3A_210 : memref<1x80x128xf32, #tpu.memory_space<hbm>> -> memref<80x128xf32, #tpu.memory_space<hbm>>
      %dma_wait3A_212 = arith.constant 0 : i32
      %dma_wait3A_213 = tpu.memref_slice %arg6[%arg0, %add3A_197, %dma_wait3A_212] : memref<2x10240x128xf32, #tpu.memory_space<hbm>> -> memref<1x80x128xf32, #tpu.memory_space<hbm>>
      %dma_wait3A_214 = tpu.memref_squeeze %dma_wait3A_213 : memref<1x80x128xf32, #tpu.memory_space<hbm>> -> memref<80x128xf32, #tpu.memory_space<hbm>>
      tpu.wait_dma2 semaphore(%run_scoped3A_202 : memref<!tpu.dma_semaphore, #tpu.memory_space<semaphore_mem>>) src(%arg12 : memref<80x128xf32, #tpu.memory_space<vmem>>) dst(%dma_wait3A_214 : memref<80x128xf32, #tpu.memory_space<hbm>>)
      tpu.yield
    }) : () -> ()
    %add3A_198 = arith.constant 480 : i32
    %add3A_199 = arith.addi %mul3A_2, %add3A_198 : i32
    "tpu.region"() ({
      %run_scoped3A_202 = tpu.sem_alloc : memref<!tpu.dma_semaphore, #tpu.memory_space<semaphore_mem>>
      %dma_start3A_203 = arith.constant 0 : i32
      %dma_start3A_204 = tpu.memref_slice %arg14[%add3A_199, %dma_start3A_203] : memref<10240x128xf32, #tpu.memory_space<vmem_shared>> -> memref<80x128xf32, #tpu.memory_space<vmem_shared>>
      %dma_start3A_205 = arith.constant 0 : i32
      %dma_start3A_206 = tpu.memref_slice %arg14[%add3A_199, %dma_start3A_205] : memref<10240x128xf32, #tpu.memory_space<vmem_shared>> -> memref<80x128xf32, #tpu.memory_space<vmem_shared>>
      tpu.enqueue_dma source(%dma_start3A_206 : memref<80x128xf32, #tpu.memory_space<vmem_shared>>) target(%arg12 : memref<80x128xf32, #tpu.memory_space<vmem>>) target_semaphore(%run_scoped3A_202 : memref<!tpu.dma_semaphore, #tpu.memory_space<semaphore_mem>>)
      %dma_wait3A_207 = arith.constant 0 : i32
      %dma_wait3A_208 = tpu.memref_slice %arg14[%add3A_199, %dma_wait3A_207] : memref<10240x128xf32, #tpu.memory_space<vmem_shared>> -> memref<80x128xf32, #tpu.memory_space<vmem_shared>>
      %dma_wait3A_209 = arith.constant 0 : i32
      %dma_wait3A_210 = tpu.memref_slice %arg14[%add3A_199, %dma_wait3A_209] : memref<10240x128xf32, #tpu.memory_space<vmem_shared>> -> memref<80x128xf32, #tpu.memory_space<vmem_shared>>
      tpu.wait_dma2 semaphore(%run_scoped3A_202 : memref<!tpu.dma_semaphore, #tpu.memory_space<semaphore_mem>>) src(%dma_wait3A_210 : memref<80x128xf32, #tpu.memory_space<vmem_shared>>) dst(%arg12 : memref<80x128xf32, #tpu.memory_space<vmem>>)
      tpu.yield
    }) : () -> ()
    "tpu.region"() ({
      %run_scoped3A_202 = tpu.sem_alloc : memref<!tpu.dma_semaphore, #tpu.memory_space<semaphore_mem>>
      %dma_start3A_203 = arith.constant 0 : i32
      %dma_start3A_204 = tpu.memref_slice %arg6[%arg0, %add3A_199, %dma_start3A_203] : memref<2x10240x128xf32, #tpu.memory_space<hbm>> -> memref<1x80x128xf32, #tpu.memory_space<hbm>>
      %dma_start3A_205 = tpu.memref_squeeze %dma_start3A_204 : memref<1x80x128xf32, #tpu.memory_space<hbm>> -> memref<80x128xf32, #tpu.memory_space<hbm>>
      %dma_start3A_206 = arith.constant 0 : i32
      %dma_start3A_207 = tpu.memref_slice %arg6[%arg0, %add3A_199, %dma_start3A_206] : memref<2x10240x128xf32, #tpu.memory_space<hbm>> -> memref<1x80x128xf32, #tpu.memory_space<hbm>>
      %dma_start3A_208 = tpu.memref_squeeze %dma_start3A_207 : memref<1x80x128xf32, #tpu.memory_space<hbm>> -> memref<80x128xf32, #tpu.memory_space<hbm>>
      tpu.enqueue_dma source(%arg12 : memref<80x128xf32, #tpu.memory_space<vmem>>) target(%dma_start3A_208 : memref<80x128xf32, #tpu.memory_space<hbm>>) target_semaphore(%run_scoped3A_202 : memref<!tpu.dma_semaphore, #tpu.memory_space<semaphore_mem>>)
      %dma_wait3A_209 = arith.constant 0 : i32
      %dma_wait3A_210 = tpu.memref_slice %arg6[%arg0, %add3A_199, %dma_wait3A_209] : memref<2x10240x128xf32, #tpu.memory_space<hbm>> -> memref<1x80x128xf32, #tpu.memory_space<hbm>>
      %dma_wait3A_211 = tpu.memref_squeeze %dma_wait3A_210 : memref<1x80x128xf32, #tpu.memory_space<hbm>> -> memref<80x128xf32, #tpu.memory_space<hbm>>
      %dma_wait3A_212 = arith.constant 0 : i32
      %dma_wait3A_213 = tpu.memref_slice %arg6[%arg0, %add3A_199, %dma_wait3A_212] : memref<2x10240x128xf32, #tpu.memory_space<hbm>> -> memref<1x80x128xf32, #tpu.memory_space<hbm>>
      %dma_wait3A_214 = tpu.memref_squeeze %dma_wait3A_213 : memref<1x80x128xf32, #tpu.memory_space<hbm>> -> memref<80x128xf32, #tpu.memory_space<hbm>>
      tpu.wait_dma2 semaphore(%run_scoped3A_202 : memref<!tpu.dma_semaphore, #tpu.memory_space<semaphore_mem>>) src(%arg12 : memref<80x128xf32, #tpu.memory_space<vmem>>) dst(%dma_wait3A_214 : memref<80x128xf32, #tpu.memory_space<hbm>>)
      tpu.yield
    }) : () -> ()
    %add3A_200 = arith.constant 560 : i32
    %add3A_201 = arith.addi %mul3A_2, %add3A_200 : i32
    "tpu.region"() ({
      %run_scoped3A_202 = tpu.sem_alloc : memref<!tpu.dma_semaphore, #tpu.memory_space<semaphore_mem>>
      %dma_start3A_203 = arith.constant 0 : i32
      %dma_start3A_204 = tpu.memref_slice %arg14[%add3A_201, %dma_start3A_203] : memref<10240x128xf32, #tpu.memory_space<vmem_shared>> -> memref<80x128xf32, #tpu.memory_space<vmem_shared>>
      %dma_start3A_205 = arith.constant 0 : i32
      %dma_start3A_206 = tpu.memref_slice %arg14[%add3A_201, %dma_start3A_205] : memref<10240x128xf32, #tpu.memory_space<vmem_shared>> -> memref<80x128xf32, #tpu.memory_space<vmem_shared>>
      tpu.enqueue_dma source(%dma_start3A_206 : memref<80x128xf32, #tpu.memory_space<vmem_shared>>) target(%arg12 : memref<80x128xf32, #tpu.memory_space<vmem>>) target_semaphore(%run_scoped3A_202 : memref<!tpu.dma_semaphore, #tpu.memory_space<semaphore_mem>>)
      %dma_wait3A_207 = arith.constant 0 : i32
      %dma_wait3A_208 = tpu.memref_slice %arg14[%add3A_201, %dma_wait3A_207] : memref<10240x128xf32, #tpu.memory_space<vmem_shared>> -> memref<80x128xf32, #tpu.memory_space<vmem_shared>>
      %dma_wait3A_209 = arith.constant 0 : i32
      %dma_wait3A_210 = tpu.memref_slice %arg14[%add3A_201, %dma_wait3A_209] : memref<10240x128xf32, #tpu.memory_space<vmem_shared>> -> memref<80x128xf32, #tpu.memory_space<vmem_shared>>
      tpu.wait_dma2 semaphore(%run_scoped3A_202 : memref<!tpu.dma_semaphore, #tpu.memory_space<semaphore_mem>>) src(%dma_wait3A_210 : memref<80x128xf32, #tpu.memory_space<vmem_shared>>) dst(%arg12 : memref<80x128xf32, #tpu.memory_space<vmem>>)
      tpu.yield
    }) : () -> ()
    "tpu.region"() ({
      %run_scoped3A_202 = tpu.sem_alloc : memref<!tpu.dma_semaphore, #tpu.memory_space<semaphore_mem>>
      %dma_start3A_203 = arith.constant 0 : i32
      %dma_start3A_204 = tpu.memref_slice %arg6[%arg0, %add3A_201, %dma_start3A_203] : memref<2x10240x128xf32, #tpu.memory_space<hbm>> -> memref<1x80x128xf32, #tpu.memory_space<hbm>>
      %dma_start3A_205 = tpu.memref_squeeze %dma_start3A_204 : memref<1x80x128xf32, #tpu.memory_space<hbm>> -> memref<80x128xf32, #tpu.memory_space<hbm>>
      %dma_start3A_206 = arith.constant 0 : i32
      %dma_start3A_207 = tpu.memref_slice %arg6[%arg0, %add3A_201, %dma_start3A_206] : memref<2x10240x128xf32, #tpu.memory_space<hbm>> -> memref<1x80x128xf32, #tpu.memory_space<hbm>>
      %dma_start3A_208 = tpu.memref_squeeze %dma_start3A_207 : memref<1x80x128xf32, #tpu.memory_space<hbm>> -> memref<80x128xf32, #tpu.memory_space<hbm>>
      tpu.enqueue_dma source(%arg12 : memref<80x128xf32, #tpu.memory_space<vmem>>) target(%dma_start3A_208 : memref<80x128xf32, #tpu.memory_space<hbm>>) target_semaphore(%run_scoped3A_202 : memref<!tpu.dma_semaphore, #tpu.memory_space<semaphore_mem>>)
      %dma_wait3A_209 = arith.constant 0 : i32
      %dma_wait3A_210 = tpu.memref_slice %arg6[%arg0, %add3A_201, %dma_wait3A_209] : memref<2x10240x128xf32, #tpu.memory_space<hbm>> -> memref<1x80x128xf32, #tpu.memory_space<hbm>>
      %dma_wait3A_211 = tpu.memref_squeeze %dma_wait3A_210 : memref<1x80x128xf32, #tpu.memory_space<hbm>> -> memref<80x128xf32, #tpu.memory_space<hbm>>
      %dma_wait3A_212 = arith.constant 0 : i32
      %dma_wait3A_213 = tpu.memref_slice %arg6[%arg0, %add3A_201, %dma_wait3A_212] : memref<2x10240x128xf32, #tpu.memory_space<hbm>> -> memref<1x80x128xf32, #tpu.memory_space<hbm>>
      %dma_wait3A_214 = tpu.memref_squeeze %dma_wait3A_213 : memref<1x80x128xf32, #tpu.memory_space<hbm>> -> memref<80x128xf32, #tpu.memory_space<hbm>>
      tpu.wait_dma2 semaphore(%run_scoped3A_202 : memref<!tpu.dma_semaphore, #tpu.memory_space<semaphore_mem>>) src(%arg12 : memref<80x128xf32, #tpu.memory_space<vmem>>) dst(%dma_wait3A_214 : memref<80x128xf32, #tpu.memory_space<hbm>>)
      tpu.yield
    }) : () -> ()
    return
  }
}

module attributes {stable_mosaic.version = 14 : i64} {
  func.func @_tc_body(%arg0: i32, %arg1: memref<1x1000x128xf32, #tpu.memory_space<vmem>>, %arg2: memref<1x1000x128xf32, #tpu.memory_space<vmem>>, %arg3: memref<1x1000x128xf32, #tpu.memory_space<vmem>>, %arg4: memref<1x1000x128xf32, #tpu.memory_space<vmem>>, %arg5: memref<1000x128xf32, #tpu.memory_space<vmem>>, %arg6: memref<128x128xf32, #tpu.memory_space<vmem>>, %arg7: memref<128x128xf32, #tpu.memory_space<vmem>>, %arg8: memref<1x128xf32, #tpu.memory_space<vmem>>) attributes {dimension_semantics = [#tpu.dimension_semantics<arbitrary>], iteration_bounds = array<i64: 10>, scalar_prefetch = 0 : i64, scratch_operands = 0 : i64, tpu.core_type = #tpu.core_type<tc>, window_params = [{transform_indices = @transform_0, window_bounds = array<i64: 1, 1000, 128>}, {transform_indices = @transform_1, window_bounds = array<i64: 1, 1000, 128>}, {transform_indices = @transform_2, window_bounds = array<i64: 1, 1000, 128>}, {transform_indices = @transform_3, window_bounds = array<i64: 1, 1000, 128>}, {transform_indices = @transform_4, window_bounds = array<i64: 1000, 128>}, {pipeline_mode = #tpu.pipeline_mode<synchronous>, transform_indices = @transform_5, window_bounds = array<i64: 128, 128>}, {pipeline_mode = #tpu.pipeline_mode<synchronous>, transform_indices = @transform_6, window_bounds = array<i64: 128, 128>}, {pipeline_mode = #tpu.pipeline_mode<synchronous>, transform_indices = @transform_7, window_bounds = array<i64: 1, 128>}]} {
    %get3A = arith.constant 0 : index
    %get3A_0 = arith.constant 0 : index
    %get3A_1 = arith.constant 0 : index
    %get3A_2 = vector.load %arg1[%get3A, %get3A_0, %get3A_1] : memref<1x1000x128xf32, #tpu.memory_space<vmem>>, vector<1x1000x128xf32>
    %get3A_3 = vector.shape_cast %get3A_2 : vector<1x1000x128xf32> to vector<1000x128xf32>
    %get3A_4 = arith.constant 0 : index
    %get3A_5 = arith.constant 0 : index
    %get3A_6 = arith.constant 0 : index
    %get3A_7 = vector.load %arg2[%get3A_4, %get3A_5, %get3A_6] : memref<1x1000x128xf32, #tpu.memory_space<vmem>>, vector<1x1000x128xf32>
    %get3A_8 = vector.shape_cast %get3A_7 : vector<1x1000x128xf32> to vector<1000x128xf32>
    %add3A = arith.addf %get3A_3, %get3A_8 : vector<1000x128xf32>
    %get3A_9 = arith.constant 0 : index
    %get3A_10 = arith.constant 0 : index
    %get3A_11 = arith.constant 0 : index
    %get3A_12 = vector.load %arg3[%get3A_9, %get3A_10, %get3A_11] : memref<1x1000x128xf32, #tpu.memory_space<vmem>>, vector<1x1000x128xf32>
    %get3A_13 = vector.shape_cast %get3A_12 : vector<1x1000x128xf32> to vector<1000x128xf32>
    %get3A_14 = arith.constant 0 : index
    %get3A_15 = arith.constant 0 : index
    %get3A_16 = arith.constant 0 : index
    %get3A_17 = vector.load %arg4[%get3A_14, %get3A_15, %get3A_16] : memref<1x1000x128xf32, #tpu.memory_space<vmem>>, vector<1x1000x128xf32>
    %get3A_18 = vector.shape_cast %get3A_17 : vector<1x1000x128xf32> to vector<1000x128xf32>
    %add3A_19 = arith.addf %get3A_13, %get3A_18 : vector<1000x128xf32>
    %max3A = arith.constant 1.000000e+00 : f32
    %max3A_20 = vector.broadcast %max3A : f32 to vector<1000x128xf32>
    %max3A_21 = arith.maximumf %add3A_19, %max3A_20 : vector<1000x128xf32>
    %div3A = arith.divf %add3A, %max3A_21 : vector<1000x128xf32>
    %get3A_22 = arith.constant 0 : index
    %get3A_23 = arith.constant 0 : index
    %get3A_24 = vector.load %arg6[%get3A_22, %get3A_23] : memref<128x128xf32, #tpu.memory_space<vmem>>, vector<128x128xf32>
    %dot_general3A = arith.constant dense<0.000000e+00> : vector<1000x128xf32>
    %dot_general3A_25 = tpu.matmul %div3A, %get3A_24, %dot_general3A {dimension_numbers = #tpu.dot_dimension_numbers<[1], [0], [0], [1], [0, 0, 1, 1], [], []>, transpose_lhs_hint = false} : vector<1000x128xf32>, vector<128x128xf32>, vector<1000x128xf32> -> vector<1000x128xf32>
    %get3A_26 = arith.constant 0 : index
    %get3A_27 = arith.constant 0 : index
    %get3A_28 = vector.load %arg5[%get3A_26, %get3A_27] : memref<1000x128xf32, #tpu.memory_space<vmem>>, vector<1000x128xf32>
    %get3A_29 = arith.constant 0 : index
    %get3A_30 = arith.constant 0 : index
    %get3A_31 = vector.load %arg7[%get3A_29, %get3A_30] : memref<128x128xf32, #tpu.memory_space<vmem>>, vector<128x128xf32>
    %dot_general3A_32 = arith.constant dense<0.000000e+00> : vector<1000x128xf32>
    %dot_general3A_33 = tpu.matmul %get3A_28, %get3A_31, %dot_general3A_32 {dimension_numbers = #tpu.dot_dimension_numbers<[1], [0], [0], [1], [0, 0, 1, 1], [], []>, transpose_lhs_hint = false} : vector<1000x128xf32>, vector<128x128xf32>, vector<1000x128xf32> -> vector<1000x128xf32>
    %add3A_34 = arith.addf %dot_general3A_25, %dot_general3A_33 : vector<1000x128xf32>
    %max3A_35 = arith.constant 0.000000e+00 : f32
    %max3A_36 = vector.broadcast %max3A_35 : f32 to vector<1000x128xf32>
    %max3A_37 = arith.maximumf %add3A_34, %max3A_36 : vector<1000x128xf32>
    %reduce_sum3A = arith.constant dense<0.000000e+00> : vector<128xf32>
    %reduce_sum3A_38 = vector.multi_reduction <add>, %max3A_37, %reduce_sum3A [0] : vector<1000x128xf32> to vector<128xf32>
    %broadcast_in_dim3A = vector.shape_cast %reduce_sum3A_38 : vector<128xf32> to vector<1x128xf32>
    %mul3A = arith.constant 9.99999974E-5 : f32
    %mul3A_39 = vector.broadcast %mul3A : f32 to vector<1x128xf32>
    %mul3A_40 = arith.mulf %broadcast_in_dim3A, %mul3A_39 : vector<1x128xf32>
    %eq3A = arith.constant 0 : i32
    %eq3A_41 = arith.cmpi eq, %arg0, %eq3A : i32
    %convert_element_type3A = arith.extui %eq3A_41 : i1 to i32
    %cond3A = arith.constant 0 : i32
    %cond3A_42 = arith.cmpi ne, %convert_element_type3A, %cond3A : i32
    scf.if %cond3A_42 {
      %swap3A = arith.constant 0 : index
      %swap3A_47 = arith.constant 0 : index
      %swap3A_48 = vector.load %arg8[%swap3A, %swap3A_47] : memref<1x128xf32, #tpu.memory_space<vmem>>, vector<1x128xf32>
      tpu.vector_store %arg8[%swap3A, %swap3A_47], %mul3A_40 {strides = array<i32>} : memref<1x128xf32, #tpu.memory_space<vmem>>, vector<1x128xf32>,
    } else {
    }
    %gt3A = arith.constant 0 : i32
    %gt3A_43 = arith.cmpi sgt, %arg0, %gt3A : i32
    %convert_element_type3A_44 = arith.extui %gt3A_43 : i1 to i32
    %cond3A_45 = arith.constant 0 : i32
    %cond3A_46 = arith.cmpi ne, %convert_element_type3A_44, %cond3A_45 : i32
    scf.if %cond3A_46 {
      %get3A_47 = arith.constant 0 : index
      %get3A_48 = arith.constant 0 : index
      %get3A_49 = vector.load %arg8[%get3A_47, %get3A_48] : memref<1x128xf32, #tpu.memory_space<vmem>>, vector<1x128xf32>
      %add3A_50 = arith.addf %get3A_49, %mul3A_40 : vector<1x128xf32>
      %swap3A = arith.constant 0 : index
      %swap3A_51 = arith.constant 0 : index
      %swap3A_52 = vector.load %arg8[%swap3A, %swap3A_51] : memref<1x128xf32, #tpu.memory_space<vmem>>, vector<1x128xf32>
      tpu.vector_store %arg8[%swap3A, %swap3A_51], %add3A_50 {strides = array<i32>} : memref<1x128xf32, #tpu.memory_space<vmem>>, vector<1x128xf32>,
    } else {
    }
    return
  }
  func.func @transform_0(%arg0: i32) -> (i32, i32, i32) {
    %c0_i32 = arith.constant 0 : i32
    %c0_i32_0 = arith.constant 0 : i32
    %c0_i32_1 = arith.constant 0 : i32
    return %c0_i32, %arg0, %c0_i32_0 : i32, i32, i32
  }
  func.func @transform_1(%arg0: i32) -> (i32, i32, i32) {
    %c1_i32 = arith.constant 1 : i32
    %c0_i32 = arith.constant 0 : i32
    %c0_i32_0 = arith.constant 0 : i32
    return %c1_i32, %arg0, %c0_i32 : i32, i32, i32
  }
  func.func @transform_2(%arg0: i32) -> (i32, i32, i32) {
    %c0_i32 = arith.constant 0 : i32
    %c0_i32_0 = arith.constant 0 : i32
    %c0_i32_1 = arith.constant 0 : i32
    return %c0_i32, %arg0, %c0_i32_0 : i32, i32, i32
  }
  func.func @transform_3(%arg0: i32) -> (i32, i32, i32) {
    %c1_i32 = arith.constant 1 : i32
    %c0_i32 = arith.constant 0 : i32
    %c0_i32_0 = arith.constant 0 : i32
    return %c1_i32, %arg0, %c0_i32 : i32, i32, i32
  }
  func.func @transform_4(%arg0: i32) -> (i32, i32) {
    %c0_i32 = arith.constant 0 : i32
    %c0_i32_0 = arith.constant 0 : i32
    return %arg0, %c0_i32 : i32, i32
  }
  func.func @transform_5(%arg0: i32) -> (i32, i32) {
    %c0_i32 = arith.constant 0 : i32
    %c0_i32_0 = arith.constant 0 : i32
    %c0_i32_1 = arith.constant 0 : i32
    return %c0_i32, %c0_i32_0 : i32, i32
  }
  func.func @transform_6(%arg0: i32) -> (i32, i32) {
    %c0_i32 = arith.constant 0 : i32
    %c0_i32_0 = arith.constant 0 : i32
    %c0_i32_1 = arith.constant 0 : i32
    return %c0_i32, %c0_i32_0 : i32, i32
  }
  func.func @transform_7(%arg0: i32) -> (i32, i32) {
    %c0_i32 = arith.constant 0 : i32
    %c0_i32_0 = arith.constant 0 : i32
    %c0_i32_1 = arith.constant 0 : i32
    return %c0_i32, %c0_i32_0 : i32, i32
  }
}

</mosaic_0001>

<sc_bundles>
// kernel: kernel.4.cloned.1.call-start
scs
__scs_entry_jumppad:
0x0: {  	(pc) =	sbr.rel $0x88, $3  }
0x1: {  	(tag) =	ssettag $0x0;
	lr =	simm.s32 $0x1  }
0x2: {  	[smem:$0x3F9D] =	sst lr;
	_ =	strace $0xD0000000  }
0x3: {  	_ = 	snop  }
0x4: {  	_ = 	snop  }
0x5: {  	_ = 	snop  }
0x6: {  	_ = 	snop  }
0x7: {  	_ = 	snop  }
__scs_overlays_trampoline_lowered:
0x8: {  	[smem:$0x3FAC] =	sst s0  }
0x9: {  	[smem:$0x3FAD] =	sst s1  }
0xa: {  	[smem:$0x3FAE] =	sst s2  }
0xb: {  	[smem:$0x3FAF] =	sst s3  }
0xc: {  	[smem:$0x3FB0] =	sst s4  }
0xd: {  	[smem:$0x3FB1] =	sst s5  }
0xe: {  	[smem:$0x3FB2] =	sst s6  }
0xf: {  	[smem:$0x3FB3] =	sst s7  }
0x10: {  	[smem:$0x3FB4] =	sst s8  }
0x11: {  	[smem:$0x3FB5] =	sst s9;
	s0 =	simm.s32 @!p0 $0x0  }
0x12: {  	s1 =	sld [smem:$0x3F9B];
	s0 =	simm.s32 @p0 $0x1  }
0x13: {  	[smem:$0x3FB6] =	sst s0;
	s0 =	simm.s32 @!p1 $0x0  }
0x14: {  	s2 =	sld [smem:$0x3F9A];
	s0 =	simm.s32 @p1 $0x1  }
0x15: {  	[smem:$0x3FB7] =	sst s0;
	s0 =	simm.s32 @!p2 $0x0  }
0x16: {  	s3 =	sld [smem:$0x3FDB];
	s0 =	simm.s32 @p2 $0x1  }
0x17: {  	s4 =	simm.s32 $0x1BF5;
	[smem:$0x3FB9] =	sst s0  }
0x18: {  	s0 =	sld [smem:$0x3F9C];
	_ =	swait.ge [sflag:s4], $0x0  }
0x19: {  	s7 =	sld [smem:$0x3F9D]  }
0x1a: {  	s8 =	sadd.s32 $0xFFFFE003, lr  }
0x1b: {  	s9 =	sadd.s32 $0xFFFFFEF7, lr;
	s5 =	simm.s32 $0xFFFFFFFF;
	p2 =	slt.u32 s8, $0xFFFFF086  }
0x1c: {  	p1 =	slt.u32 s9, $0xF7A;
	s5 =	simm.s32 @!p2 $0x0  }
0x1d: {  	s5 =	simm.s32 @p1 $0x1;
	p0 =	seq.s32 s7, s2  }
0x1e: {  	s7 =	smul.u32 @!p0 $0xF7A, s2;
	p2 =	seq.s32 @!p0 s5, $0x0  }
0x1f: {  	s9 =	smul.u32 $0xF7A, s1;
	s8 =	simm.s32 @!p0 $0x1BF5;
	p2 =	por !p2, p0  }
0x20: {  	[sflag:s8] =	ssyncset.s32 @!p0 $0xFFFFF086;
	s6 =	sadd.s32 @!p0 s3, s7;
	s7 =	simm.s32 @!p0 $0x108  }
0x21: {  	s3 =	sadd.s32 s3, s9;
	s6 =	sadd.s32 @!p0 $0x88, s6;
	s7 =	simm.s32 @p2 $0x1082  }
0x22: {  	[simem:s7], [sflag:s8] =	dma.local @!p0 [hbm:s6], $0xF7A  }
0x23: {  	s9 =	sor.u32 $0xD0000000, s2;
	s6 =	simm.s32 $0x108;
	_ =	swait.ge @!p0 [sflag:s8], $0x0  }
0x24: {  	s3 =	sadd.s32 $0x88, s3;
	s6 =	simm.s32 @!p1 $0x1082;
	[sflag:s4] =	ssyncset.s32 $0xFFFFF086  }
0x25: {  	[simem:s6], [sflag:s4] =	dma.local [hbm:s3], $0xF7A  }
0x26: {  	[smem:$0x3F9D] =	sst s1;
	(tag) =	ssettag s2;
	_ =	strace s9  }
0x27: {  	s1 =	sld [smem:$0x3FAD]  }
0x28: {  	s2 =	sld [smem:$0x3FAE]  }
0x29: {  	s4 =	sld [smem:$0x3FB0]  }
0x2a: {  	p0 =	seq.s32 s5, $0x0;
	s5 =	sld [smem:$0x3FB1]  }
0x2b: {  	s6 =	sld [smem:$0x3FB2]  }
0x2c: {  	s7 =	sld [smem:$0x3FB3]  }
0x2d: {  	s3 =	simm.s32 $0x108;
	s8 =	sld [smem:$0x3FB4]  }
0x2e: {  	s3 =	simm.s32 @!p0 $0x1082;
	s9 =	sld [smem:$0x3FB5]  }
0x2f: {  	lr =	sadd.s32 s0, s3;
	s0 =	sld [smem:$0x3FAC]  }
0x30: {  	s3 =	sld [smem:$0x3FAF]  }
0x31: {  	[smem:$0x3FB8] =	sst s10  }
0x32: {  	s10 =	sld [smem:$0x3FB6];
	_ =	sdelay $0x3  }
0x33: {  	p0 =	seq.s32 s10, $0x1;
	s10 =	sld [smem:$0x3FB8];
	_ =	sdelay $0x3  }
0x34: {  	[smem:$0x3FB8] =	sst s10  }
0x35: {  	s10 =	sld [smem:$0x3FB7];
	_ =	sdelay $0x3  }
0x36: {  	p1 =	seq.s32 s10, $0x1;
	s10 =	sld [smem:$0x3FB8];
	_ =	sdelay $0x3  }
0x37: {  	[smem:$0x3FB8] =	sst s10  }
0x38: {  	s10 =	sld [smem:$0x3FB9]  }
0x39: {  	_ = 	snop;
	(pc) =	sbr.ind lr, $3  }
0x3a: {  	_ = 	snop  }
0x3b: {  	_ = 	snop  }
0x3c: {  	p2 =	seq.s32 s10, $0x1;
	s10 =	sld [smem:$0x3FB8]  }
0x3d: {  	_ =	shalt  }
0x3e: {  	_ =	shalt  }
0x3f: {  	_ =	shalt  }
0x40: {  	_ =	shalt  }
0x41: {  	_ =	shalt  }
0x42: {  	_ =	shalt  }
0x43: {  	_ =	shalt  }
0x44: {  	_ =	shalt  }
0x45: {  	_ =	shalt  }
0x46: {  	_ =	shalt  }
0x47: {  	_ =	shalt  }
0x48: {  	_ =	shalt  }
0x49: {  	_ =	shalt  }
0x4a: {  	_ =	shalt  }
0x4b: {  	_ =	shalt  }
0x4c: {  	_ =	shalt  }
0x4d: {  	_ =	shalt  }
0x4e: {  	_ =	shalt  }
0x4f: {  	_ =	shalt  }
0x50: {  	_ =	shalt  }
0x51: {  	_ =	shalt  }
0x52: {  	_ =	shalt  }
0x53: {  	_ =	shalt  }
0x54: {  	_ =	shalt  }
0x55: {  	_ =	shalt  }
0x56: {  	_ =	shalt  }
0x57: {  	_ =	shalt  }
0x58: {  	_ =	shalt  }
0x59: {  	_ =	shalt  }
0x5a: {  	_ =	shalt  }
0x5b: {  	_ =	shalt  }
0x5c: {  	_ =	shalt  }
0x5d: {  	_ =	shalt  }
0x5e: {  	_ =	shalt  }
0x5f: {  	_ =	shalt  }
0x60: {  	_ =	shalt  }
0x61: {  	_ =	shalt  }
0x62: {  	_ =	shalt  }
0x63: {  	_ =	shalt  }
0x64: {  	_ =	shalt  }
0x65: {  	_ =	shalt  }
0x66: {  	_ =	shalt  }
0x67: {  	_ =	shalt  }
0x68: {  	_ =	shalt  }
0x69: {  	_ =	shalt  }
0x6a: {  	_ =	shalt  }
0x6b: {  	_ =	shalt  }
0x6c: {  	_ =	shalt  }
0x6d: {  	_ =	shalt  }
0x6e: {  	_ =	shalt  }
0x6f: {  	_ =	shalt  }
0x70: {  	_ =	shalt  }
0x71: {  	_ =	shalt  }
0x72: {  	_ =	shalt  }
0x73: {  	_ =	shalt  }
0x74: {  	_ =	shalt  }
0x75: {  	_ =	shalt  }
0x76: {  	_ =	shalt  }
0x77: {  	_ =	shalt  }
0x78: {  	_ =	shalt  }
0x79: {  	_ =	shalt  }
0x7a: {  	_ =	shalt  }
0x7b: {  	_ =	shalt  }
0x7c: {  	_ =	shalt  }
0x7d: {  	_ =	shalt  }
0x7e: {  	_ =	shalt  }
0x7f: {  	_ =	shalt  }
0x80: {  	_ =	shalt  }
0x81: {  	_ =	shalt  }
0x82: {  	_ =	shalt  }
0x83: {  	_ =	shalt  }
0x84: {  	_ =	shalt  }
0x85: {  	_ =	shalt  }
0x86: {  	_ =	shalt  }
0x87: {  	_ =	shalt  }
.Lfunc_end0:
.L_simem_size_0:
called_computation_lowered:
.L_overlay_start_0:
0x88: {  	s2 =	sld [smem:$0x3FD9]  }
0x89: {  	s3 =	sld [smem:$0x3FFE];
	_ =	sdelay $0x1  }
0x8a: {  	s1 =	srdreg.scid  }
0x8b: {  	s0 =	sand.u32 $0x1, s1  }
0x8c: {  	s17 =	sshll.u32 s0, $0xA;
	s2 =	sadd.s32 s3, s2  }
0x8d: {  	s2 =	sadd.s32 s2, s17  }
0x8e: {  	[smem:$0x3FC4] =	sst s2  }
0x8f: {  	_ = 	snop  }
0x90: {  	s2 =	sld [smem:$0x3FC9];
	(tm) =	ssettm $0x1  }
0x91: {  	s18 =	sld [smem:$0x3FFB];
	_ =	sdelay $0x3  }
0x92: {  	_ =	strace s18  }
0x93: {  	s3 =	sld [smem:$0x3FFC];
	_ =	sdelay $0x3  }
0x94: {  	_ =	strace s3  }
0x95: {  	s3 =	sld [smem:$0x3FFD];
	_ =	sdelay $0x3  }
0x96: {  	_ =	strace s3  }
0x97: {  	_ =	strace $0x8FFFFFFF  }
0x98: {  	s19 =	sld [smem:$0x3FDB];
	_ =	sdelay $0x1  }
0x99: {  	s4 =	simm.s32 $_scs_section_size  }
0x9a: {  	s5 =	simm.s32 $_size__tile_overlayer_lowered;
	s6 =	simm.s32 $_tile_overlayer_lowered  }
0x9b: {  	s22 =	simm.s32 $0x1BFF;
	s21 =	sshll.u32 s6, $0x1;
	s3 =	sadd.s32 s4, s19  }
0x9c: {  	s7 =	simm.s32 $0x0;
	s20 =	sshll.u32 s5, $0x1;
	s5 =	sadd.s32 s21, s3  }
0x9d: {  	[timem:s7], [sflag:s22] =	dma.local [hbm:s5], s20  }
0x9e: {  	_ =	swait.ge [sflag:s22], s20  }
0x9f: {  	s4 =	ssub.s32 $0x0, s20;
	[sflag:s22] =	ssyncset.done $0x0  }
0xa0: {  	[sflag:s22] =	ssyncadd.s32 s4;
	_ =	sdelay $0x1  }
0xa1: {  	s23 =	simm.s32 $0x1B8B  }
0xa2: {  	_ =	swait.ge [sflag:s23], $0x1  }
0xa3: {  	[sflag:s23] =	ssyncset.done $0x0  }
0xa4: {  	s25 =	simm.s32 $0x1B8E;
	s24 =	sld [smem:$0x3FFE];
	[sflag:s23] =	ssyncadd.s32 $0xFFFFFFFF  }
0xa5: {  	s26 =	simm.s32 $execute0_lowered;
	[smem:$0x3FD2] =	sst s25  }
0xa6: {  	s5 =	sshll.u32 s26, $0x1;
	_ =	strace $0x80000046;
	[dreg:$0x1] =	wrdreg $0xFFFFFFFF  }
0xa7: {  	s28 =	simm.s32 $_size_execute0_lowered;
	s3 =	sadd.s32 s3, s5;
	[dreg:$0x0] =	wrdreg $0x0  }
0xa8: {  	s5 =	sshll.u32 s28, $0x1;
	[dreg:$0x2] =	wrdreg s3  }
0xa9: {  	[dreg:$0x3] =	wrdreg s5  }
0xaa: {  	[dreg:$0x4] =	wrdreg $0xC0  }
0xab: {  	_ =	task [dreg:s7], $0x5FFFF  }
0xac: {  	[dreg:$0x1] =	wrdreg $0xFFFFFFFF  }
0xad: {  	[dreg:$0x0] =	wrdreg $0x60  }
0xae: {  	[dreg:$0x2] =	wrdreg s2  }
0xaf: {  	[dreg:$0x3] =	wrdreg s24  }
0xb0: {  	[dreg:$0x4] =	wrdreg $0x54000  }
0xb1: {  	[dreg:$0x5] =	wrdreg $0x9  }
0xb2: {  	_ =	task.clear_ibuf [dreg:s7], $0x6FFFF;
	_ =	strace $0x90000046  }
0xb3: {  	s29 =	simm.s32 $0x9;
	_ =	strace $0x80000048  }
0xb4: {  	_ =	swait.ge [sflag:s29], $0x1  }
0xb5: {  	[sflag:s29] =	ssyncadd.s32 $0xFFFFFFFF  }
0xb6: {  	_ =	strace $0x90000048  }
0xb7: {  	_ =	sfence  }
0xb8: {  	s30 =	sld [smem:$0x0];
	_ =	sdelay $0x2  }
0xb9: {  	s31 =	sshll.u32 s1, $0xD;
	s1 =	sshrl.u32 s1, $0x2  }
0xba: {  	s3 =	sand.u32 $0x4000, s31;
	s1 =	sadd.s32 s1, s30  }
0xbb: {  	s0 =	sor.u32 s3, s0;
	s1 =	sshll.u32 s1, $0x11  }
0xbc: {  	s0 =	sor.u32 s1, s0  }
0xbd: {  	s0 =	sadd.s32 $0x8F2B, s0  }
0xbe: {  	[sflag:s0] =	ssyncadd.remote.s32 $0x1  }
0xbf: {  	_ =	sfence.sel $0xFFFF  }
0xc0: {  	[dreg:$0x0] =	wrdreg $0xFFFFFFFF;
	(pc) =	sbr.abs _section_cstart, $3  }
0xc1: {  	[dreg:$0x1] =	wrdreg $0xFFFFFFFF  }
0xc2: {  	_ =	task.clear_ibuf [dreg:s7], $0x2FFFF;
	_ =	strace $0x9FFFFFFF  }
0xc3: {  	(tm) =	ssettm $0x7FFFFFFF  }
tec
execute0_lowered:
.L_overlay_start_1:
0x0: {  	(tag) =	ssettag $0x1  }
0x1: {  	s0 =	srdreg.scid;
	s23 =	stileid.u32  }
0x2: {  	s1 =	rddreg [dreg:$0x1];
	s30 =	simm.s32 $0x4;
	s29 =	simm.s32 $0x1  }
0x3: {  	s31 =	simm.s32 $0x6;
	s9 =	sand.u32 $0x1, s0;
	s10 =	smul.u32 $0x14000, s23  }
0x4: {  	s11 =	sadd.s32 $0x71A00, s1;
	s13 =	sshll.u32 s23, $0x10;
	s26 =	sadd.s32 $0x21A00, s1  }
0x5: {  	s0 =	ssub.s32 $0x2, s9;
	s12 =	smul.u32 $0x140000, s9;
	s9 =	sshll.u32 s9, $0xF  }
0x6: {  	s2 =	sshrl.u32 s0, $0x1;
	s3 =	sadd.s32 $0x5000, s10;
	s4 =	sadd.s32 $0x7800, s10  }
0x7: {  	s5 =	sadd.s32 $0xA000, s10;
	s6 =	sadd.s32 $0xC800, s10;
	s7 =	sadd.s32 $0xF000, s10  }
0x8: {  	s8 =	sadd.s32 $0x11800, s10;
	s9 =	sor.u32 s9, s13;
	s0 =	ssub.s32 s0, s2  }
0x9: {  	s2 =	sor.u32 $0x2800, s10;
	s10 =	sadd.s32 s10, s12;
	s20 =	sadd.s32 s12, s3  }
0xa: {  	s15 =	sadd.s32 s12, s4;
	s16 =	sadd.s32 s12, s5;
	s24 =	sadd.s32 s12, s6  }
0xb: {  	s14 =	sadd.s32 s12, s2;
	s10 =	sshrl.u32 s10, $0x3;
	s15 =	sshrl.u32 s15, $0x3  }
0xc: {  	s16 =	sshrl.u32 s16, $0x3;
	s0 =	smax.u32 s0, $0x1;
	s18 =	sadd.s32 s11, s10  }
0xd: {  	s13 =	sshrl.u32 s14, $0x3;
	s21 =	sadd.s32 s11, s15;
	[dreg:$0x4] =	wrdreg s18  }
0xe: {  	s14 =	sshrl.u32 s20, $0x3;
	s22 =	sadd.s32 s11, s16;
	[dreg:$0x7] =	wrdreg s21  }
0xf: {  	s10 =	sadd.s32 s26, s10;
	s15 =	sadd.s32 s26, s15;
	[dreg:$0x8] =	wrdreg s22  }
0x10: {  	s16 =	sadd.s32 s26, s16;
	s20 =	sshrl.u32 s9, $0x3;
	[dreg:$0xc] =	wrdreg s10  }
0x11: {  	s19 =	sadd.s32 s11, s13;
	s17 =	sadd.s32 s11, s14;
	[dreg:$0xf] =	wrdreg s15  }
0x12: {  	s18 =	sadd.s32 s12, s7;
	s12 =	sadd.s32 s12, s8;
	[dreg:$0x10] =	wrdreg s16  }
0x13: {  	s13 =	sadd.s32 s26, s13;
	s14 =	sadd.s32 s26, s14;
	[dreg:$0x5] =	wrdreg s19  }
0x14: {  	s10 =	sadd.s32 $0xE00, s1;
	s21 =	sor.u32 $0x300, s9;
	[dreg:$0x6] =	wrdreg s17  }
0x15: {  	s16 =	sor.u32 $0x500, s9;
	s17 =	sshrl.u32 s24, $0x3;
	[dreg:$0xd] =	wrdreg s13  }
0x16: {  	s18 =	sshrl.u32 s18, $0x3;
	[dreg:$0xe] =	wrdreg s14;
	s19 =	sadd.s32 s11, s17  }
0x17: {  	s12 =	sshrl.u32 s12, $0x3;
	s25 =	sadd.s32 s11, s18;
	[dreg:$0x9] =	wrdreg s19  }
0x18: {  	s14 =	sadd.s32 s10, s20;
	s11 =	sadd.s32 s11, s12;
	[dreg:$0xa] =	wrdreg s25  }
0x19: {  	s22 =	sshrl.u32 s21, $0x3;
	s17 =	sadd.s32 s26, s17;
	[dreg:$0xb] =	wrdreg s11  }
0x1a: {  	s24 =	sor.u32 $0x200, s9;
	s18 =	sadd.s32 s26, s18;
	[dreg:$0x11] =	wrdreg s17  }
0x1b: {  	[dreg:$0x12] =	wrdreg s18;
	s19 =	sadd.s32 s26, s12;
	s17 =	simm.s32 $0x0  }
0x1c: {  	s25 =	sor.u32 $0x700, s9;
	s11 =	sshrl.u32 s24, $0x3;
	s26 =	sor.u32 $0x600, s9  }
0x1d: {  	s24 =	rddreg [dreg:$0x0];
	s9 =	sor.u32 $0x400, s9;
	s18 =	smul.u32 $0x50000, s23  }
0x1e: {  	s23 =	sadd.s32 $0x21400, s1;
	s1 =	sadd.s32 $0x20E00, s1;
	[dreg:$0x13] =	wrdreg s19  }
0x1f: {  	[smem:$0x7FF] =	sst s17;
	s19 =	sadd.s32 s22, s10;
	s12 =	sshrl.u32 s25, $0x3  }
0x20: {  	s20 =	sadd.s32 s11, s10;
	s15 =	sshrl.u32 s26, $0x3;
	s11 =	sshrl.u32 s16, $0x3  }
0x21: {  	s25 =	rddreg [dreg:$0x2];
	s9 =	sshrl.u32 s9, $0x3;
	s16 =	sadd.s32 $0x20, s14  }
0x22: {  	s21 =	sadd.s32 s12, s10;
	_ =	strace $0x80000047;
	[dreg:$0x15] =	wrdreg s23  }
0x23: {  	s22 =	sadd.s32 s15, s10;
	s26 =	sadd.s32 s11, s10;
	[dreg:$0x16] =	wrdreg s1  }
0x24: {  	s28 =	sadd.s32 s9, s10;
	s10 =	sshrl.u32 s18, $0x2;
	[dreg:$0x1f] =	wrdreg s0  }
0x25: {  	s11 =	sadd.s32 s2, s25;
	s12 =	sadd.s32 s3, s25;
	[smem:$0x7FA] =	sst s16  }
0x26: {  	s13 =	sadd.s32 s4, s25;
	s15 =	sadd.s32 s5, s25;
	[dreg:$0x14] =	wrdreg s14  }
0x27: {  	s3 =	sadd.s32 s7, s25;
	s4 =	sadd.s32 s8, s25;
	[dreg:$0x18] =	wrdreg s11  }
0x28: {  	s18 =	sadd.s32 $0x40, s14;
	s23 =	sadd.s32 $0x60, s14;
	[dreg:$0x19] =	wrdreg s13  }
0x29: {  	s14 =	simm.s32 $0x3;
	s16 =	simm.s32 $0x80;
	[dreg:$0x1a] =	wrdreg s15  }
0x2a: {  	s8 =	simm.s32 $0x200;
	s9 =	simm.s32 $0x300;
	[smem:$0x7FB] =	sst s18  }
0x2b: {  	s7 =	simm.s32 $0x2;
	s2 =	simm.s32 $0x0;
	[smem:$0x7FC] =	sst s23  }
0x2c: {  	s0 =	simm.s32 $0x380;
	s1 =	sadd.s32 s10, s25;
	[smem:$0x7FD] =	sst s2  }
0x2d: {  	s5 =	smov.u32 s12;
	s10 =	simm.s32 $0x2C00;
	[dreg:$0x1d] =	wrdreg s3  }
0x2e: {  	s11 =	simm.s32 $0x7;
	s12 =	simm.s32 $0x400;
	[dreg:$0x1e] =	wrdreg s4  }
0x2f: {  	s13 =	simm.s32 $0x100;
	s15 =	simm.s32 $0x50;
	[dreg:$0x17] =	wrdreg s1  }
0x30: {  	s18 =	simm.s32 $0x5;
	s1 =	sadd.s32 s6, s25;
	[dreg:$0x1c] =	wrdreg s5  }
0x31: {  	s23 =	simm.s32 $0x280;
	s6 =	simm.s32 $0x180;
	[dreg:$0x1b] =	wrdreg s1  }
.LBB2_1:
0x32: {  	s2 =	rddreg [dreg:$0x16]  }
0x33: {  	[tilespmem:s10], [sflag:$0x7] =	stream.linear.gather [hbm4b:s2+s17], $0x2800, $0x38;
	[tilespmem:$0x19400] =	vst v63  }
0x34: {  	_ =	swait.ge [sflag:s11], $0x2800  }
0x35: {  	[sflag:s11] =	ssyncset.done $0x0  }
0x36: {  	s2 =	rddreg [dreg:$0x15];
	[sflag:s11] =	ssyncadd.s32 $0xFFFFD800  }
0x37: {  	[tilespmem:s12], [sflag:$0x7] =	stream.linear.gather [hbm4b:s2+s17], $0x2800, $0x38;
	[tilespmem:$0x19400] =	vst v63  }
0x38: {  	_ =	swait.ge [sflag:s11], $0x2800  }
0x39: {  	[sflag:s11] =	ssyncset.done $0x0  }
0x3a: {  	s2 =	rddreg [dreg:$0x17];
	[sflag:s11] =	ssyncadd.s32 $0xFFFFD800  }
0x3b: {  	[spmem:s2] =	stream.linear.scatter [tilespmem:s12], [sflag:$0x7], $0x2800, $0x38;
	[tilespmem:$0x19400] =	vst v63  }
0x3c: {  	_ =	swait.ge [sflag:s11], $0x2800  }
0x3d: {  	[sflag:s11] =	ssyncset.done $0x0  }
0x3e: {  	s2 =	rddreg [dreg:$0x18];
	[sflag:s11] =	ssyncadd.s32 $0xFFFFD800  }
0x3f: {  	[spmem:s2] =	stream.linear.scatter [tilespmem:s12], [sflag:$0x7], $0x2800, $0x38;
	[tilespmem:$0x19400] =	vst v63  }
0x40: {  	_ =	swait.ge [sflag:s11], $0x2800  }
0x41: {  	[sflag:s11] =	ssyncset.done $0x0  }
0x42: {  	[sflag:s11] =	ssyncadd.s32 $0xFFFFD800  }
0x43: {  	[spmem:s5] =	stream.linear.scatter [tilespmem:s12], [sflag:$0x7], $0x2800, $0x38;
	[tilespmem:$0x19400] =	vst v63  }
0x44: {  	s2 =	rddreg [dreg:$0x19];
	_ =	swait.ge [sflag:s11], $0x2800  }
0x45: {  	[sflag:s11] =	ssyncset.done $0x0  }
0x46: {  	[sflag:s11] =	ssyncadd.s32 $0xFFFFD800  }
0x47: {  	[spmem:s2] =	stream.linear.scatter [tilespmem:s12], [sflag:$0x7], $0x2800, $0x38;
	[tilespmem:$0x19400] =	vst v63  }
0x48: {  	_ =	swait.ge [sflag:s11], $0x2800  }
0x49: {  	[sflag:s11] =	ssyncset.done $0x0  }
0x4a: {  	s5 =	rddreg [dreg:$0x1a];
	[sflag:s11] =	ssyncadd.s32 $0xFFFFD800  }
0x4b: {  	[spmem:s5] =	stream.linear.scatter [tilespmem:s12], [sflag:$0x7], $0x2800, $0x38;
	[tilespmem:$0x19400] =	vst v63  }
0x4c: {  	_ =	swait.ge [sflag:s11], $0x2800  }
0x4d: {  	[sflag:s11] =	ssyncset.done $0x0  }
0x4e: {  	[sflag:s11] =	ssyncadd.s32 $0xFFFFD800  }
0x4f: {  	[spmem:s1] =	stream.linear.scatter [tilespmem:s12], [sflag:$0x7], $0x2800, $0x38;
	[tilespmem:$0x19400] =	vst v63  }
0x50: {  	_ =	swait.ge [sflag:s11], $0x2800  }
0x51: {  	[sflag:s11] =	ssyncset.done $0x0  }
0x52: {  	[sflag:s11] =	ssyncadd.s32 $0xFFFFD800  }
0x53: {  	[spmem:s3] =	stream.linear.scatter [tilespmem:s12], [sflag:$0x7], $0x2800, $0x38;
	[tilespmem:$0x19400] =	vst v63  }
0x54: {  	_ =	swait.ge [sflag:s11], $0x2800  }
0x55: {  	[sflag:s11] =	ssyncset.done $0x0  }
0x56: {  	[sflag:s11] =	ssyncadd.s32 $0xFFFFD800  }
0x57: {  	[spmem:s4] =	stream.linear.scatter [tilespmem:s12], [sflag:$0x7], $0x2800, $0x38;
	[tilespmem:$0x19400] =	vst v63  }
0x58: {  	_ =	swait.ge [sflag:s11], $0x2800  }
0x59: {  	[sflag:s11] =	ssyncset.done $0x0  }
0x5a: {  	[sflag:s11] =	ssyncadd.s32 $0xFFFFD800  }
0x5b: {  	[bflag:$0x0] =	sbarrier.arrive $0xFFFF  }
0x5c: {  	s3 =	rddreg [dreg:$0x14]  }
0x5d: {  	s4 =	sld [smem:$0x7FA]  }
0x5e: {  	[tilespmem:s17], [sflag:$0x3] =	stream.linear.gather [hbm4b:s3+s17], $0x100, $0x38;
	[tilespmem:$0x19400] =	vst v63  }
0x5f: {  	_ = 	snop  }
0x60: {  	[tilespmem:s13], [sflag:$0x4] =	stream.linear.gather [hbm4b:s4+s17], $0x100, $0x38;
	[tilespmem:$0x19400] =	vst v63  }
0x61: {  	_ =	swait.ge [sflag:s14], $0x100  }
0x62: {  	[sflag:s14] =	ssyncset.done $0x0  }
0x63: {  	[sflag:s14] =	ssyncadd.s32 $0xFFFFFF00  }
0x64: {  	[spmem:s25] =	stream.indirect.scatter.add.f32 [tilespmem:s10], [sflag:$0x7], $0x80, s16, s15, $0xb8;
	[tilespmem:$0x19400] =	vst v63  }
0x65: {  	_ =	swait.ge [sflag:s11], $0x2800  }
0x66: {  	[sflag:s11] =	ssyncset.done $0x0  }
0x67: {  	s5 =	sadd.s32 $0x0, s20;
	[sflag:s11] =	ssyncadd.s32 $0xFFFFD800  }
0x68: {  	[tilespmem:s17], [sflag:$0x3] =	stream.linear.gather [hbm4b:s5+s17], $0x100, $0x38;
	[tilespmem:$0x19400] =	vst v63  }
0x69: {  	_ =	swait.ge [sflag:s30], $0x100  }
0x6a: {  	[sflag:s30] =	ssyncset.done $0x0  }
0x6b: {  	[sflag:s30] =	ssyncadd.s32 $0xFFFFFF00  }
0x6c: {  	[spmem:s25] =	stream.indirect.scatter.add.f32 [tilespmem:s10], [sflag:$0x7], $0x80, s6, s15, $0xb8;
	[tilespmem:$0x19400] =	vst v63  }
0x6d: {  	_ =	swait.ge [sflag:s11], $0x2800  }
0x6e: {  	[sflag:s11] =	ssyncset.done $0x0  }
0x6f: {  	s2 =	simm.s32 $0x40;
	s3 =	sadd.s32 $0x0, s19;
	[sflag:s11] =	ssyncadd.s32 $0xFFFFD800  }
.LBB2_2:
0x70: {  	[tilespmem:s13], [sflag:$0x4] =	stream.linear.gather [hbm4b:s3+s17], $0x100, $0x38;
	[tilespmem:$0x19400] =	vst v63  }
0x71: {  	s3 =	smov.u32 s2  }
0x72: {  	p0 =	sne.s32 s2, $0xF40;
	s2 =	sadd.s32 $0x40, s2;
	_ =	swait.ge [sflag:s14], $0x100  }
0x73: {  	[sflag:s14] =	ssyncset.done $0x0  }
0x74: {  	[sflag:s14] =	ssyncadd.s32 $0xFFFFFF00  }
0x75: {  	[spmem:s25] =	stream.indirect.scatter.add.f32 [tilespmem:s10], [sflag:$0x7], $0x80, s16, s15, $0xb8;
	[tilespmem:$0x19400] =	vst v63  }
0x76: {  	_ =	swait.ge [sflag:s11], $0x2800  }
0x77: {  	[sflag:s11] =	ssyncset.done $0x0  }
0x78: {  	s4 =	sadd.s32 s3, s20;
	[sflag:s11] =	ssyncadd.s32 $0xFFFFD800  }
0x79: {  	[tilespmem:s17], [sflag:$0x3] =	stream.linear.gather [hbm4b:s4+s17], $0x100, $0x38;
	[tilespmem:$0x19400] =	vst v63  }
0x7a: {  	_ =	swait.ge [sflag:s30], $0x100  }
0x7b: {  	[sflag:s30] =	ssyncset.done $0x0  }
.Ltmp0:
0x7c: {  	[sflag:s30] =	ssyncadd.s32 $0xFFFFFF00;
	(pc) =	sbr.rel @p0 .LBB2_2-.Ltmp0, $4  }
0x7d: {  	[spmem:s25] =	stream.indirect.scatter.add.f32 [tilespmem:s10], [sflag:$0x7], $0x80, s6, s15, $0xb8;
	[tilespmem:$0x19400] =	vst v63  }
0x7e: {  	_ =	swait.ge [sflag:s11], $0x2800  }
0x7f: {  	[sflag:s11] =	ssyncset.done $0x0  }
0x80: {  	s3 =	sadd.s32 s3, s19;
	[sflag:s11] =	ssyncadd.s32 $0xFFFFD800  }
0x81: {  	[tilespmem:s13], [sflag:$0x4] =	stream.linear.gather [hbm4b:s3+s17], $0x100, $0x38;
	[tilespmem:$0x19400] =	vst v63  }
0x82: {  	_ =	swait.ge [sflag:s14], $0x100  }
0x83: {  	[sflag:s14] =	ssyncset.done $0x0  }
0x84: {  	[sflag:s14] =	ssyncadd.s32 $0xFFFFFF00  }
0x85: {  	[spmem:s25] =	stream.indirect.scatter.add.f32 [tilespmem:s10], [sflag:$0x7], $0x80, s16, s15, $0xb8;
	[tilespmem:$0x19400] =	vst v63  }
0x86: {  	_ =	swait.ge [sflag:s11], $0x2800  }
0x87: {  	[sflag:s11] =	ssyncset.done $0x0  }
0x88: {  	[sflag:s11] =	ssyncadd.s32 $0xFFFFD800  }
0x89: {  	_ =	swait.ge [sflag:s30], $0x100  }
0x8a: {  	[sflag:s30] =	ssyncset.done $0x0  }
0x8b: {  	[sflag:s30] =	ssyncadd.s32 $0xFFFFFF00  }
0x8c: {  	[bflag:$0x0] =	sbarrier.arrive $0xFFFF  }
0x8d: {  	s1 =	rddreg [dreg:$0x17]  }
0x8e: {  	[tilespmem:s12], [sflag:$0x7] =	stream.linear.gather [spmem:s1], $0x2800, $0x38;
	[tilespmem:$0x19400] =	vst v63  }
0x8f: {  	_ =	swait.ge [sflag:s11], $0x2800  }
0x90: {  	[sflag:s11] =	ssyncset.done $0x0  }
0x91: {  	s2 =	simm.s32 $0x0;
	s5 =	rddreg [dreg:$0x4];
	[sflag:s11] =	ssyncadd.s32 $0xFFFFD800  }
0x92: {  	[hbm4b:s5+s2] =	stream.linear.scatter [tilespmem:s12], [sflag:$0x7], $0x2800, $0x38;
	[tilespmem:$0x19400] =	vst v63  }
0x93: {  	_ =	swait.ge [sflag:s11], $0x2800  }
0x94: {  	[sflag:s11] =	ssyncset.done $0x0  }
0x95: {  	s4 =	rddreg [dreg:$0x18];
	[sflag:s11] =	ssyncadd.s32 $0xFFFFD800  }
0x96: {  	[tilespmem:s12], [sflag:$0x7] =	stream.linear.gather [spmem:s4], $0x2800, $0x38;
	[tilespmem:$0x19400] =	vst v63  }
0x97: {  	_ =	swait.ge [sflag:s11], $0x2800  }
0x98: {  	[sflag:s11] =	ssyncset.done $0x0  }
0x99: {  	s5 =	rddreg [dreg:$0x5];
	[sflag:s11] =	ssyncadd.s32 $0xFFFFD800  }
0x9a: {  	[hbm4b:s5+s2] =	stream.linear.scatter [tilespmem:s12], [sflag:$0x7], $0x2800, $0x38;
	[tilespmem:$0x19400] =	vst v63  }
0x9b: {  	_ =	swait.ge [sflag:s11], $0x2800  }
0x9c: {  	[sflag:s11] =	ssyncset.done $0x0  }
0x9d: {  	s4 =	rddreg [dreg:$0x1c];
	[sflag:s11] =	ssyncadd.s32 $0xFFFFD800  }
0x9e: {  	[tilespmem:s12], [sflag:$0x7] =	stream.linear.gather [spmem:s4], $0x2800, $0x38;
	[tilespmem:$0x19400] =	vst v63  }
0x9f: {  	_ =	swait.ge [sflag:s11], $0x2800  }
0xa0: {  	[sflag:s11] =	ssyncset.done $0x0  }
0xa1: {  	s5 =	rddreg [dreg:$0x6];
	[sflag:s11] =	ssyncadd.s32 $0xFFFFD800  }
0xa2: {  	[hbm4b:s5+s2] =	stream.linear.scatter [tilespmem:s12], [sflag:$0x7], $0x2800, $0x38;
	[tilespmem:$0x19400] =	vst v63  }
0xa3: {  	_ =	swait.ge [sflag:s11], $0x2800  }
0xa4: {  	[sflag:s11] =	ssyncset.done $0x0  }
0xa5: {  	s4 =	rddreg [dreg:$0x19];
	[sflag:s11] =	ssyncadd.s32 $0xFFFFD800  }
0xa6: {  	[tilespmem:s12], [sflag:$0x7] =	stream.linear.gather [spmem:s4], $0x2800, $0x38;
	[tilespmem:$0x19400] =	vst v63  }
0xa7: {  	_ =	swait.ge [sflag:s11], $0x2800  }
0xa8: {  	[sflag:s11] =	ssyncset.done $0x0  }
0xa9: {  	s5 =	rddreg [dreg:$0x7];
	[sflag:s11] =	ssyncadd.s32 $0xFFFFD800  }
0xaa: {  	[hbm4b:s5+s2] =	stream.linear.scatter [tilespmem:s12], [sflag:$0x7], $0x2800, $0x38;
	[tilespmem:$0x19400] =	vst v63  }
0xab: {  	_ =	swait.ge [sflag:s11], $0x2800  }
0xac: {  	[sflag:s11] =	ssyncset.done $0x0  }
0xad: {  	s4 =	rddreg [dreg:$0x1a];
	[sflag:s11] =	ssyncadd.s32 $0xFFFFD800  }
0xae: {  	[tilespmem:s12], [sflag:$0x7] =	stream.linear.gather [spmem:s4], $0x2800, $0x38;
	[tilespmem:$0x19400] =	vst v63  }
0xaf: {  	_ =	swait.ge [sflag:s11], $0x2800  }
0xb0: {  	[sflag:s11] =	ssyncset.done $0x0  }
0xb1: {  	s5 =	rddreg [dreg:$0x8];
	[sflag:s11] =	ssyncadd.s32 $0xFFFFD800  }
0xb2: {  	[hbm4b:s5+s2] =	stream.linear.scatter [tilespmem:s12], [sflag:$0x7], $0x2800, $0x38;
	[tilespmem:$0x19400] =	vst v63  }
0xb3: {  	_ =	swait.ge [sflag:s11], $0x2800  }
0xb4: {  	[sflag:s11] =	ssyncset.done $0x0  }
0xb5: {  	s4 =	rddreg [dreg:$0x1b];
	[sflag:s11] =	ssyncadd.s32 $0xFFFFD800  }
0xb6: {  	[tilespmem:s12], [sflag:$0x7] =	stream.linear.gather [spmem:s4], $0x2800, $0x38;
	[tilespmem:$0x19400] =	vst v63  }
0xb7: {  	_ =	swait.ge [sflag:s11], $0x2800  }
0xb8: {  	[sflag:s11] =	ssyncset.done $0x0  }
0xb9: {  	s5 =	rddreg [dreg:$0x9];
	[sflag:s11] =	ssyncadd.s32 $0xFFFFD800  }
0xba: {  	[hbm4b:s5+s2] =	stream.linear.scatter [tilespmem:s12], [sflag:$0x7], $0x2800, $0x38;
	[tilespmem:$0x19400] =	vst v63  }
0xbb: {  	_ =	swait.ge [sflag:s11], $0x2800  }
0xbc: {  	[sflag:s11] =	ssyncset.done $0x0  }
0xbd: {  	s5 =	rddreg [dreg:$0x1d];
	[sflag:s11] =	ssyncadd.s32 $0xFFFFD800  }
0xbe: {  	[tilespmem:s12], [sflag:$0x7] =	stream.linear.gather [spmem:s5], $0x2800, $0x38;
	[tilespmem:$0x19400] =	vst v63  }
0xbf: {  	_ =	swait.ge [sflag:s11], $0x2800  }
0xc0: {  	[sflag:s11] =	ssyncset.done $0x0  }
0xc1: {  	s4 =	rddreg [dreg:$0xa];
	[sflag:s11] =	ssyncadd.s32 $0xFFFFD800  }
0xc2: {  	[hbm4b:s4+s2] =	stream.linear.scatter [tilespmem:s12], [sflag:$0x7], $0x2800, $0x38;
	[tilespmem:$0x19400] =	vst v63  }
0xc3: {  	_ =	swait.ge [sflag:s11], $0x2800  }
0xc4: {  	[sflag:s11] =	ssyncset.done $0x0  }
0xc5: {  	s4 =	rddreg [dreg:$0x1e];
	[sflag:s11] =	ssyncadd.s32 $0xFFFFD800  }
0xc6: {  	[tilespmem:s12], [sflag:$0x7] =	stream.linear.gather [spmem:s4], $0x2800, $0x38;
	[tilespmem:$0x19400] =	vst v63  }
0xc7: {  	_ =	swait.ge [sflag:s11], $0x2800  }
0xc8: {  	[sflag:s11] =	ssyncset.done $0x0  }
0xc9: {  	s3 =	rddreg [dreg:$0xb];
	[sflag:s11] =	ssyncadd.s32 $0xFFFFD800  }
0xca: {  	[hbm4b:s3+s2] =	stream.linear.scatter [tilespmem:s12], [sflag:$0x7], $0x2800, $0x38;
	[tilespmem:$0x19400] =	vst v63  }
0xcb: {  	_ =	swait.ge [sflag:s11], $0x2800  }
0xcc: {  	[sflag:s11] =	ssyncset.done $0x0  }
0xcd: {  	s3 =	rddreg [dreg:$0x15];
	[sflag:s11] =	ssyncadd.s32 $0xFFFFD800  }
0xce: {  	[tilespmem:s12], [sflag:$0x7] =	stream.linear.gather [hbm4b:s3+s2], $0x2800, $0x38;
	[tilespmem:$0x19400] =	vst v63  }
0xcf: {  	_ =	swait.ge [sflag:s11], $0x2800  }
0xd0: {  	[sflag:s11] =	ssyncset.done $0x0  }
0xd1: {  	[sflag:s11] =	ssyncadd.s32 $0xFFFFD800  }
0xd2: {  	[spmem:s1] =	stream.linear.scatter [tilespmem:s12], [sflag:$0x7], $0x2800, $0x38;
	[tilespmem:$0x19400] =	vst v63  }
0xd3: {  	_ =	swait.ge [sflag:s11], $0x2800  }
0xd4: {  	[sflag:s11] =	ssyncset.done $0x0;
	s3 =	rddreg [dreg:$0x18]  }
0xd5: {  	s1 =	rddreg [dreg:$0x1c];
	[sflag:s11] =	ssyncadd.s32 $0xFFFFD800  }
0xd6: {  	[spmem:s3] =	stream.linear.scatter [tilespmem:s12], [sflag:$0x7], $0x2800, $0x38;
	[tilespmem:$0x19400] =	vst v63  }
0xd7: {  	s3 =	rddreg [dreg:$0x19];
	_ =	swait.ge [sflag:s11], $0x2800  }
0xd8: {  	[sflag:s11] =	ssyncset.done $0x0  }
0xd9: {  	[sflag:s11] =	ssyncadd.s32 $0xFFFFD800  }
0xda: {  	[spmem:s1] =	stream.linear.scatter [tilespmem:s12], [sflag:$0x7], $0x2800, $0x38;
	[tilespmem:$0x19400] =	vst v63  }
0xdb: {  	_ =	swait.ge [sflag:s11], $0x2800  }
0xdc: {  	[sflag:s11] =	ssyncset.done $0x0  }
0xdd: {  	[sflag:s11] =	ssyncadd.s32 $0xFFFFD800  }
0xde: {  	[spmem:s3] =	stream.linear.scatter [tilespmem:s12], [sflag:$0x7], $0x2800, $0x38;
	[tilespmem:$0x19400] =	vst v63  }
0xdf: {  	_ =	swait.ge [sflag:s11], $0x2800  }
0xe0: {  	[sflag:s11] =	ssyncset.done $0x0  }
0xe1: {  	s3 =	rddreg [dreg:$0x1a];
	[sflag:s11] =	ssyncadd.s32 $0xFFFFD800  }
0xe2: {  	[spmem:s3] =	stream.linear.scatter [tilespmem:s12], [sflag:$0x7], $0x2800, $0x38;
	[tilespmem:$0x19400] =	vst v63  }
0xe3: {  	_ =	swait.ge [sflag:s11], $0x2800  }
0xe4: {  	[sflag:s11] =	ssyncset.done $0x0  }
0xe5: {  	s3 =	rddreg [dreg:$0x1b];
	[sflag:s11] =	ssyncadd.s32 $0xFFFFD800  }
0xe6: {  	[spmem:s3] =	stream.linear.scatter [tilespmem:s12], [sflag:$0x7], $0x2800, $0x38;
	[tilespmem:$0x19400] =	vst v63  }
0xe7: {  	_ =	swait.ge [sflag:s11], $0x2800  }
0xe8: {  	[sflag:s11] =	ssyncset.done $0x0  }
0xe9: {  	[sflag:s11] =	ssyncadd.s32 $0xFFFFD800  }
0xea: {  	[spmem:s5] =	stream.linear.scatter [tilespmem:s12], [sflag:$0x7], $0x2800, $0x38;
	[tilespmem:$0x19400] =	vst v63  }
0xeb: {  	_ =	swait.ge [sflag:s11], $0x2800  }
0xec: {  	[sflag:s11] =	ssyncset.done $0x0  }
0xed: {  	[sflag:s11] =	ssyncadd.s32 $0xFFFFD800  }
0xee: {  	[spmem:s4] =	stream.linear.scatter [tilespmem:s12], [sflag:$0x7], $0x2800, $0x38;
	[tilespmem:$0x19400] =	vst v63  }
0xef: {  	_ =	swait.ge [sflag:s11], $0x2800  }
0xf0: {  	[sflag:s11] =	ssyncset.done $0x0  }
0xf1: {  	[sflag:s11] =	ssyncadd.s32 $0xFFFFD800  }
0xf2: {  	[bflag:$0x0] =	sbarrier.arrive $0xFFFF  }
0xf3: {  	s1 =	rddreg [dreg:$0x14]  }
0xf4: {  	s3 =	sld [smem:$0x7FA]  }
0xf5: {  	[tilespmem:s2], [sflag:$0x3] =	stream.linear.gather [hbm4b:s1+s2], $0x100, $0x38;
	[tilespmem:$0x19400] =	vst v63  }
0xf6: {  	s4 =	sld [smem:$0x7FB]  }
0xf7: {  	[tilespmem:s13], [sflag:$0x4] =	stream.linear.gather [hbm4b:s3+s2], $0x100, $0x38;
	[tilespmem:$0x19400] =	vst v63  }
0xf8: {  	s5 =	sld [smem:$0x7FC]  }
0xf9: {  	[tilespmem:s8], [sflag:$0x5] =	stream.linear.gather [hbm4b:s4+s2], $0x100, $0x38;
	[tilespmem:$0x19400] =	vst v63  }
0xfa: {  	_ = 	snop  }
0xfb: {  	[tilespmem:s9], [sflag:$0x6] =	stream.linear.gather [hbm4b:s5+s2], $0x100, $0x38;
	[tilespmem:$0x19400] =	vst v63  }
0xfc: {  	_ =	swait.ge [sflag:s14], $0x100  }
0xfd: {  	[sflag:s14] =	ssyncset.done $0x0  }
0xfe: {  	[sflag:s14] =	ssyncadd.s32 $0xFFFFFF00  }
0xff: {  	[tilespmem:s12], [sflag:$0x1] =	stream.indirect.gather [hbm4b:s24+s15], $0x80, s2, s15, $0xb8;
	[tilespmem:$0x19400] =	vst v63  }
0x100: {  	_ =	swait.ge [sflag:s30], $0x100  }
0x101: {  	[sflag:s30] =	ssyncset.done $0x0  }
0x102: {  	[sflag:s30] =	ssyncadd.s32 $0xFFFFFF00  }
0x103: {  	[tilespmem:s10], [sflag:$0x2] =	stream.indirect.gather [hbm4b:s24+s15], $0x80, s13, s15, $0xb8;
	[tilespmem:$0x19400] =	vst v63  }
0x104: {  	_ =	swait.ge [sflag:s29], $0x2800  }
0x105: {  	[sflag:s29] =	ssyncset.done $0x0  }
0x106: {  	[sflag:s29] =	ssyncadd.s32 $0xFFFFD800  }
0x107: {  	[spmem:s25] =	stream.indirect.scatter.add.f32 [tilespmem:s12], [sflag:$0x7], $0x80, s16, s15, $0xb8;
	[tilespmem:$0x19400] =	vst v63  }
0x108: {  	_ =	swait.ge [sflag:s11], $0x2800  }
0x109: {  	[sflag:s11] =	ssyncset.done $0x0  }
0x10a: {  	[sflag:s11] =	ssyncadd.s32 $0xFFFFD800  }
0x10b: {  	_ =	swait.ge [sflag:s18], $0x100  }
0x10c: {  	[sflag:s18] =	ssyncset.done $0x0  }
0x10d: {  	[sflag:s18] =	ssyncadd.s32 $0xFFFFFF00  }
0x10e: {  	[tilespmem:s12], [sflag:$0x1] =	stream.indirect.gather [hbm4b:s24+s15], $0x80, s8, s15, $0xb8;
	[tilespmem:$0x19400] =	vst v63  }
0x10f: {  	s3 =	sadd.s32 $0x0, s28  }
0x110: {  	[tilespmem:s17], [sflag:$0x3] =	stream.linear.gather [hbm4b:s3+s17], $0x100, $0x38;
	[tilespmem:$0x19400] =	vst v63  }
0x111: {  	_ =	swait.ge [sflag:s7], $0x2800  }
0x112: {  	[sflag:s7] =	ssyncset.done $0x0  }
0x113: {  	[sflag:s7] =	ssyncadd.s32 $0xFFFFD800  }
0x114: {  	[spmem:s25] =	stream.indirect.scatter.add.f32 [tilespmem:s10], [sflag:$0x7], $0x80, s6, s15, $0xb8;
	[tilespmem:$0x19400] =	vst v63  }
0x115: {  	_ =	swait.ge [sflag:s11], $0x2800  }
0x116: {  	[sflag:s11] =	ssyncset.done $0x0  }
0x117: {  	[sflag:s11] =	ssyncadd.s32 $0xFFFFD800  }
0x118: {  	_ =	swait.ge [sflag:s31], $0x100  }
0x119: {  	[sflag:s31] =	ssyncset.done $0x0  }
0x11a: {  	[sflag:s31] =	ssyncadd.s32 $0xFFFFFF00  }
0x11b: {  	[tilespmem:s10], [sflag:$0x2] =	stream.indirect.gather [hbm4b:s24+s15], $0x80, s9, s15, $0xb8;
	[tilespmem:$0x19400] =	vst v63  }
0x11c: {  	s4 =	sadd.s32 $0x0, s26  }
0x11d: {  	[tilespmem:s13], [sflag:$0x4] =	stream.linear.gather [hbm4b:s4+s17], $0x100, $0x38;
	[tilespmem:$0x19400] =	vst v63  }
0x11e: {  	_ =	swait.ge [sflag:s29], $0x2800  }
0x11f: {  	[sflag:s29] =	ssyncset.done $0x0  }
0x120: {  	[sflag:s29] =	ssyncadd.s32 $0xFFFFD800  }
0x121: {  	[spmem:s25] =	stream.indirect.scatter.add.f32 [tilespmem:s12], [sflag:$0x7], $0x80, s23, s15, $0xb8;
	[tilespmem:$0x19400] =	vst v63  }
0x122: {  	_ =	swait.ge [sflag:s11], $0x2800  }
0x123: {  	[sflag:s11] =	ssyncset.done $0x0  }
0x124: {  	[sflag:s11] =	ssyncadd.s32 $0xFFFFD800  }
0x125: {  	_ =	swait.ge [sflag:s14], $0x100  }
0x126: {  	[sflag:s14] =	ssyncset.done $0x0  }
0x127: {  	[sflag:s14] =	ssyncadd.s32 $0xFFFFFF00  }
0x128: {  	[tilespmem:s12], [sflag:$0x1] =	stream.indirect.gather [hbm4b:s24+s15], $0x80, s17, s15, $0xb8;
	[tilespmem:$0x19400] =	vst v63  }
0x129: {  	s5 =	sadd.s32 $0x0, s22  }
0x12a: {  	[tilespmem:s8], [sflag:$0x5] =	stream.linear.gather [hbm4b:s5+s17], $0x100, $0x38;
	[tilespmem:$0x19400] =	vst v63  }
0x12b: {  	_ =	swait.ge [sflag:s7], $0x2800  }
0x12c: {  	[sflag:s7] =	ssyncset.done $0x0  }
0x12d: {  	[sflag:s7] =	ssyncadd.s32 $0xFFFFD800  }
0x12e: {  	[spmem:s25] =	stream.indirect.scatter.add.f32 [tilespmem:s10], [sflag:$0x7], $0x80, s0, s15, $0xb8;
	[tilespmem:$0x19400] =	vst v63  }
0x12f: {  	_ =	swait.ge [sflag:s11], $0x2800  }
0x130: {  	[sflag:s11] =	ssyncset.done $0x0  }
0x131: {  	[sflag:s11] =	ssyncadd.s32 $0xFFFFD800  }
0x132: {  	_ =	swait.ge [sflag:s30], $0x100  }
0x133: {  	[sflag:s30] =	ssyncset.done $0x0  }
0x134: {  	s2 =	simm.s32 $0x80;
	s3 =	sadd.s32 $0x0, s21;
	[sflag:s30] =	ssyncadd.s32 $0xFFFFFF00  }
0x135: {  	[tilespmem:s10], [sflag:$0x2] =	stream.indirect.gather [hbm4b:s24+s15], $0x80, s13, s15, $0xb8;
	[tilespmem:$0x19400] =	vst v63  }
.LBB2_4:
0x136: {  	[tilespmem:s9], [sflag:$0x6] =	stream.linear.gather [hbm4b:s3+s17], $0x100, $0x38;
	[tilespmem:$0x19400] =	vst v63  }
0x137: {  	s3 =	smov.u32 s2  }
0x138: {  	p0 =	sne.s32 s2, $0xF00;
	s2 =	sadd.s32 $0x80, s2;
	_ =	swait.ge [sflag:s29], $0x2800  }
0x139: {  	[sflag:s29] =	ssyncset.done $0x0  }
0x13a: {  	[sflag:s29] =	ssyncadd.s32 $0xFFFFD800  }
0x13b: {  	[spmem:s25] =	stream.indirect.scatter.add.f32 [tilespmem:s12], [sflag:$0x7], $0x80, s16, s15, $0xb8;
	[tilespmem:$0x19400] =	vst v63  }
0x13c: {  	_ =	swait.ge [sflag:s11], $0x2800  }
0x13d: {  	[sflag:s11] =	ssyncset.done $0x0  }
0x13e: {  	[sflag:s11] =	ssyncadd.s32 $0xFFFFD800  }
0x13f: {  	_ =	swait.ge [sflag:s18], $0x100  }
0x140: {  	[sflag:s18] =	ssyncset.done $0x0  }
0x141: {  	[sflag:s18] =	ssyncadd.s32 $0xFFFFFF00  }
0x142: {  	[tilespmem:s12], [sflag:$0x1] =	stream.indirect.gather [hbm4b:s24+s15], $0x80, s8, s15, $0xb8;
	[tilespmem:$0x19400] =	vst v63  }
0x143: {  	s4 =	sadd.s32 s3, s28  }
0x144: {  	[tilespmem:s17], [sflag:$0x3] =	stream.linear.gather [hbm4b:s4+s17], $0x100, $0x38;
	[tilespmem:$0x19400] =	vst v63  }
0x145: {  	_ =	swait.ge [sflag:s7], $0x2800  }
0x146: {  	[sflag:s7] =	ssyncset.done $0x0  }
0x147: {  	[sflag:s7] =	ssyncadd.s32 $0xFFFFD800  }
0x148: {  	[spmem:s25] =	stream.indirect.scatter.add.f32 [tilespmem:s10], [sflag:$0x7], $0x80, s6, s15, $0xb8;
	[tilespmem:$0x19400] =	vst v63  }
0x149: {  	_ =	swait.ge [sflag:s11], $0x2800  }
0x14a: {  	[sflag:s11] =	ssyncset.done $0x0  }
0x14b: {  	[sflag:s11] =	ssyncadd.s32 $0xFFFFD800  }
0x14c: {  	_ =	swait.ge [sflag:s31], $0x100  }
0x14d: {  	[sflag:s31] =	ssyncset.done $0x0  }
0x14e: {  	[sflag:s31] =	ssyncadd.s32 $0xFFFFFF00  }
0x14f: {  	[tilespmem:s10], [sflag:$0x2] =	stream.indirect.gather [hbm4b:s24+s15], $0x80, s9, s15, $0xb8;
	[tilespmem:$0x19400] =	vst v63  }
0x150: {  	s4 =	sadd.s32 s3, s26  }
0x151: {  	[tilespmem:s13], [sflag:$0x4] =	stream.linear.gather [hbm4b:s4+s17], $0x100, $0x38;
	[tilespmem:$0x19400] =	vst v63  }
0x152: {  	_ =	swait.ge [sflag:s29], $0x2800  }
0x153: {  	[sflag:s29] =	ssyncset.done $0x0  }
0x154: {  	[sflag:s29] =	ssyncadd.s32 $0xFFFFD800  }
0x155: {  	[spmem:s25] =	stream.indirect.scatter.add.f32 [tilespmem:s12], [sflag:$0x7], $0x80, s23, s15, $0xb8;
	[tilespmem:$0x19400] =	vst v63  }
0x156: {  	_ =	swait.ge [sflag:s11], $0x2800  }
0x157: {  	[sflag:s11] =	ssyncset.done $0x0  }
0x158: {  	[sflag:s11] =	ssyncadd.s32 $0xFFFFD800  }
0x159: {  	_ =	swait.ge [sflag:s14], $0x100  }
0x15a: {  	[sflag:s14] =	ssyncset.done $0x0  }
0x15b: {  	[sflag:s14] =	ssyncadd.s32 $0xFFFFFF00  }
0x15c: {  	[tilespmem:s12], [sflag:$0x1] =	stream.indirect.gather [hbm4b:s24+s15], $0x80, s17, s15, $0xb8;
	[tilespmem:$0x19400] =	vst v63  }
0x15d: {  	s4 =	sadd.s32 s3, s22  }
0x15e: {  	[tilespmem:s8], [sflag:$0x5] =	stream.linear.gather [hbm4b:s4+s17], $0x100, $0x38;
	[tilespmem:$0x19400] =	vst v63  }
0x15f: {  	_ =	swait.ge [sflag:s7], $0x2800  }
0x160: {  	[sflag:s7] =	ssyncset.done $0x0  }
0x161: {  	[sflag:s7] =	ssyncadd.s32 $0xFFFFD800  }
0x162: {  	[spmem:s25] =	stream.indirect.scatter.add.f32 [tilespmem:s10], [sflag:$0x7], $0x80, s0, s15, $0xb8;
	[tilespmem:$0x19400] =	vst v63  }
0x163: {  	_ =	swait.ge [sflag:s11], $0x2800  }
0x164: {  	[sflag:s11] =	ssyncset.done $0x0  }
0x165: {  	[sflag:s11] =	ssyncadd.s32 $0xFFFFD800  }
.Ltmp1:
0x166: {  	_ =	swait.ge [sflag:s30], $0x100;
	(pc) =	sbr.rel @p0 .LBB2_4-.Ltmp1, $4  }
0x167: {  	[sflag:s30] =	ssyncset.done $0x0  }
0x168: {  	[sflag:s30] =	ssyncadd.s32 $0xFFFFFF00  }
0x169: {  	[tilespmem:s10], [sflag:$0x2] =	stream.indirect.gather [hbm4b:s24+s15], $0x80, s13, s15, $0xb8;
	[tilespmem:$0x19400] =	vst v63  }
0x16a: {  	s3 =	sadd.s32 s3, s21  }
0x16b: {  	[tilespmem:s9], [sflag:$0x6] =	stream.linear.gather [hbm4b:s3+s17], $0x100, $0x38;
	[tilespmem:$0x19400] =	vst v63  }
0x16c: {  	_ =	swait.ge [sflag:s29], $0x2800  }
0x16d: {  	[sflag:s29] =	ssyncset.done $0x0  }
0x16e: {  	[sflag:s29] =	ssyncadd.s32 $0xFFFFD800  }
0x16f: {  	[spmem:s25] =	stream.indirect.scatter.add.f32 [tilespmem:s12], [sflag:$0x7], $0x80, s16, s15, $0xb8;
	[tilespmem:$0x19400] =	vst v63  }
0x170: {  	_ =	swait.ge [sflag:s11], $0x2800  }
0x171: {  	[sflag:s11] =	ssyncset.done $0x0  }
0x172: {  	[sflag:s11] =	ssyncadd.s32 $0xFFFFD800  }
0x173: {  	_ =	swait.ge [sflag:s7], $0x2800  }
0x174: {  	[sflag:s7] =	ssyncset.done $0x0  }
0x175: {  	[sflag:s7] =	ssyncadd.s32 $0xFFFFD800  }
0x176: {  	_ =	swait.ge [sflag:s18], $0x100  }
0x177: {  	[sflag:s18] =	ssyncset.done $0x0  }
0x178: {  	[sflag:s18] =	ssyncadd.s32 $0xFFFFFF00  }
0x179: {  	_ =	swait.ge [sflag:s31], $0x100  }
0x17a: {  	[sflag:s31] =	ssyncset.done $0x0  }
0x17b: {  	[sflag:s31] =	ssyncadd.s32 $0xFFFFFF00  }
0x17c: {  	[bflag:$0x0] =	sbarrier.arrive $0xFFFF  }
0x17d: {  	s1 =	rddreg [dreg:$0x17]  }
0x17e: {  	[tilespmem:s12], [sflag:$0x7] =	stream.linear.gather [spmem:s1], $0x2800, $0x38;
	[tilespmem:$0x19400] =	vst v63  }
0x17f: {  	_ =	swait.ge [sflag:s11], $0x2800  }
0x180: {  	[sflag:s11] =	ssyncset.done $0x0  }
0x181: {  	s2 =	rddreg [dreg:$0xc];
	[sflag:s11] =	ssyncadd.s32 $0xFFFFD800  }
0x182: {  	[hbm4b:s2+s17] =	stream.linear.scatter [tilespmem:s12], [sflag:$0x7], $0x2800, $0x38;
	[tilespmem:$0x19400] =	vst v63  }
0x183: {  	_ =	swait.ge [sflag:s11], $0x2800  }
0x184: {  	[sflag:s11] =	ssyncset.done $0x0  }
0x185: {  	s3 =	rddreg [dreg:$0x18];
	[sflag:s11] =	ssyncadd.s32 $0xFFFFD800  }
0x186: {  	[tilespmem:s12], [sflag:$0x7] =	stream.linear.gather [spmem:s3], $0x2800, $0x38;
	[tilespmem:$0x19400] =	vst v63  }
0x187: {  	_ =	swait.ge [sflag:s11], $0x2800  }
0x188: {  	[sflag:s11] =	ssyncset.done $0x0  }
0x189: {  	s4 =	rddreg [dreg:$0xd];
	[sflag:s11] =	ssyncadd.s32 $0xFFFFD800  }
0x18a: {  	[hbm4b:s4+s17] =	stream.linear.scatter [tilespmem:s12], [sflag:$0x7], $0x2800, $0x38;
	[tilespmem:$0x19400] =	vst v63  }
0x18b: {  	_ =	swait.ge [sflag:s11], $0x2800  }
0x18c: {  	[sflag:s11] =	ssyncset.done $0x0  }
0x18d: {  	s5 =	rddreg [dreg:$0x1c];
	[sflag:s11] =	ssyncadd.s32 $0xFFFFD800  }
0x18e: {  	[tilespmem:s12], [sflag:$0x7] =	stream.linear.gather [spmem:s5], $0x2800, $0x38;
	[tilespmem:$0x19400] =	vst v63  }
0x18f: {  	_ =	swait.ge [sflag:s11], $0x2800  }
0x190: {  	[sflag:s11] =	ssyncset.done $0x0  }
0x191: {  	s1 =	rddreg [dreg:$0xe];
	[sflag:s11] =	ssyncadd.s32 $0xFFFFD800  }
0x192: {  	[hbm4b:s1+s17] =	stream.linear.scatter [tilespmem:s12], [sflag:$0x7], $0x2800, $0x38;
	[tilespmem:$0x19400] =	vst v63  }
0x193: {  	_ =	swait.ge [sflag:s11], $0x2800  }
0x194: {  	[sflag:s11] =	ssyncset.done $0x0  }
0x195: {  	s3 =	rddreg [dreg:$0x19];
	[sflag:s11] =	ssyncadd.s32 $0xFFFFD800  }
0x196: {  	[tilespmem:s12], [sflag:$0x7] =	stream.linear.gather [spmem:s3], $0x2800, $0x38;
	[tilespmem:$0x19400] =	vst v63  }
0x197: {  	_ =	swait.ge [sflag:s11], $0x2800  }
0x198: {  	[sflag:s11] =	ssyncset.done $0x0  }
0x199: {  	s4 =	rddreg [dreg:$0xf];
	[sflag:s11] =	ssyncadd.s32 $0xFFFFD800  }
0x19a: {  	[hbm4b:s4+s17] =	stream.linear.scatter [tilespmem:s12], [sflag:$0x7], $0x2800, $0x38;
	[tilespmem:$0x19400] =	vst v63  }
0x19b: {  	_ =	swait.ge [sflag:s11], $0x2800  }
0x19c: {  	[sflag:s11] =	ssyncset.done $0x0  }
0x19d: {  	s5 =	rddreg [dreg:$0x1a];
	[sflag:s11] =	ssyncadd.s32 $0xFFFFD800  }
0x19e: {  	[tilespmem:s12], [sflag:$0x7] =	stream.linear.gather [spmem:s5], $0x2800, $0x38;
	[tilespmem:$0x19400] =	vst v63  }
0x19f: {  	_ =	swait.ge [sflag:s11], $0x2800  }
0x1a0: {  	[sflag:s11] =	ssyncset.done $0x0  }
0x1a1: {  	s1 =	rddreg [dreg:$0x10];
	[sflag:s11] =	ssyncadd.s32 $0xFFFFD800  }
0x1a2: {  	[hbm4b:s1+s17] =	stream.linear.scatter [tilespmem:s12], [sflag:$0x7], $0x2800, $0x38;
	[tilespmem:$0x19400] =	vst v63  }
0x1a3: {  	_ =	swait.ge [sflag:s11], $0x2800  }
0x1a4: {  	[sflag:s11] =	ssyncset.done $0x0  }
0x1a5: {  	s1 =	rddreg [dreg:$0x1b];
	[sflag:s11] =	ssyncadd.s32 $0xFFFFD800  }
0x1a6: {  	[tilespmem:s12], [sflag:$0x7] =	stream.linear.gather [spmem:s1], $0x2800, $0x38;
	[tilespmem:$0x19400] =	vst v63  }
0x1a7: {  	_ =	swait.ge [sflag:s11], $0x2800  }
0x1a8: {  	[sflag:s11] =	ssyncset.done $0x0  }
0x1a9: {  	s3 =	rddreg [dreg:$0x11];
	[sflag:s11] =	ssyncadd.s32 $0xFFFFD800  }
0x1aa: {  	[hbm4b:s3+s17] =	stream.linear.scatter [tilespmem:s12], [sflag:$0x7], $0x2800, $0x38;
	[tilespmem:$0x19400] =	vst v63  }
0x1ab: {  	_ =	swait.ge [sflag:s11], $0x2800  }
0x1ac: {  	[sflag:s11] =	ssyncset.done $0x0  }
0x1ad: {  	s3 =	rddreg [dreg:$0x1d];
	[sflag:s11] =	ssyncadd.s32 $0xFFFFD800  }
0x1ae: {  	[tilespmem:s12], [sflag:$0x7] =	stream.linear.gather [spmem:s3], $0x2800, $0x38;
	[tilespmem:$0x19400] =	vst v63  }
0x1af: {  	_ =	swait.ge [sflag:s11], $0x2800  }
0x1b0: {  	[sflag:s11] =	ssyncset.done $0x0  }
0x1b1: {  	s4 =	rddreg [dreg:$0x12];
	[sflag:s11] =	ssyncadd.s32 $0xFFFFD800  }
0x1b2: {  	[hbm4b:s4+s17] =	stream.linear.scatter [tilespmem:s12], [sflag:$0x7], $0x2800, $0x38;
	[tilespmem:$0x19400] =	vst v63  }
0x1b3: {  	_ =	swait.ge [sflag:s11], $0x2800  }
0x1b4: {  	[sflag:s11] =	ssyncset.done $0x0  }
0x1b5: {  	s4 =	rddreg [dreg:$0x1e];
	[sflag:s11] =	ssyncadd.s32 $0xFFFFD800  }
0x1b6: {  	[tilespmem:s12], [sflag:$0x7] =	stream.linear.gather [spmem:s4], $0x2800, $0x38;
	[tilespmem:$0x19400] =	vst v63  }
0x1b7: {  	_ =	swait.ge [sflag:s11], $0x2800  }
0x1b8: {  	[sflag:s11] =	ssyncset.done $0x0  }
0x1b9: {  	s5 =	rddreg [dreg:$0x13];
	[sflag:s11] =	ssyncadd.s32 $0xFFFFD800  }
0x1ba: {  	[hbm4b:s5+s17] =	stream.linear.scatter [tilespmem:s12], [sflag:$0x7], $0x2800, $0x38;
	[tilespmem:$0x19400] =	vst v63  }
0x1bb: {  	_ =	swait.ge [sflag:s11], $0x2800  }
0x1bc: {  	s5 =	sld [smem:$0x7FD];
	_ =	sdelay $0x2  }
0x1bd: {  	s2 =	rddreg [dreg:$0x1f];
	s5 =	sadd.s32 $0x1, s5  }
0x1be: {  	p0 =	sne.s32 s5, s2  }
.Ltmp2:
0x1bf: {  	_ = 	snop;
	(pc) =	sbr.rel @p0 .LBB2_1-.Ltmp2, $3  }
0x1c0: {  	_ =	sdelay $0x1  }
0x1c1: {  	[sflag:s11] =	ssyncset.done $0x0;
	[smem:$0x7FD] =	sst s5  }
0x1c2: {  	[sflag:s11] =	ssyncadd.s32 $0xFFFFD800;
	s5 =	rddreg [dreg:$0x1c]  }
0x1c3: {  	_ =	sfence.sel $0x180000  }
0x1c4: {  	[bflag:$0x0] =	sbarrier.arrive $0xFFFF  }
0x1c5: {  	_ =	strace $0x90000047  }
0x1c6: {  	s0 =	stileid.u32;
	[bflag:$0x2] =	sbarrier.arrive $0xFFFF  }
0x1c7: {  	p0 =	sne.s32 s0, $0x0;
	s0 =	rddreg [dreg:$0x3]  }
0x1c8: {  	s0 =	sadd.s32 @!p0 $0x100000, s0  }
0x1c9: {  	[sflag:s0] =	ssyncadd.tile.s32 @!p0 $0x1;
	_ =	shalt  }
.Lfunc_end2:
_tile_overlayer_lowered:
.L_overlay_start_2:
0x1ca: {  	(tag) =	ssettag $0x2  }
0x1cb: {  	s0 =	rddreg [dreg:$0x0];
	s2 =	stileid.u32  }
0x1cc: {  	s1 =	rddreg [dreg:$0x1];
	p0 =	sne.s32 s2, $0x0  }
0x1cd: {  	s3 =	rddreg [dreg:$0x2];
	[bflag:$0x3] =	sbarrier.arrive $0xFFFF;
	s2 =	simm.s32 @!p0 $0x1C07  }
0x1ce: {  	[timem:s3], [sflag:s2] =	dma.local @!p0 [hbm:s0], s1  }
0x1cf: {  	s0 =	simm.s32 @!p0 $0x7  }
0x1d0: {  	_ =	swait.ge @!p0 [sflag:s0], s1  }
0x1d1: {  	s1 =	ssub.s32 @!p0 $0x0, s1;
	[sflag:s0] =	ssyncset.done @!p0 $0x0  }
0x1d2: {  	[sflag:s0] =	ssyncadd.s32 @!p0 s1  }
0x1d3: {  	[bflag:$0x3] =	sbarrier.arrive $0xFFFF  }
0x1d4: {  	_ =	shalt  }

</sc_bundles>
